<compile_context>
chip_gen: v7x
topology: tpu7x:2x2x1
jax: 0.10.2.dev20260603
libtpu: 0.0.44.dev20260713+nightly
codegen_flags: <defaults>
</compile_context>

<pallas_src>
import jax
import jax.numpy as jnp
from jax import lax
from jax.experimental import pallas as pl
from jax.experimental.pallas import tpu as pltpu
from jax.experimental.pallas import tpu_sc as plsc

VOCAB = 1000000
EMB = 64
PHOTO_DIM = 1024
B = 1024
L = 50

R = B * L
NC, NS = 2, 16
NW = NC * NS
ROWS_PER_W = R // NW
CHUNK = 32
NCHUNK = ROWS_PER_W // CHUNK

BB = 8
RB = BB * L



def _sc_gather_body(table_hbm, idx_hbm, out_hbm,
                    idx_v, out_v,
                    gsem0, gsem1, wsem0, wsem1):
    wid = lax.axis_index("s") * NC + lax.axis_index("c")
    base = wid * ROWS_PER_W
    pltpu.sync_copy(idx_hbm.at[wid], idx_v)
    gsems = (gsem0, gsem1)
    wsems = (wsem0, wsem1)

    def chunk_pair(g, carry):
        for b in range(2):
            c = 2 * g + b

            @pl.when(g > 0)
            def _():
                pltpu.make_async_copy(
                    out_v.at[b], out_hbm.at[pl.ds(0, CHUNK)],
                    wsems[b]).wait()

            for grp in range(CHUNK // 16):
                vec = idx_v[c, pl.ds(grp * 16, 16)]
                for lane in range(16):
                    i = vec[lane]
                    pltpu.make_async_copy(
                        table_hbm.at[i >> 3].at[pl.ds(i & 7, 1), :],
                        out_v.at[b, pl.ds(grp * 16 + lane, 1), :],
                        gsems[b],
                    ).start()
            for k in range(CHUNK // 8):
                pltpu.make_async_copy(
                    table_hbm.at[0], out_v.at[b, pl.ds(k * 8, 8), :],
                    gsems[b]).wait()
            pltpu.make_async_copy(
                out_v.at[b], out_hbm.at[pl.ds(base + c * CHUNK, CHUNK)],
                wsems[b]).start()
        return carry

    lax.fori_loop(0, NCHUNK // 2, chunk_pair, 0)
    for b in range(2):
        pltpu.make_async_copy(
            out_v.at[b], out_hbm.at[pl.ds(0, CHUNK)], wsems[b]).wait()


def _sc_gather(word_table, idx3):
    mesh = plsc.VectorSubcoreMesh(core_axis_name="c", subcore_axis_name="s")
    return pl.kernel(
        _sc_gather_body,
        mesh=mesh,
        out_type=jax.ShapeDtypeStruct((R, EMB), jnp.float32),
        scratch_types=[
            pltpu.VMEM((NCHUNK, CHUNK), jnp.int32),
            pltpu.VMEM((2, CHUNK, EMB), jnp.float32),
            pltpu.SemaphoreType.DMA,
            pltpu.SemaphoreType.DMA,
            pltpu.SemaphoreType.DMA,
            pltpu.SemaphoreType.DMA,
        ],
    )(word_table, idx3)



def _tc_body_a(vis_ref, seg_ref, pos_ref, segtab_ref, w_ref, out_ref):
    vis = vis_ref[...].reshape(RB, PHOTO_DIM)
    acc = jnp.dot(vis, w_ref[...], preferred_element_type=jnp.float32)
    acc = acc.reshape(L, BB, EMB)
    sg = seg_ref[...]
    t0 = segtab_ref[0:1, :].reshape(1, 1, EMB)
    t1 = segtab_ref[1:2, :].reshape(1, 1, EMB)
    t2 = segtab_ref[2:3, :].reshape(1, 1, EMB)
    seg_e = jnp.where(sg == 0.0, t0, jnp.where(sg == 1.0, t1, t2))
    out_ref[...] = acc + pos_ref[...] + seg_e


def _tc_part(vis_t, seg3, pos3, seg_table, w_vis, interpret=False):
    grid = (B // BB,)
    return pl.pallas_call(
        _tc_body_a,
        grid=grid,
        in_specs=[
            pl.BlockSpec((L, BB, PHOTO_DIM), lambda i: (0, i, 0)),
            pl.BlockSpec((L, BB, 1), lambda i: (0, i, 0)),
            pl.BlockSpec((L, 1, EMB), lambda i: (0, 0, 0)),
            pl.BlockSpec((3, EMB), lambda i: (0, 0)),
            pl.BlockSpec((PHOTO_DIM, EMB), lambda i: (0, 0)),
        ],
        out_specs=pl.BlockSpec((L, BB, EMB), lambda i: (0, i, 0)),
        out_shape=jax.ShapeDtypeStruct((L, B, EMB), jnp.float32),
        compiler_params=pltpu.CompilerParams(
            dimension_semantics=("arbitrary",),
        ),
        interpret=interpret,
    )(vis_t, seg3, pos3, seg_table, w_vis)


def _tc_body_b(part_ref, word_ref, g_ref, bta_ref, out_ref):
    emb = part_ref[...] + word_ref[...]
    mean = jnp.mean(emb, axis=2, keepdims=True)
    d = emb - mean
    var = jnp.mean(d * d, axis=2, keepdims=True)
    out_ref[...] = (d * lax.rsqrt(var + 1e-6) * g_ref[...].reshape(1, 1, EMB)
                    + bta_ref[...].reshape(1, 1, EMB))


def _tc_finish(part, word4, g2, b2, interpret=False):
    BB2 = 32
    grid = (B // BB2,)
    return pl.pallas_call(
        _tc_body_b,
        grid=grid,
        in_specs=[
            pl.BlockSpec((L, BB2, EMB), lambda i: (0, i, 0)),
            pl.BlockSpec((L, BB2, EMB), lambda i: (0, i, 0)),
            pl.BlockSpec((1, EMB), lambda i: (0, 0)),
            pl.BlockSpec((1, EMB), lambda i: (0, 0)),
        ],
        out_specs=pl.BlockSpec((L, BB2, EMB), lambda i: (0, i, 0)),
        out_shape=jax.ShapeDtypeStruct((L, B, EMB), jnp.float32),
        compiler_params=pltpu.CompilerParams(
            dimension_semantics=("arbitrary",),
        ),
        interpret=interpret,
    )(part, word4, g2, b2)


def kernel(visual, src, seg, word_table, pos_table, seg_table, W_vis,
           b_vis, ln_gamma, ln_beta):
    table3 = word_table.reshape(VOCAB // 8, 8, EMB)
    src_t = jnp.transpose(src, (1, 0))
    seg_t = jnp.transpose(seg, (1, 0))
    vis_t = jnp.transpose(visual, (1, 0, 2))
    idx3 = src_t.reshape(NW, NCHUNK, CHUNK)
    word2 = _sc_gather(table3, idx3)
    word4 = word2.reshape(L, B, EMB)
    seg3 = seg_t.astype(jnp.float32).reshape(L, B, 1)
    pos3 = (pos_table[:L] + b_vis).reshape(L, 1, EMB)
    g2 = ln_gamma.reshape(1, EMB)
    b2 = ln_beta.reshape(1, EMB)
    part = _tc_part(vis_t, seg3, pos3, seg_table, W_vis)
    out_t = _tc_finish(part, word4, g2, b2)
    return jnp.transpose(out_t, (1, 0, 2))

# --- scband reference (transcript-rebuilt; emitter-appended) ---
"""Pipeline reference for scband-bert-visual-embedding-16630113370594 (READ-ONLY COPY).

The authoritative reference and input builder live on the scoring server;
editing this copy changes nothing except your own understanding.
"""

import jax, jax.numpy as jnp
import numpy as np

VOCAB = 1000000
EMB = 64
PHOTO_DIM = 1024
MAX_LEN = 512
B = 1024
L = 50


def layer_norm(x, gamma, beta, eps=1e-6):
    mean = jnp.mean(x, axis=-1, keepdims=True)
    var = jnp.mean((x - mean) ** 2, axis=-1, keepdims=True)
    return (x - mean) / jnp.sqrt(var + eps) * gamma + beta


def setup_inputs(seed: int = 0) -> dict:
    key = jax.random.key(seed)
    ks = jax.random.split(key, 10)
    visual = jax.random.normal(ks[0], (B, L, PHOTO_DIM), dtype=jnp.float32)
    src = jax.random.randint(ks[1], (B, L), 0, VOCAB, dtype=jnp.int64 if jax.config.jax_enable_x64 else jnp.int32).astype(jnp.int32)
    seg = jax.random.randint(ks[2], (B, L), 0, 3).astype(jnp.int32)
    word_table = jax.random.normal(ks[3], (VOCAB, EMB), dtype=jnp.float32) * 0.02
    pos_table = jax.random.normal(ks[4], (MAX_LEN, EMB), dtype=jnp.float32) * 0.02
    seg_table = jax.random.normal(ks[5], (3, EMB), dtype=jnp.float32) * 0.02
    W_vis = jax.random.normal(ks[6], (PHOTO_DIM, EMB), dtype=jnp.float32) * (1.0 / np.sqrt(PHOTO_DIM))
    b_vis = jnp.zeros((EMB,), dtype=jnp.float32)
    ln_gamma = jnp.ones((EMB,), dtype=jnp.float32)
    ln_beta = jnp.zeros((EMB,), dtype=jnp.float32)
    return {
        "visual": visual, "src": src, "seg": seg,
        "word_table": word_table, "pos_table": pos_table, "seg_table": seg_table,
        "W_vis": W_vis, "b_vis": b_vis, "ln_gamma": ln_gamma, "ln_beta": ln_beta,
    }


def reference(visual, src, seg, word_table, pos_table, seg_table, W_vis, b_vis, ln_gamma, ln_beta):
    # word embedding lookup (gather)
    word_emb = jnp.take(word_table, src, axis=0)  # [B, L, EMB]
    # position embedding: arange over seq, broadcast over batch (pos=None branch)
    pos_ids = jnp.arange(word_emb.shape[1], dtype=jnp.int32)
    pos_emb = jnp.take(pos_table, pos_ids, axis=0)[None, :, :]  # [1, L, EMB]
    # segment embedding lookup
    seg_emb = jnp.take(seg_table, seg, axis=0)  # [B, L, EMB]
    # visual linear projection
    visual_emb = jnp.einsum('blp,pe->ble', visual, W_vis) + b_vis  # [B, L, EMB]
    emb = word_emb + pos_emb + seg_emb + visual_emb
    emb = layer_norm(emb, ln_gamma, ln_beta)
    # dropout is identity in eval/reference mode
    return emb

if __name__ == "__main__":
    import jax
    _d = setup_inputs()
    print(jax.jit(kernel)(*tuple(_d.values())))

</pallas_src>

<mosaic_0001>
#map = affine_map<(d0, d1) -> (0, 0, 0)>
#map1 = affine_map<(d0, d1) -> (0, 0)>
module attributes {stable_mosaic.version = 14 : i64} {
  func.func @_sc_gather_body(%arg0: i32, %arg1: i32, %arg2: memref<125000x8x64xf32, #tpu.memory_space<hbm>>, %arg3: memref<32x50x32xi32, #tpu.memory_space<hbm>>, %arg4: memref<51200x64xf32, #tpu.memory_space<hbm>>, %arg5: memref<50x32xi32, #tpu.memory_space<vmem>>, %arg6: memref<2x32x64xf32, #tpu.memory_space<vmem>>, %arg7: memref<!tpu.dma_semaphore, #tpu.memory_space<semaphore_mem>>, %arg8: memref<!tpu.dma_semaphore, #tpu.memory_space<semaphore_mem>>, %arg9: memref<!tpu.dma_semaphore, #tpu.memory_space<semaphore_mem>>, %arg10: memref<!tpu.dma_semaphore, #tpu.memory_space<semaphore_mem>>) attributes {dimension_semantics = [#tpu.dimension_semantics<core_parallel>, #tpu.dimension_semantics<subcore_parallel>], iteration_bounds = array<i64: 2, 16>, scalar_prefetch = 0 : i64, scratch_operands = 6 : i64, tpu.core_type = #tpu.core_type<sc_vector_subcore>, window_params = [{transform_indices = #map}, {transform_indices = #map}, {transform_indices = #map1}]} {
    %mul3A = arith.constant 2 : i32
    %mul3A_0 = arith.muli %arg1, %mul3A : i32
    %add3A = arith.addi %mul3A_0, %arg0 : i32
    %mul3A_1 = arith.constant 1600 : i32
    %mul3A_2 = arith.muli %add3A, %mul3A_1 : i32
    "tpu.region"() ({
      %run_scoped3A = tpu.sem_alloc : memref<!tpu.dma_semaphore, #tpu.memory_space<semaphore_mem>>
      %dma_start3A = arith.constant 0 : i32
      %dma_start3A_37 = arith.constant 0 : i32
      %dma_start3A_38 = tpu.memref_slice %arg3[%add3A, %dma_start3A, %dma_start3A_37] : memref<32x50x32xi32, #tpu.memory_space<hbm>> -> memref<1x50x32xi32, #tpu.memory_space<hbm>>
      %dma_start3A_39 = tpu.memref_squeeze %dma_start3A_38 : memref<1x50x32xi32, #tpu.memory_space<hbm>> -> memref<50x32xi32, #tpu.memory_space<hbm>>
      %dma_start3A_40 = arith.constant 0 : i32
      %dma_start3A_41 = arith.constant 0 : i32
      %dma_start3A_42 = tpu.memref_slice %arg3[%add3A, %dma_start3A_40, %dma_start3A_41] : memref<32x50x32xi32, #tpu.memory_space<hbm>> -> memref<1x50x32xi32, #tpu.memory_space<hbm>>
      %dma_start3A_43 = tpu.memref_squeeze %dma_start3A_42 : memref<1x50x32xi32, #tpu.memory_space<hbm>> -> memref<50x32xi32, #tpu.memory_space<hbm>>
      tpu.enqueue_dma source(%dma_start3A_43 : memref<50x32xi32, #tpu.memory_space<hbm>>) target(%arg5 : memref<50x32xi32, #tpu.memory_space<vmem>>) target_semaphore(%run_scoped3A : memref<!tpu.dma_semaphore, #tpu.memory_space<semaphore_mem>>)
      %dma_wait3A_44 = arith.constant 0 : i32
      %dma_wait3A_45 = arith.constant 0 : i32
      %dma_wait3A_46 = tpu.memref_slice %arg3[%add3A, %dma_wait3A_44, %dma_wait3A_45] : memref<32x50x32xi32, #tpu.memory_space<hbm>> -> memref<1x50x32xi32, #tpu.memory_space<hbm>>
      %dma_wait3A_47 = tpu.memref_squeeze %dma_wait3A_46 : memref<1x50x32xi32, #tpu.memory_space<hbm>> -> memref<50x32xi32, #tpu.memory_space<hbm>>
      %dma_wait3A_48 = arith.constant 0 : i32
      %dma_wait3A_49 = arith.constant 0 : i32
      %dma_wait3A_50 = tpu.memref_slice %arg3[%add3A, %dma_wait3A_48, %dma_wait3A_49] : memref<32x50x32xi32, #tpu.memory_space<hbm>> -> memref<1x50x32xi32, #tpu.memory_space<hbm>>
      %dma_wait3A_51 = tpu.memref_squeeze %dma_wait3A_50 : memref<1x50x32xi32, #tpu.memory_space<hbm>> -> memref<50x32xi32, #tpu.memory_space<hbm>>
      tpu.wait_dma2 semaphore(%run_scoped3A : memref<!tpu.dma_semaphore, #tpu.memory_space<semaphore_mem>>) src(%dma_wait3A_51 : memref<50x32xi32, #tpu.memory_space<hbm>>) dst(%arg5 : memref<50x32xi32, #tpu.memory_space<vmem>>)
      tpu.yield
    }) : () -> ()
    %scan3A = arith.constant 0 : i32
    %scan3A_3 = arith.constant 0 : i32
    %scan3A_4 = arith.constant 25 : i32
    %scan3A_5 = arith.addi %scan3A_3, %scan3A_4 : i32
    %scan3A_6 = arith.constant 1 : i32
    scf.for %scan3A_37 = %scan3A_3 to %scan3A_5 step %scan3A_6  : i32 {
      %mul3A_38 = arith.constant 2 : i32
      %mul3A_39 = arith.muli %mul3A_38, %scan3A_37 : i32
      %add3A_40 = arith.constant 0 : i32
      %add3A_41 = arith.addi %mul3A_39, %add3A_40 : i32
      %gt3A = arith.constant 0 : i32
      %gt3A_42 = arith.cmpi sgt, %scan3A_37, %gt3A : i32
      %convert_element_type3A = arith.extui %gt3A_42 : i1 to i32
      %cond3A = arith.constant 0 : i32
      %cond3A_43 = arith.cmpi ne, %convert_element_type3A, %cond3A : i32
      scf.if %cond3A_43 {
        %dma_wait3A_1967 = arith.constant 0 : i32
        %dma_wait3A_1968 = arith.constant 0 : i32
        %dma_wait3A_1969 = arith.constant 0 : i32
        %dma_wait3A_1970 = tpu.memref_slice %arg6[%dma_wait3A_1967, %dma_wait3A_1968, %dma_wait3A_1969] : memref<2x32x64xf32, #tpu.memory_space<vmem>> -> memref<1x32x64xf32, #tpu.memory_space<vmem>>
        %dma_wait3A_1971 = tpu.memref_squeeze %dma_wait3A_1970 : memref<1x32x64xf32, #tpu.memory_space<vmem>> -> memref<32x64xf32, #tpu.memory_space<vmem>>
        %dma_wait3A_1972 = arith.constant 0 : i32
        %dma_wait3A_1973 = arith.constant 0 : i32
        %dma_wait3A_1974 = tpu.memref_slice %arg4[%dma_wait3A_1972, %dma_wait3A_1973] : memref<51200x64xf32, #tpu.memory_space<hbm>> -> memref<32x64xf32, #tpu.memory_space<hbm>>
        %dma_wait3A_1975 = arith.constant 0 : i32
        %dma_wait3A_1976 = arith.constant 0 : i32
        %dma_wait3A_1977 = tpu.memref_slice %arg4[%dma_wait3A_1975, %dma_wait3A_1976] : memref<51200x64xf32, #tpu.memory_space<hbm>> -> memref<32x64xf32, #tpu.memory_space<hbm>>
        %dma_wait3A_1978 = arith.constant 0 : i32
        %dma_wait3A_1979 = arith.constant 0 : i32
        %dma_wait3A_1980 = tpu.memref_slice %arg6[%dma_wait3A_1967, %dma_wait3A_1978, %dma_wait3A_1979] : memref<2x32x64xf32, #tpu.memory_space<vmem>> -> memref<1x32x64xf32, #tpu.memory_space<vmem>>
        %dma_wait3A_1981 = tpu.memref_squeeze %dma_wait3A_1980 : memref<1x32x64xf32, #tpu.memory_space<vmem>> -> memref<32x64xf32, #tpu.memory_space<vmem>>
        tpu.wait_dma2 semaphore(%arg9 : memref<!tpu.dma_semaphore, #tpu.memory_space<semaphore_mem>>) src(%dma_wait3A_1981 : memref<32x64xf32, #tpu.memory_space<vmem>>) dst(%dma_wait3A_1977 : memref<32x64xf32, #tpu.memory_space<hbm>>)
      } else {
      }
      %get3A = arith.index_cast %add3A_41 : i32 to index
      %get3A_44 = arith.constant 0 : index
      %get3A_45 = tpu.vector_load %arg5[%get3A, %get3A_44] {strides = array<i32>} : memref<50x32xi32, #tpu.memory_space<vmem>>, vector<1x16xi32>,
      %get3A_46 = vector.shape_cast %get3A_45 : vector<1x16xi32> to vector<16xi32>
      %slice3A = vector.extract_strided_slice %get3A_46 {offsets = [0], sizes = [1], strides = [1]} : vector<16xi32> to vector<1xi32>
      %squeeze3A = vector.extract %slice3A[0] : i32 from vector<1xi32>
      %shift_right_arithmetic3A = arith.constant 3 : i32
      %shift_right_arithmetic3A_47 = arith.shrsi %squeeze3A, %shift_right_arithmetic3A : i32
      %and3A = arith.constant 7 : i32
      %and3A_48 = arith.andi %squeeze3A, %and3A : i32
      %dma_start3A = arith.constant 0 : i32
      %dma_start3A_49 = arith.constant 0 : i32
      %dma_start3A_50 = arith.constant 0 : i32
      %dma_start3A_51 = tpu.memref_slice %arg6[%dma_start3A, %dma_start3A_49, %dma_start3A_50] : memref<2x32x64xf32, #tpu.memory_space<vmem>> -> memref<1x1x64xf32, #tpu.memory_space<vmem>>
      %dma_start3A_52 = tpu.memref_squeeze %dma_start3A_51 : memref<1x1x64xf32, #tpu.memory_space<vmem>> -> memref<1x64xf32, #tpu.memory_space<vmem>>
      %dma_start3A_53 = arith.constant 0 : i32
      %dma_start3A_54 = arith.constant 0 : i32
      %dma_start3A_55 = tpu.memref_slice %arg2[%shift_right_arithmetic3A_47, %dma_start3A_53, %dma_start3A_54] : memref<125000x8x64xf32, #tpu.memory_space<hbm>> -> memref<1x8x64xf32, #tpu.memory_space<hbm>>
      %dma_start3A_56 = tpu.memref_squeeze %dma_start3A_55 : memref<1x8x64xf32, #tpu.memory_space<hbm>> -> memref<8x64xf32, #tpu.memory_space<hbm>>
      %dma_start3A_57 = arith.constant 0 : i32
      %dma_start3A_58 = tpu.memref_slice %dma_start3A_56[%and3A_48, %dma_start3A_57] : memref<8x64xf32, #tpu.memory_space<hbm>> -> memref<1x64xf32, #tpu.memory_space<hbm>>
      %dma_start3A_59 = arith.constant 0 : i32
      %dma_start3A_60 = arith.constant 0 : i32
      %dma_start3A_61 = tpu.memref_slice %arg6[%dma_start3A, %dma_start3A_59, %dma_start3A_60] : memref<2x32x64xf32, #tpu.memory_space<vmem>> -> memref<1x1x64xf32, #tpu.memory_space<vmem>>
      %dma_start3A_62 = tpu.memref_squeeze %dma_start3A_61 : memref<1x1x64xf32, #tpu.memory_space<vmem>> -> memref<1x64xf32, #tpu.memory_space<vmem>>
      %dma_start3A_63 = arith.constant 0 : i32
      %dma_start3A_64 = arith.constant 0 : i32
      %dma_start3A_65 = tpu.memref_slice %arg2[%shift_right_arithmetic3A_47, %dma_start3A_63, %dma_start3A_64] : memref<125000x8x64xf32, #tpu.memory_space<hbm>> -> memref<1x8x64xf32, #tpu.memory_space<hbm>>
      %dma_start3A_66 = tpu.memref_squeeze %dma_start3A_65 : memref<1x8x64xf32, #tpu.memory_space<hbm>> -> memref<8x64xf32, #tpu.memory_space<hbm>>
      %dma_start3A_67 = arith.constant 0 : i32
      %dma_start3A_68 = tpu.memref_slice %dma_start3A_66[%and3A_48, %dma_start3A_67] : memref<8x64xf32, #tpu.memory_space<hbm>> -> memref<1x64xf32, #tpu.memory_space<hbm>>
      tpu.enqueue_dma source(%dma_start3A_68 : memref<1x64xf32, #tpu.memory_space<hbm>>) target(%dma_start3A_62 : memref<1x64xf32, #tpu.memory_space<vmem>>) target_semaphore(%arg7 : memref<!tpu.dma_semaphore, #tpu.memory_space<semaphore_mem>>)
      %slice3A_69 = vector.extract_strided_slice %get3A_46 {offsets = [1], sizes = [1], strides = [1]} : vector<16xi32> to vector<1xi32>
      %squeeze3A_70 = vector.extract %slice3A_69[0] : i32 from vector<1xi32>
      %shift_right_arithmetic3A_71 = arith.constant 3 : i32
      %shift_right_arithmetic3A_72 = arith.shrsi %squeeze3A_70, %shift_right_arithmetic3A_71 : i32
      %and3A_73 = arith.constant 7 : i32
      %and3A_74 = arith.andi %squeeze3A_70, %and3A_73 : i32
      %dma_start3A_75 = arith.constant 0 : i32
      %dma_start3A_76 = arith.constant 1 : i32
      %dma_start3A_77 = arith.constant 0 : i32
      %dma_start3A_78 = tpu.memref_slice %arg6[%dma_start3A_75, %dma_start3A_76, %dma_start3A_77] : memref<2x32x64xf32, #tpu.memory_space<vmem>> -> memref<1x1x64xf32, #tpu.memory_space<vmem>>
      %dma_start3A_79 = tpu.memref_squeeze %dma_start3A_78 : memref<1x1x64xf32, #tpu.memory_space<vmem>> -> memref<1x64xf32, #tpu.memory_space<vmem>>
      %dma_start3A_80 = arith.constant 0 : i32
      %dma_start3A_81 = arith.constant 0 : i32
      %dma_start3A_82 = tpu.memref_slice %arg2[%shift_right_arithmetic3A_72, %dma_start3A_80, %dma_start3A_81] : memref<125000x8x64xf32, #tpu.memory_space<hbm>> -> memref<1x8x64xf32, #tpu.memory_space<hbm>>
      %dma_start3A_83 = tpu.memref_squeeze %dma_start3A_82 : memref<1x8x64xf32, #tpu.memory_space<hbm>> -> memref<8x64xf32, #tpu.memory_space<hbm>>
      %dma_start3A_84 = arith.constant 0 : i32
      %dma_start3A_85 = tpu.memref_slice %dma_start3A_83[%and3A_74, %dma_start3A_84] : memref<8x64xf32, #tpu.memory_space<hbm>> -> memref<1x64xf32, #tpu.memory_space<hbm>>
      %dma_start3A_86 = arith.constant 1 : i32
      %dma_start3A_87 = arith.constant 0 : i32
      %dma_start3A_88 = tpu.memref_slice %arg6[%dma_start3A_75, %dma_start3A_86, %dma_start3A_87] : memref<2x32x64xf32, #tpu.memory_space<vmem>> -> memref<1x1x64xf32, #tpu.memory_space<vmem>>
      %dma_start3A_89 = tpu.memref_squeeze %dma_start3A_88 : memref<1x1x64xf32, #tpu.memory_space<vmem>> -> memref<1x64xf32, #tpu.memory_space<vmem>>
      %dma_start3A_90 = arith.constant 0 : i32
      %dma_start3A_91 = arith.constant 0 : i32
      %dma_start3A_92 = tpu.memref_slice %arg2[%shift_right_arithmetic3A_72, %dma_start3A_90, %dma_start3A_91] : memref<125000x8x64xf32, #tpu.memory_space<hbm>> -> memref<1x8x64xf32, #tpu.memory_space<hbm>>
      %dma_start3A_93 = tpu.memref_squeeze %dma_start3A_92 : memref<1x8x64xf32, #tpu.memory_space<hbm>> -> memref<8x64xf32, #tpu.memory_space<hbm>>
      %dma_start3A_94 = arith.constant 0 : i32
      %dma_start3A_95 = tpu.memref_slice %dma_start3A_93[%and3A_74, %dma_start3A_94] : memref<8x64xf32, #tpu.memory_space<hbm>> -> memref<1x64xf32, #tpu.memory_space<hbm>>
      tpu.enqueue_dma source(%dma_start3A_95 : memref<1x64xf32, #tpu.memory_space<hbm>>) target(%dma_start3A_89 : memref<1x64xf32, #tpu.memory_space<vmem>>) target_semaphore(%arg7 : memref<!tpu.dma_semaphore, #tpu.memory_space<semaphore_mem>>)
      %slice3A_96 = vector.extract_strided_slice %get3A_46 {offsets = [2], sizes = [1], strides = [1]} : vector<16xi32> to vector<1xi32>
      %squeeze3A_97 = vector.extract %slice3A_96[0] : i32 from vector<1xi32>
      %shift_right_arithmetic3A_98 = arith.constant 3 : i32
      %shift_right_arithmetic3A_99 = arith.shrsi %squeeze3A_97, %shift_right_arithmetic3A_98 : i32
      %and3A_100 = arith.constant 7 : i32
      %and3A_101 = arith.andi %squeeze3A_97, %and3A_100 : i32
      %dma_start3A_102 = arith.constant 0 : i32
      %dma_start3A_103 = arith.constant 2 : i32
      %dma_start3A_104 = arith.constant 0 : i32
      %dma_start3A_105 = tpu.memref_slice %arg6[%dma_start3A_102, %dma_start3A_103, %dma_start3A_104] : memref<2x32x64xf32, #tpu.memory_space<vmem>> -> memref<1x1x64xf32, #tpu.memory_space<vmem>>
      %dma_start3A_106 = tpu.memref_squeeze %dma_start3A_105 : memref<1x1x64xf32, #tpu.memory_space<vmem>> -> memref<1x64xf32, #tpu.memory_space<vmem>>
      %dma_start3A_107 = arith.constant 0 : i32
      %dma_start3A_108 = arith.constant 0 : i32
      %dma_start3A_109 = tpu.memref_slice %arg2[%shift_right_arithmetic3A_99, %dma_start3A_107, %dma_start3A_108] : memref<125000x8x64xf32, #tpu.memory_space<hbm>> -> memref<1x8x64xf32, #tpu.memory_space<hbm>>
      %dma_start3A_110 = tpu.memref_squeeze %dma_start3A_109 : memref<1x8x64xf32, #tpu.memory_space<hbm>> -> memref<8x64xf32, #tpu.memory_space<hbm>>
      %dma_start3A_111 = arith.constant 0 : i32
      %dma_start3A_112 = tpu.memref_slice %dma_start3A_110[%and3A_101, %dma_start3A_111] : memref<8x64xf32, #tpu.memory_space<hbm>> -> memref<1x64xf32, #tpu.memory_space<hbm>>
      %dma_start3A_113 = arith.constant 2 : i32
      %dma_start3A_114 = arith.constant 0 : i32
      %dma_start3A_115 = tpu.memref_slice %arg6[%dma_start3A_102, %dma_start3A_113, %dma_start3A_114] : memref<2x32x64xf32, #tpu.memory_space<vmem>> -> memref<1x1x64xf32, #tpu.memory_space<vmem>>
      %dma_start3A_116 = tpu.memref_squeeze %dma_start3A_115 : memref<1x1x64xf32, #tpu.memory_space<vmem>> -> memref<1x64xf32, #tpu.memory_space<vmem>>
      %dma_start3A_117 = arith.constant 0 : i32
      %dma_start3A_118 = arith.constant 0 : i32
      %dma_start3A_119 = tpu.memref_slice %arg2[%shift_right_arithmetic3A_99, %dma_start3A_117, %dma_start3A_118] : memref<125000x8x64xf32, #tpu.memory_space<hbm>> -> memref<1x8x64xf32, #tpu.memory_space<hbm>>
      %dma_start3A_120 = tpu.memref_squeeze %dma_start3A_119 : memref<1x8x64xf32, #tpu.memory_space<hbm>> -> memref<8x64xf32, #tpu.memory_space<hbm>>
      %dma_start3A_121 = arith.constant 0 : i32
      %dma_start3A_122 = tpu.memref_slice %dma_start3A_120[%and3A_101, %dma_start3A_121] : memref<8x64xf32, #tpu.memory_space<hbm>> -> memref<1x64xf32, #tpu.memory_space<hbm>>
      tpu.enqueue_dma source(%dma_start3A_122 : memref<1x64xf32, #tpu.memory_space<hbm>>) target(%dma_start3A_116 : memref<1x64xf32, #tpu.memory_space<vmem>>) target_semaphore(%arg7 : memref<!tpu.dma_semaphore, #tpu.memory_space<semaphore_mem>>)
      %slice3A_123 = vector.extract_strided_slice %get3A_46 {offsets = [3], sizes = [1], strides = [1]} : vector<16xi32> to vector<1xi32>
      %squeeze3A_124 = vector.extract %slice3A_123[0] : i32 from vector<1xi32>
      %shift_right_arithmetic3A_125 = arith.constant 3 : i32
      %shift_right_arithmetic3A_126 = arith.shrsi %squeeze3A_124, %shift_right_arithmetic3A_125 : i32
      %and3A_127 = arith.constant 7 : i32
      %and3A_128 = arith.andi %squeeze3A_124, %and3A_127 : i32
      %dma_start3A_129 = arith.constant 0 : i32
      %dma_start3A_130 = arith.constant 3 : i32
      %dma_start3A_131 = arith.constant 0 : i32
      %dma_start3A_132 = tpu.memref_slice %arg6[%dma_start3A_129, %dma_start3A_130, %dma_start3A_131] : memref<2x32x64xf32, #tpu.memory_space<vmem>> -> memref<1x1x64xf32, #tpu.memory_space<vmem>>
      %dma_start3A_133 = tpu.memref_squeeze %dma_start3A_132 : memref<1x1x64xf32, #tpu.memory_space<vmem>> -> memref<1x64xf32, #tpu.memory_space<vmem>>
      %dma_start3A_134 = arith.constant 0 : i32
      %dma_start3A_135 = arith.constant 0 : i32
      %dma_start3A_136 = tpu.memref_slice %arg2[%shift_right_arithmetic3A_126, %dma_start3A_134, %dma_start3A_135] : memref<125000x8x64xf32, #tpu.memory_space<hbm>> -> memref<1x8x64xf32, #tpu.memory_space<hbm>>
      %dma_start3A_137 = tpu.memref_squeeze %dma_start3A_136 : memref<1x8x64xf32, #tpu.memory_space<hbm>> -> memref<8x64xf32, #tpu.memory_space<hbm>>
      %dma_start3A_138 = arith.constant 0 : i32
      %dma_start3A_139 = tpu.memref_slice %dma_start3A_137[%and3A_128, %dma_start3A_138] : memref<8x64xf32, #tpu.memory_space<hbm>> -> memref<1x64xf32, #tpu.memory_space<hbm>>
      %dma_start3A_140 = arith.constant 3 : i32
      %dma_start3A_141 = arith.constant 0 : i32
      %dma_start3A_142 = tpu.memref_slice %arg6[%dma_start3A_129, %dma_start3A_140, %dma_start3A_141] : memref<2x32x64xf32, #tpu.memory_space<vmem>> -> memref<1x1x64xf32, #tpu.memory_space<vmem>>
      %dma_start3A_143 = tpu.memref_squeeze %dma_start3A_142 : memref<1x1x64xf32, #tpu.memory_space<vmem>> -> memref<1x64xf32, #tpu.memory_space<vmem>>
      %dma_start3A_144 = arith.constant 0 : i32
      %dma_start3A_145 = arith.constant 0 : i32
      %dma_start3A_146 = tpu.memref_slice %arg2[%shift_right_arithmetic3A_126, %dma_start3A_144, %dma_start3A_145] : memref<125000x8x64xf32, #tpu.memory_space<hbm>> -> memref<1x8x64xf32, #tpu.memory_space<hbm>>
      %dma_start3A_147 = tpu.memref_squeeze %dma_start3A_146 : memref<1x8x64xf32, #tpu.memory_space<hbm>> -> memref<8x64xf32, #tpu.memory_space<hbm>>
      %dma_start3A_148 = arith.constant 0 : i32
      %dma_start3A_149 = tpu.memref_slice %dma_start3A_147[%and3A_128, %dma_start3A_148] : memref<8x64xf32, #tpu.memory_space<hbm>> -> memref<1x64xf32, #tpu.memory_space<hbm>>
      tpu.enqueue_dma source(%dma_start3A_149 : memref<1x64xf32, #tpu.memory_space<hbm>>) target(%dma_start3A_143 : memref<1x64xf32, #tpu.memory_space<vmem>>) target_semaphore(%arg7 : memref<!tpu.dma_semaphore, #tpu.memory_space<semaphore_mem>>)
      %slice3A_150 = vector.extract_strided_slice %get3A_46 {offsets = [4], sizes = [1], strides = [1]} : vector<16xi32> to vector<1xi32>
      %squeeze3A_151 = vector.extract %slice3A_150[0] : i32 from vector<1xi32>
      %shift_right_arithmetic3A_152 = arith.constant 3 : i32
      %shift_right_arithmetic3A_153 = arith.shrsi %squeeze3A_151, %shift_right_arithmetic3A_152 : i32
      %and3A_154 = arith.constant 7 : i32
      %and3A_155 = arith.andi %squeeze3A_151, %and3A_154 : i32
      %dma_start3A_156 = arith.constant 0 : i32
      %dma_start3A_157 = arith.constant 4 : i32
      %dma_start3A_158 = arith.constant 0 : i32
      %dma_start3A_159 = tpu.memref_slice %arg6[%dma_start3A_156, %dma_start3A_157, %dma_start3A_158] : memref<2x32x64xf32, #tpu.memory_space<vmem>> -> memref<1x1x64xf32, #tpu.memory_space<vmem>>
      %dma_start3A_160 = tpu.memref_squeeze %dma_start3A_159 : memref<1x1x64xf32, #tpu.memory_space<vmem>> -> memref<1x64xf32, #tpu.memory_space<vmem>>
      %dma_start3A_161 = arith.constant 0 : i32
      %dma_start3A_162 = arith.constant 0 : i32
      %dma_start3A_163 = tpu.memref_slice %arg2[%shift_right_arithmetic3A_153, %dma_start3A_161, %dma_start3A_162] : memref<125000x8x64xf32, #tpu.memory_space<hbm>> -> memref<1x8x64xf32, #tpu.memory_space<hbm>>
      %dma_start3A_164 = tpu.memref_squeeze %dma_start3A_163 : memref<1x8x64xf32, #tpu.memory_space<hbm>> -> memref<8x64xf32, #tpu.memory_space<hbm>>
      %dma_start3A_165 = arith.constant 0 : i32
      %dma_start3A_166 = tpu.memref_slice %dma_start3A_164[%and3A_155, %dma_start3A_165] : memref<8x64xf32, #tpu.memory_space<hbm>> -> memref<1x64xf32, #tpu.memory_space<hbm>>
      %dma_start3A_167 = arith.constant 4 : i32
      %dma_start3A_168 = arith.constant 0 : i32
      %dma_start3A_169 = tpu.memref_slice %arg6[%dma_start3A_156, %dma_start3A_167, %dma_start3A_168] : memref<2x32x64xf32, #tpu.memory_space<vmem>> -> memref<1x1x64xf32, #tpu.memory_space<vmem>>
      %dma_start3A_170 = tpu.memref_squeeze %dma_start3A_169 : memref<1x1x64xf32, #tpu.memory_space<vmem>> -> memref<1x64xf32, #tpu.memory_space<vmem>>
      %dma_start3A_171 = arith.constant 0 : i32
      %dma_start3A_172 = arith.constant 0 : i32
      %dma_start3A_173 = tpu.memref_slice %arg2[%shift_right_arithmetic3A_153, %dma_start3A_171, %dma_start3A_172] : memref<125000x8x64xf32, #tpu.memory_space<hbm>> -> memref<1x8x64xf32, #tpu.memory_space<hbm>>
      %dma_start3A_174 = tpu.memref_squeeze %dma_start3A_173 : memref<1x8x64xf32, #tpu.memory_space<hbm>> -> memref<8x64xf32, #tpu.memory_space<hbm>>
      %dma_start3A_175 = arith.constant 0 : i32
      %dma_start3A_176 = tpu.memref_slice %dma_start3A_174[%and3A_155, %dma_start3A_175] : memref<8x64xf32, #tpu.memory_space<hbm>> -> memref<1x64xf32, #tpu.memory_space<hbm>>
      tpu.enqueue_dma source(%dma_start3A_176 : memref<1x64xf32, #tpu.memory_space<hbm>>) target(%dma_start3A_170 : memref<1x64xf32, #tpu.memory_space<vmem>>) target_semaphore(%arg7 : memref<!tpu.dma_semaphore, #tpu.memory_space<semaphore_mem>>)
      %slice3A_177 = vector.extract_strided_slice %get3A_46 {offsets = [5], sizes = [1], strides = [1]} : vector<16xi32> to vector<1xi32>
      %squeeze3A_178 = vector.extract %slice3A_177[0] : i32 from vector<1xi32>
      %shift_right_arithmetic3A_179 = arith.constant 3 : i32
      %shift_right_arithmetic3A_180 = arith.shrsi %squeeze3A_178, %shift_right_arithmetic3A_179 : i32
      %and3A_181 = arith.constant 7 : i32
      %and3A_182 = arith.andi %squeeze3A_178, %and3A_181 : i32
      %dma_start3A_183 = arith.constant 0 : i32
      %dma_start3A_184 = arith.constant 5 : i32
      %dma_start3A_185 = arith.constant 0 : i32
      %dma_start3A_186 = tpu.memref_slice %arg6[%dma_start3A_183, %dma_start3A_184, %dma_start3A_185] : memref<2x32x64xf32, #tpu.memory_space<vmem>> -> memref<1x1x64xf32, #tpu.memory_space<vmem>>
      %dma_start3A_187 = tpu.memref_squeeze %dma_start3A_186 : memref<1x1x64xf32, #tpu.memory_space<vmem>> -> memref<1x64xf32, #tpu.memory_space<vmem>>
      %dma_start3A_188 = arith.constant 0 : i32
      %dma_start3A_189 = arith.constant 0 : i32
      %dma_start3A_190 = tpu.memref_slice %arg2[%shift_right_arithmetic3A_180, %dma_start3A_188, %dma_start3A_189] : memref<125000x8x64xf32, #tpu.memory_space<hbm>> -> memref<1x8x64xf32, #tpu.memory_space<hbm>>
      %dma_start3A_191 = tpu.memref_squeeze %dma_start3A_190 : memref<1x8x64xf32, #tpu.memory_space<hbm>> -> memref<8x64xf32, #tpu.memory_space<hbm>>
      %dma_start3A_192 = arith.constant 0 : i32
      %dma_start3A_193 = tpu.memref_slice %dma_start3A_191[%and3A_182, %dma_start3A_192] : memref<8x64xf32, #tpu.memory_space<hbm>> -> memref<1x64xf32, #tpu.memory_space<hbm>>
      %dma_start3A_194 = arith.constant 5 : i32
      %dma_start3A_195 = arith.constant 0 : i32
      %dma_start3A_196 = tpu.memref_slice %arg6[%dma_start3A_183, %dma_start3A_194, %dma_start3A_195] : memref<2x32x64xf32, #tpu.memory_space<vmem>> -> memref<1x1x64xf32, #tpu.memory_space<vmem>>
      %dma_start3A_197 = tpu.memref_squeeze %dma_start3A_196 : memref<1x1x64xf32, #tpu.memory_space<vmem>> -> memref<1x64xf32, #tpu.memory_space<vmem>>
      %dma_start3A_198 = arith.constant 0 : i32
      %dma_start3A_199 = arith.constant 0 : i32
      %dma_start3A_200 = tpu.memref_slice %arg2[%shift_right_arithmetic3A_180, %dma_start3A_198, %dma_start3A_199] : memref<125000x8x64xf32, #tpu.memory_space<hbm>> -> memref<1x8x64xf32, #tpu.memory_space<hbm>>
      %dma_start3A_201 = tpu.memref_squeeze %dma_start3A_200 : memref<1x8x64xf32, #tpu.memory_space<hbm>> -> memref<8x64xf32, #tpu.memory_space<hbm>>
      %dma_start3A_202 = arith.constant 0 : i32
      %dma_start3A_203 = tpu.memref_slice %dma_start3A_201[%and3A_182, %dma_start3A_202] : memref<8x64xf32, #tpu.memory_space<hbm>> -> memref<1x64xf32, #tpu.memory_space<hbm>>
      tpu.enqueue_dma source(%dma_start3A_203 : memref<1x64xf32, #tpu.memory_space<hbm>>) target(%dma_start3A_197 : memref<1x64xf32, #tpu.memory_space<vmem>>) target_semaphore(%arg7 : memref<!tpu.dma_semaphore, #tpu.memory_space<semaphore_mem>>)
      %slice3A_204 = vector.extract_strided_slice %get3A_46 {offsets = [6], sizes = [1], strides = [1]} : vector<16xi32> to vector<1xi32>
      %squeeze3A_205 = vector.extract %slice3A_204[0] : i32 from vector<1xi32>
      %shift_right_arithmetic3A_206 = arith.constant 3 : i32
      %shift_right_arithmetic3A_207 = arith.shrsi %squeeze3A_205, %shift_right_arithmetic3A_206 : i32
      %and3A_208 = arith.constant 7 : i32
      %and3A_209 = arith.andi %squeeze3A_205, %and3A_208 : i32
      %dma_start3A_210 = arith.constant 0 : i32
      %dma_start3A_211 = arith.constant 6 : i32
      %dma_start3A_212 = arith.constant 0 : i32
      %dma_start3A_213 = tpu.memref_slice %arg6[%dma_start3A_210, %dma_start3A_211, %dma_start3A_212] : memref<2x32x64xf32, #tpu.memory_space<vmem>> -> memref<1x1x64xf32, #tpu.memory_space<vmem>>
      %dma_start3A_214 = tpu.memref_squeeze %dma_start3A_213 : memref<1x1x64xf32, #tpu.memory_space<vmem>> -> memref<1x64xf32, #tpu.memory_space<vmem>>
      %dma_start3A_215 = arith.constant 0 : i32
      %dma_start3A_216 = arith.constant 0 : i32
      %dma_start3A_217 = tpu.memref_slice %arg2[%shift_right_arithmetic3A_207, %dma_start3A_215, %dma_start3A_216] : memref<125000x8x64xf32, #tpu.memory_space<hbm>> -> memref<1x8x64xf32, #tpu.memory_space<hbm>>
      %dma_start3A_218 = tpu.memref_squeeze %dma_start3A_217 : memref<1x8x64xf32, #tpu.memory_space<hbm>> -> memref<8x64xf32, #tpu.memory_space<hbm>>
      %dma_start3A_219 = arith.constant 0 : i32
      %dma_start3A_220 = tpu.memref_slice %dma_start3A_218[%and3A_209, %dma_start3A_219] : memref<8x64xf32, #tpu.memory_space<hbm>> -> memref<1x64xf32, #tpu.memory_space<hbm>>
      %dma_start3A_221 = arith.constant 6 : i32
      %dma_start3A_222 = arith.constant 0 : i32
      %dma_start3A_223 = tpu.memref_slice %arg6[%dma_start3A_210, %dma_start3A_221, %dma_start3A_222] : memref<2x32x64xf32, #tpu.memory_space<vmem>> -> memref<1x1x64xf32, #tpu.memory_space<vmem>>
      %dma_start3A_224 = tpu.memref_squeeze %dma_start3A_223 : memref<1x1x64xf32, #tpu.memory_space<vmem>> -> memref<1x64xf32, #tpu.memory_space<vmem>>
      %dma_start3A_225 = arith.constant 0 : i32
      %dma_start3A_226 = arith.constant 0 : i32
      %dma_start3A_227 = tpu.memref_slice %arg2[%shift_right_arithmetic3A_207, %dma_start3A_225, %dma_start3A_226] : memref<125000x8x64xf32, #tpu.memory_space<hbm>> -> memref<1x8x64xf32, #tpu.memory_space<hbm>>
      %dma_start3A_228 = tpu.memref_squeeze %dma_start3A_227 : memref<1x8x64xf32, #tpu.memory_space<hbm>> -> memref<8x64xf32, #tpu.memory_space<hbm>>
      %dma_start3A_229 = arith.constant 0 : i32
      %dma_start3A_230 = tpu.memref_slice %dma_start3A_228[%and3A_209, %dma_start3A_229] : memref<8x64xf32, #tpu.memory_space<hbm>> -> memref<1x64xf32, #tpu.memory_space<hbm>>
      tpu.enqueue_dma source(%dma_start3A_230 : memref<1x64xf32, #tpu.memory_space<hbm>>) target(%dma_start3A_224 : memref<1x64xf32, #tpu.memory_space<vmem>>) target_semaphore(%arg7 : memref<!tpu.dma_semaphore, #tpu.memory_space<semaphore_mem>>)
      %slice3A_231 = vector.extract_strided_slice %get3A_46 {offsets = [7], sizes = [1], strides = [1]} : vector<16xi32> to vector<1xi32>
      %squeeze3A_232 = vector.extract %slice3A_231[0] : i32 from vector<1xi32>
      %shift_right_arithmetic3A_233 = arith.constant 3 : i32
      %shift_right_arithmetic3A_234 = arith.shrsi %squeeze3A_232, %shift_right_arithmetic3A_233 : i32
      %and3A_235 = arith.constant 7 : i32
      %and3A_236 = arith.andi %squeeze3A_232, %and3A_235 : i32
      %dma_start3A_237 = arith.constant 0 : i32
      %dma_start3A_238 = arith.constant 7 : i32
      %dma_start3A_239 = arith.constant 0 : i32
      %dma_start3A_240 = tpu.memref_slice %arg6[%dma_start3A_237, %dma_start3A_238, %dma_start3A_239] : memref<2x32x64xf32, #tpu.memory_space<vmem>> -> memref<1x1x64xf32, #tpu.memory_space<vmem>>
      %dma_start3A_241 = tpu.memref_squeeze %dma_start3A_240 : memref<1x1x64xf32, #tpu.memory_space<vmem>> -> memref<1x64xf32, #tpu.memory_space<vmem>>
      %dma_start3A_242 = arith.constant 0 : i32
      %dma_start3A_243 = arith.constant 0 : i32
      %dma_start3A_244 = tpu.memref_slice %arg2[%shift_right_arithmetic3A_234, %dma_start3A_242, %dma_start3A_243] : memref<125000x8x64xf32, #tpu.memory_space<hbm>> -> memref<1x8x64xf32, #tpu.memory_space<hbm>>
      %dma_start3A_245 = tpu.memref_squeeze %dma_start3A_244 : memref<1x8x64xf32, #tpu.memory_space<hbm>> -> memref<8x64xf32, #tpu.memory_space<hbm>>
      %dma_start3A_246 = arith.constant 0 : i32
      %dma_start3A_247 = tpu.memref_slice %dma_start3A_245[%and3A_236, %dma_start3A_246] : memref<8x64xf32, #tpu.memory_space<hbm>> -> memref<1x64xf32, #tpu.memory_space<hbm>>
      %dma_start3A_248 = arith.constant 7 : i32
      %dma_start3A_249 = arith.constant 0 : i32
      %dma_start3A_250 = tpu.memref_slice %arg6[%dma_start3A_237, %dma_start3A_248, %dma_start3A_249] : memref<2x32x64xf32, #tpu.memory_space<vmem>> -> memref<1x1x64xf32, #tpu.memory_space<vmem>>
      %dma_start3A_251 = tpu.memref_squeeze %dma_start3A_250 : memref<1x1x64xf32, #tpu.memory_space<vmem>> -> memref<1x64xf32, #tpu.memory_space<vmem>>
      %dma_start3A_252 = arith.constant 0 : i32
      %dma_start3A_253 = arith.constant 0 : i32
      %dma_start3A_254 = tpu.memref_slice %arg2[%shift_right_arithmetic3A_234, %dma_start3A_252, %dma_start3A_253] : memref<125000x8x64xf32, #tpu.memory_space<hbm>> -> memref<1x8x64xf32, #tpu.memory_space<hbm>>
      %dma_start3A_255 = tpu.memref_squeeze %dma_start3A_254 : memref<1x8x64xf32, #tpu.memory_space<hbm>> -> memref<8x64xf32, #tpu.memory_space<hbm>>
      %dma_start3A_256 = arith.constant 0 : i32
      %dma_start3A_257 = tpu.memref_slice %dma_start3A_255[%and3A_236, %dma_start3A_256] : memref<8x64xf32, #tpu.memory_space<hbm>> -> memref<1x64xf32, #tpu.memory_space<hbm>>
      tpu.enqueue_dma source(%dma_start3A_257 : memref<1x64xf32, #tpu.memory_space<hbm>>) target(%dma_start3A_251 : memref<1x64xf32, #tpu.memory_space<vmem>>) target_semaphore(%arg7 : memref<!tpu.dma_semaphore, #tpu.memory_space<semaphore_mem>>)
      %slice3A_258 = vector.extract_strided_slice %get3A_46 {offsets = [8], sizes = [1], strides = [1]} : vector<16xi32> to vector<1xi32>
      %squeeze3A_259 = vector.extract %slice3A_258[0] : i32 from vector<1xi32>
      %shift_right_arithmetic3A_260 = arith.constant 3 : i32
      %shift_right_arithmetic3A_261 = arith.shrsi %squeeze3A_259, %shift_right_arithmetic3A_260 : i32
      %and3A_262 = arith.constant 7 : i32
      %and3A_263 = arith.andi %squeeze3A_259, %and3A_262 : i32
      %dma_start3A_264 = arith.constant 0 : i32
      %dma_start3A_265 = arith.constant 8 : i32
      %dma_start3A_266 = arith.constant 0 : i32
      %dma_start3A_267 = tpu.memref_slice %arg6[%dma_start3A_264, %dma_start3A_265, %dma_start3A_266] : memref<2x32x64xf32, #tpu.memory_space<vmem>> -> memref<1x1x64xf32, #tpu.memory_space<vmem>>
      %dma_start3A_268 = tpu.memref_squeeze %dma_start3A_267 : memref<1x1x64xf32, #tpu.memory_space<vmem>> -> memref<1x64xf32, #tpu.memory_space<vmem>>
      %dma_start3A_269 = arith.constant 0 : i32
      %dma_start3A_270 = arith.constant 0 : i32
      %dma_start3A_271 = tpu.memref_slice %arg2[%shift_right_arithmetic3A_261, %dma_start3A_269, %dma_start3A_270] : memref<125000x8x64xf32, #tpu.memory_space<hbm>> -> memref<1x8x64xf32, #tpu.memory_space<hbm>>
      %dma_start3A_272 = tpu.memref_squeeze %dma_start3A_271 : memref<1x8x64xf32, #tpu.memory_space<hbm>> -> memref<8x64xf32, #tpu.memory_space<hbm>>
      %dma_start3A_273 = arith.constant 0 : i32
      %dma_start3A_274 = tpu.memref_slice %dma_start3A_272[%and3A_263, %dma_start3A_273] : memref<8x64xf32, #tpu.memory_space<hbm>> -> memref<1x64xf32, #tpu.memory_space<hbm>>
      %dma_start3A_275 = arith.constant 8 : i32
      %dma_start3A_276 = arith.constant 0 : i32
      %dma_start3A_277 = tpu.memref_slice %arg6[%dma_start3A_264, %dma_start3A_275, %dma_start3A_276] : memref<2x32x64xf32, #tpu.memory_space<vmem>> -> memref<1x1x64xf32, #tpu.memory_space<vmem>>
      %dma_start3A_278 = tpu.memref_squeeze %dma_start3A_277 : memref<1x1x64xf32, #tpu.memory_space<vmem>> -> memref<1x64xf32, #tpu.memory_space<vmem>>
      %dma_start3A_279 = arith.constant 0 : i32
      %dma_start3A_280 = arith.constant 0 : i32
      %dma_start3A_281 = tpu.memref_slice %arg2[%shift_right_arithmetic3A_261, %dma_start3A_279, %dma_start3A_280] : memref<125000x8x64xf32, #tpu.memory_space<hbm>> -> memref<1x8x64xf32, #tpu.memory_space<hbm>>
      %dma_start3A_282 = tpu.memref_squeeze %dma_start3A_281 : memref<1x8x64xf32, #tpu.memory_space<hbm>> -> memref<8x64xf32, #tpu.memory_space<hbm>>
      %dma_start3A_283 = arith.constant 0 : i32
      %dma_start3A_284 = tpu.memref_slice %dma_start3A_282[%and3A_263, %dma_start3A_283] : memref<8x64xf32, #tpu.memory_space<hbm>> -> memref<1x64xf32, #tpu.memory_space<hbm>>
      tpu.enqueue_dma source(%dma_start3A_284 : memref<1x64xf32, #tpu.memory_space<hbm>>) target(%dma_start3A_278 : memref<1x64xf32, #tpu.memory_space<vmem>>) target_semaphore(%arg7 : memref<!tpu.dma_semaphore, #tpu.memory_space<semaphore_mem>>)
      %slice3A_285 = vector.extract_strided_slice %get3A_46 {offsets = [9], sizes = [1], strides = [1]} : vector<16xi32> to vector<1xi32>
      %squeeze3A_286 = vector.extract %slice3A_285[0] : i32 from vector<1xi32>
      %shift_right_arithmetic3A_287 = arith.constant 3 : i32
      %shift_right_arithmetic3A_288 = arith.shrsi %squeeze3A_286, %shift_right_arithmetic3A_287 : i32
      %and3A_289 = arith.constant 7 : i32
      %and3A_290 = arith.andi %squeeze3A_286, %and3A_289 : i32
      %dma_start3A_291 = arith.constant 0 : i32
      %dma_start3A_292 = arith.constant 9 : i32
      %dma_start3A_293 = arith.constant 0 : i32
      %dma_start3A_294 = tpu.memref_slice %arg6[%dma_start3A_291, %dma_start3A_292, %dma_start3A_293] : memref<2x32x64xf32, #tpu.memory_space<vmem>> -> memref<1x1x64xf32, #tpu.memory_space<vmem>>
      %dma_start3A_295 = tpu.memref_squeeze %dma_start3A_294 : memref<1x1x64xf32, #tpu.memory_space<vmem>> -> memref<1x64xf32, #tpu.memory_space<vmem>>
      %dma_start3A_296 = arith.constant 0 : i32
      %dma_start3A_297 = arith.constant 0 : i32
      %dma_start3A_298 = tpu.memref_slice %arg2[%shift_right_arithmetic3A_288, %dma_start3A_296, %dma_start3A_297] : memref<125000x8x64xf32, #tpu.memory_space<hbm>> -> memref<1x8x64xf32, #tpu.memory_space<hbm>>
      %dma_start3A_299 = tpu.memref_squeeze %dma_start3A_298 : memref<1x8x64xf32, #tpu.memory_space<hbm>> -> memref<8x64xf32, #tpu.memory_space<hbm>>
      %dma_start3A_300 = arith.constant 0 : i32
      %dma_start3A_301 = tpu.memref_slice %dma_start3A_299[%and3A_290, %dma_start3A_300] : memref<8x64xf32, #tpu.memory_space<hbm>> -> memref<1x64xf32, #tpu.memory_space<hbm>>
      %dma_start3A_302 = arith.constant 9 : i32
      %dma_start3A_303 = arith.constant 0 : i32
      %dma_start3A_304 = tpu.memref_slice %arg6[%dma_start3A_291, %dma_start3A_302, %dma_start3A_303] : memref<2x32x64xf32, #tpu.memory_space<vmem>> -> memref<1x1x64xf32, #tpu.memory_space<vmem>>
      %dma_start3A_305 = tpu.memref_squeeze %dma_start3A_304 : memref<1x1x64xf32, #tpu.memory_space<vmem>> -> memref<1x64xf32, #tpu.memory_space<vmem>>
      %dma_start3A_306 = arith.constant 0 : i32
      %dma_start3A_307 = arith.constant 0 : i32
      %dma_start3A_308 = tpu.memref_slice %arg2[%shift_right_arithmetic3A_288, %dma_start3A_306, %dma_start3A_307] : memref<125000x8x64xf32, #tpu.memory_space<hbm>> -> memref<1x8x64xf32, #tpu.memory_space<hbm>>
      %dma_start3A_309 = tpu.memref_squeeze %dma_start3A_308 : memref<1x8x64xf32, #tpu.memory_space<hbm>> -> memref<8x64xf32, #tpu.memory_space<hbm>>
      %dma_start3A_310 = arith.constant 0 : i32
      %dma_start3A_311 = tpu.memref_slice %dma_start3A_309[%and3A_290, %dma_start3A_310] : memref<8x64xf32, #tpu.memory_space<hbm>> -> memref<1x64xf32, #tpu.memory_space<hbm>>
      tpu.enqueue_dma source(%dma_start3A_311 : memref<1x64xf32, #tpu.memory_space<hbm>>) target(%dma_start3A_305 : memref<1x64xf32, #tpu.memory_space<vmem>>) target_semaphore(%arg7 : memref<!tpu.dma_semaphore, #tpu.memory_space<semaphore_mem>>)
      %slice3A_312 = vector.extract_strided_slice %get3A_46 {offsets = [10], sizes = [1], strides = [1]} : vector<16xi32> to vector<1xi32>
      %squeeze3A_313 = vector.extract %slice3A_312[0] : i32 from vector<1xi32>
      %shift_right_arithmetic3A_314 = arith.constant 3 : i32
      %shift_right_arithmetic3A_315 = arith.shrsi %squeeze3A_313, %shift_right_arithmetic3A_314 : i32
      %and3A_316 = arith.constant 7 : i32
      %and3A_317 = arith.andi %squeeze3A_313, %and3A_316 : i32
      %dma_start3A_318 = arith.constant 0 : i32
      %dma_start3A_319 = arith.constant 10 : i32
      %dma_start3A_320 = arith.constant 0 : i32
      %dma_start3A_321 = tpu.memref_slice %arg6[%dma_start3A_318, %dma_start3A_319, %dma_start3A_320] : memref<2x32x64xf32, #tpu.memory_space<vmem>> -> memref<1x1x64xf32, #tpu.memory_space<vmem>>
      %dma_start3A_322 = tpu.memref_squeeze %dma_start3A_321 : memref<1x1x64xf32, #tpu.memory_space<vmem>> -> memref<1x64xf32, #tpu.memory_space<vmem>>
      %dma_start3A_323 = arith.constant 0 : i32
      %dma_start3A_324 = arith.constant 0 : i32
      %dma_start3A_325 = tpu.memref_slice %arg2[%shift_right_arithmetic3A_315, %dma_start3A_323, %dma_start3A_324] : memref<125000x8x64xf32, #tpu.memory_space<hbm>> -> memref<1x8x64xf32, #tpu.memory_space<hbm>>
      %dma_start3A_326 = tpu.memref_squeeze %dma_start3A_325 : memref<1x8x64xf32, #tpu.memory_space<hbm>> -> memref<8x64xf32, #tpu.memory_space<hbm>>
      %dma_start3A_327 = arith.constant 0 : i32
      %dma_start3A_328 = tpu.memref_slice %dma_start3A_326[%and3A_317, %dma_start3A_327] : memref<8x64xf32, #tpu.memory_space<hbm>> -> memref<1x64xf32, #tpu.memory_space<hbm>>
      %dma_start3A_329 = arith.constant 10 : i32
      %dma_start3A_330 = arith.constant 0 : i32
      %dma_start3A_331 = tpu.memref_slice %arg6[%dma_start3A_318, %dma_start3A_329, %dma_start3A_330] : memref<2x32x64xf32, #tpu.memory_space<vmem>> -> memref<1x1x64xf32, #tpu.memory_space<vmem>>
      %dma_start3A_332 = tpu.memref_squeeze %dma_start3A_331 : memref<1x1x64xf32, #tpu.memory_space<vmem>> -> memref<1x64xf32, #tpu.memory_space<vmem>>
      %dma_start3A_333 = arith.constant 0 : i32
      %dma_start3A_334 = arith.constant 0 : i32
      %dma_start3A_335 = tpu.memref_slice %arg2[%shift_right_arithmetic3A_315, %dma_start3A_333, %dma_start3A_334] : memref<125000x8x64xf32, #tpu.memory_space<hbm>> -> memref<1x8x64xf32, #tpu.memory_space<hbm>>
      %dma_start3A_336 = tpu.memref_squeeze %dma_start3A_335 : memref<1x8x64xf32, #tpu.memory_space<hbm>> -> memref<8x64xf32, #tpu.memory_space<hbm>>
      %dma_start3A_337 = arith.constant 0 : i32
      %dma_start3A_338 = tpu.memref_slice %dma_start3A_336[%and3A_317, %dma_start3A_337] : memref<8x64xf32, #tpu.memory_space<hbm>> -> memref<1x64xf32, #tpu.memory_space<hbm>>
      tpu.enqueue_dma source(%dma_start3A_338 : memref<1x64xf32, #tpu.memory_space<hbm>>) target(%dma_start3A_332 : memref<1x64xf32, #tpu.memory_space<vmem>>) target_semaphore(%arg7 : memref<!tpu.dma_semaphore, #tpu.memory_space<semaphore_mem>>)
      %slice3A_339 = vector.extract_strided_slice %get3A_46 {offsets = [11], sizes = [1], strides = [1]} : vector<16xi32> to vector<1xi32>
      %squeeze3A_340 = vector.extract %slice3A_339[0] : i32 from vector<1xi32>
      %shift_right_arithmetic3A_341 = arith.constant 3 : i32
      %shift_right_arithmetic3A_342 = arith.shrsi %squeeze3A_340, %shift_right_arithmetic3A_341 : i32
      %and3A_343 = arith.constant 7 : i32
      %and3A_344 = arith.andi %squeeze3A_340, %and3A_343 : i32
      %dma_start3A_345 = arith.constant 0 : i32
      %dma_start3A_346 = arith.constant 11 : i32
      %dma_start3A_347 = arith.constant 0 : i32
      %dma_start3A_348 = tpu.memref_slice %arg6[%dma_start3A_345, %dma_start3A_346, %dma_start3A_347] : memref<2x32x64xf32, #tpu.memory_space<vmem>> -> memref<1x1x64xf32, #tpu.memory_space<vmem>>
      %dma_start3A_349 = tpu.memref_squeeze %dma_start3A_348 : memref<1x1x64xf32, #tpu.memory_space<vmem>> -> memref<1x64xf32, #tpu.memory_space<vmem>>
      %dma_start3A_350 = arith.constant 0 : i32
      %dma_start3A_351 = arith.constant 0 : i32
      %dma_start3A_352 = tpu.memref_slice %arg2[%shift_right_arithmetic3A_342, %dma_start3A_350, %dma_start3A_351] : memref<125000x8x64xf32, #tpu.memory_space<hbm>> -> memref<1x8x64xf32, #tpu.memory_space<hbm>>
      %dma_start3A_353 = tpu.memref_squeeze %dma_start3A_352 : memref<1x8x64xf32, #tpu.memory_space<hbm>> -> memref<8x64xf32, #tpu.memory_space<hbm>>
      %dma_start3A_354 = arith.constant 0 : i32
      %dma_start3A_355 = tpu.memref_slice %dma_start3A_353[%and3A_344, %dma_start3A_354] : memref<8x64xf32, #tpu.memory_space<hbm>> -> memref<1x64xf32, #tpu.memory_space<hbm>>
      %dma_start3A_356 = arith.constant 11 : i32
      %dma_start3A_357 = arith.constant 0 : i32
      %dma_start3A_358 = tpu.memref_slice %arg6[%dma_start3A_345, %dma_start3A_356, %dma_start3A_357] : memref<2x32x64xf32, #tpu.memory_space<vmem>> -> memref<1x1x64xf32, #tpu.memory_space<vmem>>
      %dma_start3A_359 = tpu.memref_squeeze %dma_start3A_358 : memref<1x1x64xf32, #tpu.memory_space<vmem>> -> memref<1x64xf32, #tpu.memory_space<vmem>>
      %dma_start3A_360 = arith.constant 0 : i32
      %dma_start3A_361 = arith.constant 0 : i32
      %dma_start3A_362 = tpu.memref_slice %arg2[%shift_right_arithmetic3A_342, %dma_start3A_360, %dma_start3A_361] : memref<125000x8x64xf32, #tpu.memory_space<hbm>> -> memref<1x8x64xf32, #tpu.memory_space<hbm>>
      %dma_start3A_363 = tpu.memref_squeeze %dma_start3A_362 : memref<1x8x64xf32, #tpu.memory_space<hbm>> -> memref<8x64xf32, #tpu.memory_space<hbm>>
      %dma_start3A_364 = arith.constant 0 : i32
      %dma_start3A_365 = tpu.memref_slice %dma_start3A_363[%and3A_344, %dma_start3A_364] : memref<8x64xf32, #tpu.memory_space<hbm>> -> memref<1x64xf32, #tpu.memory_space<hbm>>
      tpu.enqueue_dma source(%dma_start3A_365 : memref<1x64xf32, #tpu.memory_space<hbm>>) target(%dma_start3A_359 : memref<1x64xf32, #tpu.memory_space<vmem>>) target_semaphore(%arg7 : memref<!tpu.dma_semaphore, #tpu.memory_space<semaphore_mem>>)
      %slice3A_366 = vector.extract_strided_slice %get3A_46 {offsets = [12], sizes = [1], strides = [1]} : vector<16xi32> to vector<1xi32>
      %squeeze3A_367 = vector.extract %slice3A_366[0] : i32 from vector<1xi32>
      %shift_right_arithmetic3A_368 = arith.constant 3 : i32
      %shift_right_arithmetic3A_369 = arith.shrsi %squeeze3A_367, %shift_right_arithmetic3A_368 : i32
      %and3A_370 = arith.constant 7 : i32
      %and3A_371 = arith.andi %squeeze3A_367, %and3A_370 : i32
      %dma_start3A_372 = arith.constant 0 : i32
      %dma_start3A_373 = arith.constant 12 : i32
      %dma_start3A_374 = arith.constant 0 : i32
      %dma_start3A_375 = tpu.memref_slice %arg6[%dma_start3A_372, %dma_start3A_373, %dma_start3A_374] : memref<2x32x64xf32, #tpu.memory_space<vmem>> -> memref<1x1x64xf32, #tpu.memory_space<vmem>>
      %dma_start3A_376 = tpu.memref_squeeze %dma_start3A_375 : memref<1x1x64xf32, #tpu.memory_space<vmem>> -> memref<1x64xf32, #tpu.memory_space<vmem>>
      %dma_start3A_377 = arith.constant 0 : i32
      %dma_start3A_378 = arith.constant 0 : i32
      %dma_start3A_379 = tpu.memref_slice %arg2[%shift_right_arithmetic3A_369, %dma_start3A_377, %dma_start3A_378] : memref<125000x8x64xf32, #tpu.memory_space<hbm>> -> memref<1x8x64xf32, #tpu.memory_space<hbm>>
      %dma_start3A_380 = tpu.memref_squeeze %dma_start3A_379 : memref<1x8x64xf32, #tpu.memory_space<hbm>> -> memref<8x64xf32, #tpu.memory_space<hbm>>
      %dma_start3A_381 = arith.constant 0 : i32
      %dma_start3A_382 = tpu.memref_slice %dma_start3A_380[%and3A_371, %dma_start3A_381] : memref<8x64xf32, #tpu.memory_space<hbm>> -> memref<1x64xf32, #tpu.memory_space<hbm>>
      %dma_start3A_383 = arith.constant 12 : i32
      %dma_start3A_384 = arith.constant 0 : i32
      %dma_start3A_385 = tpu.memref_slice %arg6[%dma_start3A_372, %dma_start3A_383, %dma_start3A_384] : memref<2x32x64xf32, #tpu.memory_space<vmem>> -> memref<1x1x64xf32, #tpu.memory_space<vmem>>
      %dma_start3A_386 = tpu.memref_squeeze %dma_start3A_385 : memref<1x1x64xf32, #tpu.memory_space<vmem>> -> memref<1x64xf32, #tpu.memory_space<vmem>>
      %dma_start3A_387 = arith.constant 0 : i32
      %dma_start3A_388 = arith.constant 0 : i32
      %dma_start3A_389 = tpu.memref_slice %arg2[%shift_right_arithmetic3A_369, %dma_start3A_387, %dma_start3A_388] : memref<125000x8x64xf32, #tpu.memory_space<hbm>> -> memref<1x8x64xf32, #tpu.memory_space<hbm>>
      %dma_start3A_390 = tpu.memref_squeeze %dma_start3A_389 : memref<1x8x64xf32, #tpu.memory_space<hbm>> -> memref<8x64xf32, #tpu.memory_space<hbm>>
      %dma_start3A_391 = arith.constant 0 : i32
      %dma_start3A_392 = tpu.memref_slice %dma_start3A_390[%and3A_371, %dma_start3A_391] : memref<8x64xf32, #tpu.memory_space<hbm>> -> memref<1x64xf32, #tpu.memory_space<hbm>>
      tpu.enqueue_dma source(%dma_start3A_392 : memref<1x64xf32, #tpu.memory_space<hbm>>) target(%dma_start3A_386 : memref<1x64xf32, #tpu.memory_space<vmem>>) target_semaphore(%arg7 : memref<!tpu.dma_semaphore, #tpu.memory_space<semaphore_mem>>)
      %slice3A_393 = vector.extract_strided_slice %get3A_46 {offsets = [13], sizes = [1], strides = [1]} : vector<16xi32> to vector<1xi32>
      %squeeze3A_394 = vector.extract %slice3A_393[0] : i32 from vector<1xi32>
      %shift_right_arithmetic3A_395 = arith.constant 3 : i32
      %shift_right_arithmetic3A_396 = arith.shrsi %squeeze3A_394, %shift_right_arithmetic3A_395 : i32
      %and3A_397 = arith.constant 7 : i32
      %and3A_398 = arith.andi %squeeze3A_394, %and3A_397 : i32
      %dma_start3A_399 = arith.constant 0 : i32
      %dma_start3A_400 = arith.constant 13 : i32
      %dma_start3A_401 = arith.constant 0 : i32
      %dma_start3A_402 = tpu.memref_slice %arg6[%dma_start3A_399, %dma_start3A_400, %dma_start3A_401] : memref<2x32x64xf32, #tpu.memory_space<vmem>> -> memref<1x1x64xf32, #tpu.memory_space<vmem>>
      %dma_start3A_403 = tpu.memref_squeeze %dma_start3A_402 : memref<1x1x64xf32, #tpu.memory_space<vmem>> -> memref<1x64xf32, #tpu.memory_space<vmem>>
      %dma_start3A_404 = arith.constant 0 : i32
      %dma_start3A_405 = arith.constant 0 : i32
      %dma_start3A_406 = tpu.memref_slice %arg2[%shift_right_arithmetic3A_396, %dma_start3A_404, %dma_start3A_405] : memref<125000x8x64xf32, #tpu.memory_space<hbm>> -> memref<1x8x64xf32, #tpu.memory_space<hbm>>
      %dma_start3A_407 = tpu.memref_squeeze %dma_start3A_406 : memref<1x8x64xf32, #tpu.memory_space<hbm>> -> memref<8x64xf32, #tpu.memory_space<hbm>>
      %dma_start3A_408 = arith.constant 0 : i32
      %dma_start3A_409 = tpu.memref_slice %dma_start3A_407[%and3A_398, %dma_start3A_408] : memref<8x64xf32, #tpu.memory_space<hbm>> -> memref<1x64xf32, #tpu.memory_space<hbm>>
      %dma_start3A_410 = arith.constant 13 : i32
      %dma_start3A_411 = arith.constant 0 : i32
      %dma_start3A_412 = tpu.memref_slice %arg6[%dma_start3A_399, %dma_start3A_410, %dma_start3A_411] : memref<2x32x64xf32, #tpu.memory_space<vmem>> -> memref<1x1x64xf32, #tpu.memory_space<vmem>>
      %dma_start3A_413 = tpu.memref_squeeze %dma_start3A_412 : memref<1x1x64xf32, #tpu.memory_space<vmem>> -> memref<1x64xf32, #tpu.memory_space<vmem>>
      %dma_start3A_414 = arith.constant 0 : i32
      %dma_start3A_415 = arith.constant 0 : i32
      %dma_start3A_416 = tpu.memref_slice %arg2[%shift_right_arithmetic3A_396, %dma_start3A_414, %dma_start3A_415] : memref<125000x8x64xf32, #tpu.memory_space<hbm>> -> memref<1x8x64xf32, #tpu.memory_space<hbm>>
      %dma_start3A_417 = tpu.memref_squeeze %dma_start3A_416 : memref<1x8x64xf32, #tpu.memory_space<hbm>> -> memref<8x64xf32, #tpu.memory_space<hbm>>
      %dma_start3A_418 = arith.constant 0 : i32
      %dma_start3A_419 = tpu.memref_slice %dma_start3A_417[%and3A_398, %dma_start3A_418] : memref<8x64xf32, #tpu.memory_space<hbm>> -> memref<1x64xf32, #tpu.memory_space<hbm>>
      tpu.enqueue_dma source(%dma_start3A_419 : memref<1x64xf32, #tpu.memory_space<hbm>>) target(%dma_start3A_413 : memref<1x64xf32, #tpu.memory_space<vmem>>) target_semaphore(%arg7 : memref<!tpu.dma_semaphore, #tpu.memory_space<semaphore_mem>>)
      %slice3A_420 = vector.extract_strided_slice %get3A_46 {offsets = [14], sizes = [1], strides = [1]} : vector<16xi32> to vector<1xi32>
      %squeeze3A_421 = vector.extract %slice3A_420[0] : i32 from vector<1xi32>
      %shift_right_arithmetic3A_422 = arith.constant 3 : i32
      %shift_right_arithmetic3A_423 = arith.shrsi %squeeze3A_421, %shift_right_arithmetic3A_422 : i32
      %and3A_424 = arith.constant 7 : i32
      %and3A_425 = arith.andi %squeeze3A_421, %and3A_424 : i32
      %dma_start3A_426 = arith.constant 0 : i32
      %dma_start3A_427 = arith.constant 14 : i32
      %dma_start3A_428 = arith.constant 0 : i32
      %dma_start3A_429 = tpu.memref_slice %arg6[%dma_start3A_426, %dma_start3A_427, %dma_start3A_428] : memref<2x32x64xf32, #tpu.memory_space<vmem>> -> memref<1x1x64xf32, #tpu.memory_space<vmem>>
      %dma_start3A_430 = tpu.memref_squeeze %dma_start3A_429 : memref<1x1x64xf32, #tpu.memory_space<vmem>> -> memref<1x64xf32, #tpu.memory_space<vmem>>
      %dma_start3A_431 = arith.constant 0 : i32
      %dma_start3A_432 = arith.constant 0 : i32
      %dma_start3A_433 = tpu.memref_slice %arg2[%shift_right_arithmetic3A_423, %dma_start3A_431, %dma_start3A_432] : memref<125000x8x64xf32, #tpu.memory_space<hbm>> -> memref<1x8x64xf32, #tpu.memory_space<hbm>>
      %dma_start3A_434 = tpu.memref_squeeze %dma_start3A_433 : memref<1x8x64xf32, #tpu.memory_space<hbm>> -> memref<8x64xf32, #tpu.memory_space<hbm>>
      %dma_start3A_435 = arith.constant 0 : i32
      %dma_start3A_436 = tpu.memref_slice %dma_start3A_434[%and3A_425, %dma_start3A_435] : memref<8x64xf32, #tpu.memory_space<hbm>> -> memref<1x64xf32, #tpu.memory_space<hbm>>
      %dma_start3A_437 = arith.constant 14 : i32
      %dma_start3A_438 = arith.constant 0 : i32
      %dma_start3A_439 = tpu.memref_slice %arg6[%dma_start3A_426, %dma_start3A_437, %dma_start3A_438] : memref<2x32x64xf32, #tpu.memory_space<vmem>> -> memref<1x1x64xf32, #tpu.memory_space<vmem>>
      %dma_start3A_440 = tpu.memref_squeeze %dma_start3A_439 : memref<1x1x64xf32, #tpu.memory_space<vmem>> -> memref<1x64xf32, #tpu.memory_space<vmem>>
      %dma_start3A_441 = arith.constant 0 : i32
      %dma_start3A_442 = arith.constant 0 : i32
      %dma_start3A_443 = tpu.memref_slice %arg2[%shift_right_arithmetic3A_423, %dma_start3A_441, %dma_start3A_442] : memref<125000x8x64xf32, #tpu.memory_space<hbm>> -> memref<1x8x64xf32, #tpu.memory_space<hbm>>
      %dma_start3A_444 = tpu.memref_squeeze %dma_start3A_443 : memref<1x8x64xf32, #tpu.memory_space<hbm>> -> memref<8x64xf32, #tpu.memory_space<hbm>>
      %dma_start3A_445 = arith.constant 0 : i32
      %dma_start3A_446 = tpu.memref_slice %dma_start3A_444[%and3A_425, %dma_start3A_445] : memref<8x64xf32, #tpu.memory_space<hbm>> -> memref<1x64xf32, #tpu.memory_space<hbm>>
      tpu.enqueue_dma source(%dma_start3A_446 : memref<1x64xf32, #tpu.memory_space<hbm>>) target(%dma_start3A_440 : memref<1x64xf32, #tpu.memory_space<vmem>>) target_semaphore(%arg7 : memref<!tpu.dma_semaphore, #tpu.memory_space<semaphore_mem>>)
      %slice3A_447 = vector.extract_strided_slice %get3A_46 {offsets = [15], sizes = [1], strides = [1]} : vector<16xi32> to vector<1xi32>
      %squeeze3A_448 = vector.extract %slice3A_447[0] : i32 from vector<1xi32>
      %shift_right_arithmetic3A_449 = arith.constant 3 : i32
      %shift_right_arithmetic3A_450 = arith.shrsi %squeeze3A_448, %shift_right_arithmetic3A_449 : i32
      %and3A_451 = arith.constant 7 : i32
      %and3A_452 = arith.andi %squeeze3A_448, %and3A_451 : i32
      %dma_start3A_453 = arith.constant 0 : i32
      %dma_start3A_454 = arith.constant 15 : i32
      %dma_start3A_455 = arith.constant 0 : i32
      %dma_start3A_456 = tpu.memref_slice %arg6[%dma_start3A_453, %dma_start3A_454, %dma_start3A_455] : memref<2x32x64xf32, #tpu.memory_space<vmem>> -> memref<1x1x64xf32, #tpu.memory_space<vmem>>
      %dma_start3A_457 = tpu.memref_squeeze %dma_start3A_456 : memref<1x1x64xf32, #tpu.memory_space<vmem>> -> memref<1x64xf32, #tpu.memory_space<vmem>>
      %dma_start3A_458 = arith.constant 0 : i32
      %dma_start3A_459 = arith.constant 0 : i32
      %dma_start3A_460 = tpu.memref_slice %arg2[%shift_right_arithmetic3A_450, %dma_start3A_458, %dma_start3A_459] : memref<125000x8x64xf32, #tpu.memory_space<hbm>> -> memref<1x8x64xf32, #tpu.memory_space<hbm>>
      %dma_start3A_461 = tpu.memref_squeeze %dma_start3A_460 : memref<1x8x64xf32, #tpu.memory_space<hbm>> -> memref<8x64xf32, #tpu.memory_space<hbm>>
      %dma_start3A_462 = arith.constant 0 : i32
      %dma_start3A_463 = tpu.memref_slice %dma_start3A_461[%and3A_452, %dma_start3A_462] : memref<8x64xf32, #tpu.memory_space<hbm>> -> memref<1x64xf32, #tpu.memory_space<hbm>>
      %dma_start3A_464 = arith.constant 15 : i32
      %dma_start3A_465 = arith.constant 0 : i32
      %dma_start3A_466 = tpu.memref_slice %arg6[%dma_start3A_453, %dma_start3A_464, %dma_start3A_465] : memref<2x32x64xf32, #tpu.memory_space<vmem>> -> memref<1x1x64xf32, #tpu.memory_space<vmem>>
      %dma_start3A_467 = tpu.memref_squeeze %dma_start3A_466 : memref<1x1x64xf32, #tpu.memory_space<vmem>> -> memref<1x64xf32, #tpu.memory_space<vmem>>
      %dma_start3A_468 = arith.constant 0 : i32
      %dma_start3A_469 = arith.constant 0 : i32
      %dma_start3A_470 = tpu.memref_slice %arg2[%shift_right_arithmetic3A_450, %dma_start3A_468, %dma_start3A_469] : memref<125000x8x64xf32, #tpu.memory_space<hbm>> -> memref<1x8x64xf32, #tpu.memory_space<hbm>>
      %dma_start3A_471 = tpu.memref_squeeze %dma_start3A_470 : memref<1x8x64xf32, #tpu.memory_space<hbm>> -> memref<8x64xf32, #tpu.memory_space<hbm>>
      %dma_start3A_472 = arith.constant 0 : i32
      %dma_start3A_473 = tpu.memref_slice %dma_start3A_471[%and3A_452, %dma_start3A_472] : memref<8x64xf32, #tpu.memory_space<hbm>> -> memref<1x64xf32, #tpu.memory_space<hbm>>
      tpu.enqueue_dma source(%dma_start3A_473 : memref<1x64xf32, #tpu.memory_space<hbm>>) target(%dma_start3A_467 : memref<1x64xf32, #tpu.memory_space<vmem>>) target_semaphore(%arg7 : memref<!tpu.dma_semaphore, #tpu.memory_space<semaphore_mem>>)
      %get3A_474 = arith.index_cast %add3A_41 : i32 to index
      %get3A_475 = arith.constant 16 : index
      %get3A_476 = tpu.vector_load %arg5[%get3A_474, %get3A_475] {strides = array<i32>} : memref<50x32xi32, #tpu.memory_space<vmem>>, vector<1x16xi32>,
      %get3A_477 = vector.shape_cast %get3A_476 : vector<1x16xi32> to vector<16xi32>
      %slice3A_478 = vector.extract_strided_slice %get3A_477 {offsets = [0], sizes = [1], strides = [1]} : vector<16xi32> to vector<1xi32>
      %squeeze3A_479 = vector.extract %slice3A_478[0] : i32 from vector<1xi32>
      %shift_right_arithmetic3A_480 = arith.constant 3 : i32
      %shift_right_arithmetic3A_481 = arith.shrsi %squeeze3A_479, %shift_right_arithmetic3A_480 : i32
      %and3A_482 = arith.constant 7 : i32
      %and3A_483 = arith.andi %squeeze3A_479, %and3A_482 : i32
      %dma_start3A_484 = arith.constant 0 : i32
      %dma_start3A_485 = arith.constant 16 : i32
      %dma_start3A_486 = arith.constant 0 : i32
      %dma_start3A_487 = tpu.memref_slice %arg6[%dma_start3A_484, %dma_start3A_485, %dma_start3A_486] : memref<2x32x64xf32, #tpu.memory_space<vmem>> -> memref<1x1x64xf32, #tpu.memory_space<vmem>>
      %dma_start3A_488 = tpu.memref_squeeze %dma_start3A_487 : memref<1x1x64xf32, #tpu.memory_space<vmem>> -> memref<1x64xf32, #tpu.memory_space<vmem>>
      %dma_start3A_489 = arith.constant 0 : i32
      %dma_start3A_490 = arith.constant 0 : i32
      %dma_start3A_491 = tpu.memref_slice %arg2[%shift_right_arithmetic3A_481, %dma_start3A_489, %dma_start3A_490] : memref<125000x8x64xf32, #tpu.memory_space<hbm>> -> memref<1x8x64xf32, #tpu.memory_space<hbm>>
      %dma_start3A_492 = tpu.memref_squeeze %dma_start3A_491 : memref<1x8x64xf32, #tpu.memory_space<hbm>> -> memref<8x64xf32, #tpu.memory_space<hbm>>
      %dma_start3A_493 = arith.constant 0 : i32
      %dma_start3A_494 = tpu.memref_slice %dma_start3A_492[%and3A_483, %dma_start3A_493] : memref<8x64xf32, #tpu.memory_space<hbm>> -> memref<1x64xf32, #tpu.memory_space<hbm>>
      %dma_start3A_495 = arith.constant 16 : i32
      %dma_start3A_496 = arith.constant 0 : i32
      %dma_start3A_497 = tpu.memref_slice %arg6[%dma_start3A_484, %dma_start3A_495, %dma_start3A_496] : memref<2x32x64xf32, #tpu.memory_space<vmem>> -> memref<1x1x64xf32, #tpu.memory_space<vmem>>
      %dma_start3A_498 = tpu.memref_squeeze %dma_start3A_497 : memref<1x1x64xf32, #tpu.memory_space<vmem>> -> memref<1x64xf32, #tpu.memory_space<vmem>>
      %dma_start3A_499 = arith.constant 0 : i32
      %dma_start3A_500 = arith.constant 0 : i32
      %dma_start3A_501 = tpu.memref_slice %arg2[%shift_right_arithmetic3A_481, %dma_start3A_499, %dma_start3A_500] : memref<125000x8x64xf32, #tpu.memory_space<hbm>> -> memref<1x8x64xf32, #tpu.memory_space<hbm>>
      %dma_start3A_502 = tpu.memref_squeeze %dma_start3A_501 : memref<1x8x64xf32, #tpu.memory_space<hbm>> -> memref<8x64xf32, #tpu.memory_space<hbm>>
      %dma_start3A_503 = arith.constant 0 : i32
      %dma_start3A_504 = tpu.memref_slice %dma_start3A_502[%and3A_483, %dma_start3A_503] : memref<8x64xf32, #tpu.memory_space<hbm>> -> memref<1x64xf32, #tpu.memory_space<hbm>>
      tpu.enqueue_dma source(%dma_start3A_504 : memref<1x64xf32, #tpu.memory_space<hbm>>) target(%dma_start3A_498 : memref<1x64xf32, #tpu.memory_space<vmem>>) target_semaphore(%arg7 : memref<!tpu.dma_semaphore, #tpu.memory_space<semaphore_mem>>)
      %slice3A_505 = vector.extract_strided_slice %get3A_477 {offsets = [1], sizes = [1], strides = [1]} : vector<16xi32> to vector<1xi32>
      %squeeze3A_506 = vector.extract %slice3A_505[0] : i32 from vector<1xi32>
      %shift_right_arithmetic3A_507 = arith.constant 3 : i32
      %shift_right_arithmetic3A_508 = arith.shrsi %squeeze3A_506, %shift_right_arithmetic3A_507 : i32
      %and3A_509 = arith.constant 7 : i32
      %and3A_510 = arith.andi %squeeze3A_506, %and3A_509 : i32
      %dma_start3A_511 = arith.constant 0 : i32
      %dma_start3A_512 = arith.constant 17 : i32
      %dma_start3A_513 = arith.constant 0 : i32
      %dma_start3A_514 = tpu.memref_slice %arg6[%dma_start3A_511, %dma_start3A_512, %dma_start3A_513] : memref<2x32x64xf32, #tpu.memory_space<vmem>> -> memref<1x1x64xf32, #tpu.memory_space<vmem>>
      %dma_start3A_515 = tpu.memref_squeeze %dma_start3A_514 : memref<1x1x64xf32, #tpu.memory_space<vmem>> -> memref<1x64xf32, #tpu.memory_space<vmem>>
      %dma_start3A_516 = arith.constant 0 : i32
      %dma_start3A_517 = arith.constant 0 : i32
      %dma_start3A_518 = tpu.memref_slice %arg2[%shift_right_arithmetic3A_508, %dma_start3A_516, %dma_start3A_517] : memref<125000x8x64xf32, #tpu.memory_space<hbm>> -> memref<1x8x64xf32, #tpu.memory_space<hbm>>
      %dma_start3A_519 = tpu.memref_squeeze %dma_start3A_518 : memref<1x8x64xf32, #tpu.memory_space<hbm>> -> memref<8x64xf32, #tpu.memory_space<hbm>>
      %dma_start3A_520 = arith.constant 0 : i32
      %dma_start3A_521 = tpu.memref_slice %dma_start3A_519[%and3A_510, %dma_start3A_520] : memref<8x64xf32, #tpu.memory_space<hbm>> -> memref<1x64xf32, #tpu.memory_space<hbm>>
      %dma_start3A_522 = arith.constant 17 : i32
      %dma_start3A_523 = arith.constant 0 : i32
      %dma_start3A_524 = tpu.memref_slice %arg6[%dma_start3A_511, %dma_start3A_522, %dma_start3A_523] : memref<2x32x64xf32, #tpu.memory_space<vmem>> -> memref<1x1x64xf32, #tpu.memory_space<vmem>>
      %dma_start3A_525 = tpu.memref_squeeze %dma_start3A_524 : memref<1x1x64xf32, #tpu.memory_space<vmem>> -> memref<1x64xf32, #tpu.memory_space<vmem>>
      %dma_start3A_526 = arith.constant 0 : i32
      %dma_start3A_527 = arith.constant 0 : i32
      %dma_start3A_528 = tpu.memref_slice %arg2[%shift_right_arithmetic3A_508, %dma_start3A_526, %dma_start3A_527] : memref<125000x8x64xf32, #tpu.memory_space<hbm>> -> memref<1x8x64xf32, #tpu.memory_space<hbm>>
      %dma_start3A_529 = tpu.memref_squeeze %dma_start3A_528 : memref<1x8x64xf32, #tpu.memory_space<hbm>> -> memref<8x64xf32, #tpu.memory_space<hbm>>
      %dma_start3A_530 = arith.constant 0 : i32
      %dma_start3A_531 = tpu.memref_slice %dma_start3A_529[%and3A_510, %dma_start3A_530] : memref<8x64xf32, #tpu.memory_space<hbm>> -> memref<1x64xf32, #tpu.memory_space<hbm>>
      tpu.enqueue_dma source(%dma_start3A_531 : memref<1x64xf32, #tpu.memory_space<hbm>>) target(%dma_start3A_525 : memref<1x64xf32, #tpu.memory_space<vmem>>) target_semaphore(%arg7 : memref<!tpu.dma_semaphore, #tpu.memory_space<semaphore_mem>>)
      %slice3A_532 = vector.extract_strided_slice %get3A_477 {offsets = [2], sizes = [1], strides = [1]} : vector<16xi32> to vector<1xi32>
      %squeeze3A_533 = vector.extract %slice3A_532[0] : i32 from vector<1xi32>
      %shift_right_arithmetic3A_534 = arith.constant 3 : i32
      %shift_right_arithmetic3A_535 = arith.shrsi %squeeze3A_533, %shift_right_arithmetic3A_534 : i32
      %and3A_536 = arith.constant 7 : i32
      %and3A_537 = arith.andi %squeeze3A_533, %and3A_536 : i32
      %dma_start3A_538 = arith.constant 0 : i32
      %dma_start3A_539 = arith.constant 18 : i32
      %dma_start3A_540 = arith.constant 0 : i32
      %dma_start3A_541 = tpu.memref_slice %arg6[%dma_start3A_538, %dma_start3A_539, %dma_start3A_540] : memref<2x32x64xf32, #tpu.memory_space<vmem>> -> memref<1x1x64xf32, #tpu.memory_space<vmem>>
      %dma_start3A_542 = tpu.memref_squeeze %dma_start3A_541 : memref<1x1x64xf32, #tpu.memory_space<vmem>> -> memref<1x64xf32, #tpu.memory_space<vmem>>
      %dma_start3A_543 = arith.constant 0 : i32
      %dma_start3A_544 = arith.constant 0 : i32
      %dma_start3A_545 = tpu.memref_slice %arg2[%shift_right_arithmetic3A_535, %dma_start3A_543, %dma_start3A_544] : memref<125000x8x64xf32, #tpu.memory_space<hbm>> -> memref<1x8x64xf32, #tpu.memory_space<hbm>>
      %dma_start3A_546 = tpu.memref_squeeze %dma_start3A_545 : memref<1x8x64xf32, #tpu.memory_space<hbm>> -> memref<8x64xf32, #tpu.memory_space<hbm>>
      %dma_start3A_547 = arith.constant 0 : i32
      %dma_start3A_548 = tpu.memref_slice %dma_start3A_546[%and3A_537, %dma_start3A_547] : memref<8x64xf32, #tpu.memory_space<hbm>> -> memref<1x64xf32, #tpu.memory_space<hbm>>
      %dma_start3A_549 = arith.constant 18 : i32
      %dma_start3A_550 = arith.constant 0 : i32
      %dma_start3A_551 = tpu.memref_slice %arg6[%dma_start3A_538, %dma_start3A_549, %dma_start3A_550] : memref<2x32x64xf32, #tpu.memory_space<vmem>> -> memref<1x1x64xf32, #tpu.memory_space<vmem>>
      %dma_start3A_552 = tpu.memref_squeeze %dma_start3A_551 : memref<1x1x64xf32, #tpu.memory_space<vmem>> -> memref<1x64xf32, #tpu.memory_space<vmem>>
      %dma_start3A_553 = arith.constant 0 : i32
      %dma_start3A_554 = arith.constant 0 : i32
      %dma_start3A_555 = tpu.memref_slice %arg2[%shift_right_arithmetic3A_535, %dma_start3A_553, %dma_start3A_554] : memref<125000x8x64xf32, #tpu.memory_space<hbm>> -> memref<1x8x64xf32, #tpu.memory_space<hbm>>
      %dma_start3A_556 = tpu.memref_squeeze %dma_start3A_555 : memref<1x8x64xf32, #tpu.memory_space<hbm>> -> memref<8x64xf32, #tpu.memory_space<hbm>>
      %dma_start3A_557 = arith.constant 0 : i32
      %dma_start3A_558 = tpu.memref_slice %dma_start3A_556[%and3A_537, %dma_start3A_557] : memref<8x64xf32, #tpu.memory_space<hbm>> -> memref<1x64xf32, #tpu.memory_space<hbm>>
      tpu.enqueue_dma source(%dma_start3A_558 : memref<1x64xf32, #tpu.memory_space<hbm>>) target(%dma_start3A_552 : memref<1x64xf32, #tpu.memory_space<vmem>>) target_semaphore(%arg7 : memref<!tpu.dma_semaphore, #tpu.memory_space<semaphore_mem>>)
      %slice3A_559 = vector.extract_strided_slice %get3A_477 {offsets = [3], sizes = [1], strides = [1]} : vector<16xi32> to vector<1xi32>
      %squeeze3A_560 = vector.extract %slice3A_559[0] : i32 from vector<1xi32>
      %shift_right_arithmetic3A_561 = arith.constant 3 : i32
      %shift_right_arithmetic3A_562 = arith.shrsi %squeeze3A_560, %shift_right_arithmetic3A_561 : i32
      %and3A_563 = arith.constant 7 : i32
      %and3A_564 = arith.andi %squeeze3A_560, %and3A_563 : i32
      %dma_start3A_565 = arith.constant 0 : i32
      %dma_start3A_566 = arith.constant 19 : i32
      %dma_start3A_567 = arith.constant 0 : i32
      %dma_start3A_568 = tpu.memref_slice %arg6[%dma_start3A_565, %dma_start3A_566, %dma_start3A_567] : memref<2x32x64xf32, #tpu.memory_space<vmem>> -> memref<1x1x64xf32, #tpu.memory_space<vmem>>
      %dma_start3A_569 = tpu.memref_squeeze %dma_start3A_568 : memref<1x1x64xf32, #tpu.memory_space<vmem>> -> memref<1x64xf32, #tpu.memory_space<vmem>>
      %dma_start3A_570 = arith.constant 0 : i32
      %dma_start3A_571 = arith.constant 0 : i32
      %dma_start3A_572 = tpu.memref_slice %arg2[%shift_right_arithmetic3A_562, %dma_start3A_570, %dma_start3A_571] : memref<125000x8x64xf32, #tpu.memory_space<hbm>> -> memref<1x8x64xf32, #tpu.memory_space<hbm>>
      %dma_start3A_573 = tpu.memref_squeeze %dma_start3A_572 : memref<1x8x64xf32, #tpu.memory_space<hbm>> -> memref<8x64xf32, #tpu.memory_space<hbm>>
      %dma_start3A_574 = arith.constant 0 : i32
      %dma_start3A_575 = tpu.memref_slice %dma_start3A_573[%and3A_564, %dma_start3A_574] : memref<8x64xf32, #tpu.memory_space<hbm>> -> memref<1x64xf32, #tpu.memory_space<hbm>>
      %dma_start3A_576 = arith.constant 19 : i32
      %dma_start3A_577 = arith.constant 0 : i32
      %dma_start3A_578 = tpu.memref_slice %arg6[%dma_start3A_565, %dma_start3A_576, %dma_start3A_577] : memref<2x32x64xf32, #tpu.memory_space<vmem>> -> memref<1x1x64xf32, #tpu.memory_space<vmem>>
      %dma_start3A_579 = tpu.memref_squeeze %dma_start3A_578 : memref<1x1x64xf32, #tpu.memory_space<vmem>> -> memref<1x64xf32, #tpu.memory_space<vmem>>
      %dma_start3A_580 = arith.constant 0 : i32
      %dma_start3A_581 = arith.constant 0 : i32
      %dma_start3A_582 = tpu.memref_slice %arg2[%shift_right_arithmetic3A_562, %dma_start3A_580, %dma_start3A_581] : memref<125000x8x64xf32, #tpu.memory_space<hbm>> -> memref<1x8x64xf32, #tpu.memory_space<hbm>>
      %dma_start3A_583 = tpu.memref_squeeze %dma_start3A_582 : memref<1x8x64xf32, #tpu.memory_space<hbm>> -> memref<8x64xf32, #tpu.memory_space<hbm>>
      %dma_start3A_584 = arith.constant 0 : i32
      %dma_start3A_585 = tpu.memref_slice %dma_start3A_583[%and3A_564, %dma_start3A_584] : memref<8x64xf32, #tpu.memory_space<hbm>> -> memref<1x64xf32, #tpu.memory_space<hbm>>
      tpu.enqueue_dma source(%dma_start3A_585 : memref<1x64xf32, #tpu.memory_space<hbm>>) target(%dma_start3A_579 : memref<1x64xf32, #tpu.memory_space<vmem>>) target_semaphore(%arg7 : memref<!tpu.dma_semaphore, #tpu.memory_space<semaphore_mem>>)
      %slice3A_586 = vector.extract_strided_slice %get3A_477 {offsets = [4], sizes = [1], strides = [1]} : vector<16xi32> to vector<1xi32>
      %squeeze3A_587 = vector.extract %slice3A_586[0] : i32 from vector<1xi32>
      %shift_right_arithmetic3A_588 = arith.constant 3 : i32
      %shift_right_arithmetic3A_589 = arith.shrsi %squeeze3A_587, %shift_right_arithmetic3A_588 : i32
      %and3A_590 = arith.constant 7 : i32
      %and3A_591 = arith.andi %squeeze3A_587, %and3A_590 : i32
      %dma_start3A_592 = arith.constant 0 : i32
      %dma_start3A_593 = arith.constant 20 : i32
      %dma_start3A_594 = arith.constant 0 : i32
      %dma_start3A_595 = tpu.memref_slice %arg6[%dma_start3A_592, %dma_start3A_593, %dma_start3A_594] : memref<2x32x64xf32, #tpu.memory_space<vmem>> -> memref<1x1x64xf32, #tpu.memory_space<vmem>>
      %dma_start3A_596 = tpu.memref_squeeze %dma_start3A_595 : memref<1x1x64xf32, #tpu.memory_space<vmem>> -> memref<1x64xf32, #tpu.memory_space<vmem>>
      %dma_start3A_597 = arith.constant 0 : i32
      %dma_start3A_598 = arith.constant 0 : i32
      %dma_start3A_599 = tpu.memref_slice %arg2[%shift_right_arithmetic3A_589, %dma_start3A_597, %dma_start3A_598] : memref<125000x8x64xf32, #tpu.memory_space<hbm>> -> memref<1x8x64xf32, #tpu.memory_space<hbm>>
      %dma_start3A_600 = tpu.memref_squeeze %dma_start3A_599 : memref<1x8x64xf32, #tpu.memory_space<hbm>> -> memref<8x64xf32, #tpu.memory_space<hbm>>
      %dma_start3A_601 = arith.constant 0 : i32
      %dma_start3A_602 = tpu.memref_slice %dma_start3A_600[%and3A_591, %dma_start3A_601] : memref<8x64xf32, #tpu.memory_space<hbm>> -> memref<1x64xf32, #tpu.memory_space<hbm>>
      %dma_start3A_603 = arith.constant 20 : i32
      %dma_start3A_604 = arith.constant 0 : i32
      %dma_start3A_605 = tpu.memref_slice %arg6[%dma_start3A_592, %dma_start3A_603, %dma_start3A_604] : memref<2x32x64xf32, #tpu.memory_space<vmem>> -> memref<1x1x64xf32, #tpu.memory_space<vmem>>
      %dma_start3A_606 = tpu.memref_squeeze %dma_start3A_605 : memref<1x1x64xf32, #tpu.memory_space<vmem>> -> memref<1x64xf32, #tpu.memory_space<vmem>>
      %dma_start3A_607 = arith.constant 0 : i32
      %dma_start3A_608 = arith.constant 0 : i32
      %dma_start3A_609 = tpu.memref_slice %arg2[%shift_right_arithmetic3A_589, %dma_start3A_607, %dma_start3A_608] : memref<125000x8x64xf32, #tpu.memory_space<hbm>> -> memref<1x8x64xf32, #tpu.memory_space<hbm>>
      %dma_start3A_610 = tpu.memref_squeeze %dma_start3A_609 : memref<1x8x64xf32, #tpu.memory_space<hbm>> -> memref<8x64xf32, #tpu.memory_space<hbm>>
      %dma_start3A_611 = arith.constant 0 : i32
      %dma_start3A_612 = tpu.memref_slice %dma_start3A_610[%and3A_591, %dma_start3A_611] : memref<8x64xf32, #tpu.memory_space<hbm>> -> memref<1x64xf32, #tpu.memory_space<hbm>>
      tpu.enqueue_dma source(%dma_start3A_612 : memref<1x64xf32, #tpu.memory_space<hbm>>) target(%dma_start3A_606 : memref<1x64xf32, #tpu.memory_space<vmem>>) target_semaphore(%arg7 : memref<!tpu.dma_semaphore, #tpu.memory_space<semaphore_mem>>)
      %slice3A_613 = vector.extract_strided_slice %get3A_477 {offsets = [5], sizes = [1], strides = [1]} : vector<16xi32> to vector<1xi32>
      %squeeze3A_614 = vector.extract %slice3A_613[0] : i32 from vector<1xi32>
      %shift_right_arithmetic3A_615 = arith.constant 3 : i32
      %shift_right_arithmetic3A_616 = arith.shrsi %squeeze3A_614, %shift_right_arithmetic3A_615 : i32
      %and3A_617 = arith.constant 7 : i32
      %and3A_618 = arith.andi %squeeze3A_614, %and3A_617 : i32
      %dma_start3A_619 = arith.constant 0 : i32
      %dma_start3A_620 = arith.constant 21 : i32
      %dma_start3A_621 = arith.constant 0 : i32
      %dma_start3A_622 = tpu.memref_slice %arg6[%dma_start3A_619, %dma_start3A_620, %dma_start3A_621] : memref<2x32x64xf32, #tpu.memory_space<vmem>> -> memref<1x1x64xf32, #tpu.memory_space<vmem>>
      %dma_start3A_623 = tpu.memref_squeeze %dma_start3A_622 : memref<1x1x64xf32, #tpu.memory_space<vmem>> -> memref<1x64xf32, #tpu.memory_space<vmem>>
      %dma_start3A_624 = arith.constant 0 : i32
      %dma_start3A_625 = arith.constant 0 : i32
      %dma_start3A_626 = tpu.memref_slice %arg2[%shift_right_arithmetic3A_616, %dma_start3A_624, %dma_start3A_625] : memref<125000x8x64xf32, #tpu.memory_space<hbm>> -> memref<1x8x64xf32, #tpu.memory_space<hbm>>
      %dma_start3A_627 = tpu.memref_squeeze %dma_start3A_626 : memref<1x8x64xf32, #tpu.memory_space<hbm>> -> memref<8x64xf32, #tpu.memory_space<hbm>>
      %dma_start3A_628 = arith.constant 0 : i32
      %dma_start3A_629 = tpu.memref_slice %dma_start3A_627[%and3A_618, %dma_start3A_628] : memref<8x64xf32, #tpu.memory_space<hbm>> -> memref<1x64xf32, #tpu.memory_space<hbm>>
      %dma_start3A_630 = arith.constant 21 : i32
      %dma_start3A_631 = arith.constant 0 : i32
      %dma_start3A_632 = tpu.memref_slice %arg6[%dma_start3A_619, %dma_start3A_630, %dma_start3A_631] : memref<2x32x64xf32, #tpu.memory_space<vmem>> -> memref<1x1x64xf32, #tpu.memory_space<vmem>>
      %dma_start3A_633 = tpu.memref_squeeze %dma_start3A_632 : memref<1x1x64xf32, #tpu.memory_space<vmem>> -> memref<1x64xf32, #tpu.memory_space<vmem>>
      %dma_start3A_634 = arith.constant 0 : i32
      %dma_start3A_635 = arith.constant 0 : i32
      %dma_start3A_636 = tpu.memref_slice %arg2[%shift_right_arithmetic3A_616, %dma_start3A_634, %dma_start3A_635] : memref<125000x8x64xf32, #tpu.memory_space<hbm>> -> memref<1x8x64xf32, #tpu.memory_space<hbm>>
      %dma_start3A_637 = tpu.memref_squeeze %dma_start3A_636 : memref<1x8x64xf32, #tpu.memory_space<hbm>> -> memref<8x64xf32, #tpu.memory_space<hbm>>
      %dma_start3A_638 = arith.constant 0 : i32
      %dma_start3A_639 = tpu.memref_slice %dma_start3A_637[%and3A_618, %dma_start3A_638] : memref<8x64xf32, #tpu.memory_space<hbm>> -> memref<1x64xf32, #tpu.memory_space<hbm>>
      tpu.enqueue_dma source(%dma_start3A_639 : memref<1x64xf32, #tpu.memory_space<hbm>>) target(%dma_start3A_633 : memref<1x64xf32, #tpu.memory_space<vmem>>) target_semaphore(%arg7 : memref<!tpu.dma_semaphore, #tpu.memory_space<semaphore_mem>>)
      %slice3A_640 = vector.extract_strided_slice %get3A_477 {offsets = [6], sizes = [1], strides = [1]} : vector<16xi32> to vector<1xi32>
      %squeeze3A_641 = vector.extract %slice3A_640[0] : i32 from vector<1xi32>
      %shift_right_arithmetic3A_642 = arith.constant 3 : i32
      %shift_right_arithmetic3A_643 = arith.shrsi %squeeze3A_641, %shift_right_arithmetic3A_642 : i32
      %and3A_644 = arith.constant 7 : i32
      %and3A_645 = arith.andi %squeeze3A_641, %and3A_644 : i32
      %dma_start3A_646 = arith.constant 0 : i32
      %dma_start3A_647 = arith.constant 22 : i32
      %dma_start3A_648 = arith.constant 0 : i32
      %dma_start3A_649 = tpu.memref_slice %arg6[%dma_start3A_646, %dma_start3A_647, %dma_start3A_648] : memref<2x32x64xf32, #tpu.memory_space<vmem>> -> memref<1x1x64xf32, #tpu.memory_space<vmem>>
      %dma_start3A_650 = tpu.memref_squeeze %dma_start3A_649 : memref<1x1x64xf32, #tpu.memory_space<vmem>> -> memref<1x64xf32, #tpu.memory_space<vmem>>
      %dma_start3A_651 = arith.constant 0 : i32
      %dma_start3A_652 = arith.constant 0 : i32
      %dma_start3A_653 = tpu.memref_slice %arg2[%shift_right_arithmetic3A_643, %dma_start3A_651, %dma_start3A_652] : memref<125000x8x64xf32, #tpu.memory_space<hbm>> -> memref<1x8x64xf32, #tpu.memory_space<hbm>>
      %dma_start3A_654 = tpu.memref_squeeze %dma_start3A_653 : memref<1x8x64xf32, #tpu.memory_space<hbm>> -> memref<8x64xf32, #tpu.memory_space<hbm>>
      %dma_start3A_655 = arith.constant 0 : i32
      %dma_start3A_656 = tpu.memref_slice %dma_start3A_654[%and3A_645, %dma_start3A_655] : memref<8x64xf32, #tpu.memory_space<hbm>> -> memref<1x64xf32, #tpu.memory_space<hbm>>
      %dma_start3A_657 = arith.constant 22 : i32
      %dma_start3A_658 = arith.constant 0 : i32
      %dma_start3A_659 = tpu.memref_slice %arg6[%dma_start3A_646, %dma_start3A_657, %dma_start3A_658] : memref<2x32x64xf32, #tpu.memory_space<vmem>> -> memref<1x1x64xf32, #tpu.memory_space<vmem>>
      %dma_start3A_660 = tpu.memref_squeeze %dma_start3A_659 : memref<1x1x64xf32, #tpu.memory_space<vmem>> -> memref<1x64xf32, #tpu.memory_space<vmem>>
      %dma_start3A_661 = arith.constant 0 : i32
      %dma_start3A_662 = arith.constant 0 : i32
      %dma_start3A_663 = tpu.memref_slice %arg2[%shift_right_arithmetic3A_643, %dma_start3A_661, %dma_start3A_662] : memref<125000x8x64xf32, #tpu.memory_space<hbm>> -> memref<1x8x64xf32, #tpu.memory_space<hbm>>
      %dma_start3A_664 = tpu.memref_squeeze %dma_start3A_663 : memref<1x8x64xf32, #tpu.memory_space<hbm>> -> memref<8x64xf32, #tpu.memory_space<hbm>>
      %dma_start3A_665 = arith.constant 0 : i32
      %dma_start3A_666 = tpu.memref_slice %dma_start3A_664[%and3A_645, %dma_start3A_665] : memref<8x64xf32, #tpu.memory_space<hbm>> -> memref<1x64xf32, #tpu.memory_space<hbm>>
      tpu.enqueue_dma source(%dma_start3A_666 : memref<1x64xf32, #tpu.memory_space<hbm>>) target(%dma_start3A_660 : memref<1x64xf32, #tpu.memory_space<vmem>>) target_semaphore(%arg7 : memref<!tpu.dma_semaphore, #tpu.memory_space<semaphore_mem>>)
      %slice3A_667 = vector.extract_strided_slice %get3A_477 {offsets = [7], sizes = [1], strides = [1]} : vector<16xi32> to vector<1xi32>
      %squeeze3A_668 = vector.extract %slice3A_667[0] : i32 from vector<1xi32>
      %shift_right_arithmetic3A_669 = arith.constant 3 : i32
      %shift_right_arithmetic3A_670 = arith.shrsi %squeeze3A_668, %shift_right_arithmetic3A_669 : i32
      %and3A_671 = arith.constant 7 : i32
      %and3A_672 = arith.andi %squeeze3A_668, %and3A_671 : i32
      %dma_start3A_673 = arith.constant 0 : i32
      %dma_start3A_674 = arith.constant 23 : i32
      %dma_start3A_675 = arith.constant 0 : i32
      %dma_start3A_676 = tpu.memref_slice %arg6[%dma_start3A_673, %dma_start3A_674, %dma_start3A_675] : memref<2x32x64xf32, #tpu.memory_space<vmem>> -> memref<1x1x64xf32, #tpu.memory_space<vmem>>
      %dma_start3A_677 = tpu.memref_squeeze %dma_start3A_676 : memref<1x1x64xf32, #tpu.memory_space<vmem>> -> memref<1x64xf32, #tpu.memory_space<vmem>>
      %dma_start3A_678 = arith.constant 0 : i32
      %dma_start3A_679 = arith.constant 0 : i32
      %dma_start3A_680 = tpu.memref_slice %arg2[%shift_right_arithmetic3A_670, %dma_start3A_678, %dma_start3A_679] : memref<125000x8x64xf32, #tpu.memory_space<hbm>> -> memref<1x8x64xf32, #tpu.memory_space<hbm>>
      %dma_start3A_681 = tpu.memref_squeeze %dma_start3A_680 : memref<1x8x64xf32, #tpu.memory_space<hbm>> -> memref<8x64xf32, #tpu.memory_space<hbm>>
      %dma_start3A_682 = arith.constant 0 : i32
      %dma_start3A_683 = tpu.memref_slice %dma_start3A_681[%and3A_672, %dma_start3A_682] : memref<8x64xf32, #tpu.memory_space<hbm>> -> memref<1x64xf32, #tpu.memory_space<hbm>>
      %dma_start3A_684 = arith.constant 23 : i32
      %dma_start3A_685 = arith.constant 0 : i32
      %dma_start3A_686 = tpu.memref_slice %arg6[%dma_start3A_673, %dma_start3A_684, %dma_start3A_685] : memref<2x32x64xf32, #tpu.memory_space<vmem>> -> memref<1x1x64xf32, #tpu.memory_space<vmem>>
      %dma_start3A_687 = tpu.memref_squeeze %dma_start3A_686 : memref<1x1x64xf32, #tpu.memory_space<vmem>> -> memref<1x64xf32, #tpu.memory_space<vmem>>
      %dma_start3A_688 = arith.constant 0 : i32
      %dma_start3A_689 = arith.constant 0 : i32
      %dma_start3A_690 = tpu.memref_slice %arg2[%shift_right_arithmetic3A_670, %dma_start3A_688, %dma_start3A_689] : memref<125000x8x64xf32, #tpu.memory_space<hbm>> -> memref<1x8x64xf32, #tpu.memory_space<hbm>>
      %dma_start3A_691 = tpu.memref_squeeze %dma_start3A_690 : memref<1x8x64xf32, #tpu.memory_space<hbm>> -> memref<8x64xf32, #tpu.memory_space<hbm>>
      %dma_start3A_692 = arith.constant 0 : i32
      %dma_start3A_693 = tpu.memref_slice %dma_start3A_691[%and3A_672, %dma_start3A_692] : memref<8x64xf32, #tpu.memory_space<hbm>> -> memref<1x64xf32, #tpu.memory_space<hbm>>
      tpu.enqueue_dma source(%dma_start3A_693 : memref<1x64xf32, #tpu.memory_space<hbm>>) target(%dma_start3A_687 : memref<1x64xf32, #tpu.memory_space<vmem>>) target_semaphore(%arg7 : memref<!tpu.dma_semaphore, #tpu.memory_space<semaphore_mem>>)
      %slice3A_694 = vector.extract_strided_slice %get3A_477 {offsets = [8], sizes = [1], strides = [1]} : vector<16xi32> to vector<1xi32>
      %squeeze3A_695 = vector.extract %slice3A_694[0] : i32 from vector<1xi32>
      %shift_right_arithmetic3A_696 = arith.constant 3 : i32
      %shift_right_arithmetic3A_697 = arith.shrsi %squeeze3A_695, %shift_right_arithmetic3A_696 : i32
      %and3A_698 = arith.constant 7 : i32
      %and3A_699 = arith.andi %squeeze3A_695, %and3A_698 : i32
      %dma_start3A_700 = arith.constant 0 : i32
      %dma_start3A_701 = arith.constant 24 : i32
      %dma_start3A_702 = arith.constant 0 : i32
      %dma_start3A_703 = tpu.memref_slice %arg6[%dma_start3A_700, %dma_start3A_701, %dma_start3A_702] : memref<2x32x64xf32, #tpu.memory_space<vmem>> -> memref<1x1x64xf32, #tpu.memory_space<vmem>>
      %dma_start3A_704 = tpu.memref_squeeze %dma_start3A_703 : memref<1x1x64xf32, #tpu.memory_space<vmem>> -> memref<1x64xf32, #tpu.memory_space<vmem>>
      %dma_start3A_705 = arith.constant 0 : i32
      %dma_start3A_706 = arith.constant 0 : i32
      %dma_start3A_707 = tpu.memref_slice %arg2[%shift_right_arithmetic3A_697, %dma_start3A_705, %dma_start3A_706] : memref<125000x8x64xf32, #tpu.memory_space<hbm>> -> memref<1x8x64xf32, #tpu.memory_space<hbm>>
      %dma_start3A_708 = tpu.memref_squeeze %dma_start3A_707 : memref<1x8x64xf32, #tpu.memory_space<hbm>> -> memref<8x64xf32, #tpu.memory_space<hbm>>
      %dma_start3A_709 = arith.constant 0 : i32
      %dma_start3A_710 = tpu.memref_slice %dma_start3A_708[%and3A_699, %dma_start3A_709] : memref<8x64xf32, #tpu.memory_space<hbm>> -> memref<1x64xf32, #tpu.memory_space<hbm>>
      %dma_start3A_711 = arith.constant 24 : i32
      %dma_start3A_712 = arith.constant 0 : i32
      %dma_start3A_713 = tpu.memref_slice %arg6[%dma_start3A_700, %dma_start3A_711, %dma_start3A_712] : memref<2x32x64xf32, #tpu.memory_space<vmem>> -> memref<1x1x64xf32, #tpu.memory_space<vmem>>
      %dma_start3A_714 = tpu.memref_squeeze %dma_start3A_713 : memref<1x1x64xf32, #tpu.memory_space<vmem>> -> memref<1x64xf32, #tpu.memory_space<vmem>>
      %dma_start3A_715 = arith.constant 0 : i32
      %dma_start3A_716 = arith.constant 0 : i32
      %dma_start3A_717 = tpu.memref_slice %arg2[%shift_right_arithmetic3A_697, %dma_start3A_715, %dma_start3A_716] : memref<125000x8x64xf32, #tpu.memory_space<hbm>> -> memref<1x8x64xf32, #tpu.memory_space<hbm>>
      %dma_start3A_718 = tpu.memref_squeeze %dma_start3A_717 : memref<1x8x64xf32, #tpu.memory_space<hbm>> -> memref<8x64xf32, #tpu.memory_space<hbm>>
      %dma_start3A_719 = arith.constant 0 : i32
      %dma_start3A_720 = tpu.memref_slice %dma_start3A_718[%and3A_699, %dma_start3A_719] : memref<8x64xf32, #tpu.memory_space<hbm>> -> memref<1x64xf32, #tpu.memory_space<hbm>>
      tpu.enqueue_dma source(%dma_start3A_720 : memref<1x64xf32, #tpu.memory_space<hbm>>) target(%dma_start3A_714 : memref<1x64xf32, #tpu.memory_space<vmem>>) target_semaphore(%arg7 : memref<!tpu.dma_semaphore, #tpu.memory_space<semaphore_mem>>)
      %slice3A_721 = vector.extract_strided_slice %get3A_477 {offsets = [9], sizes = [1], strides = [1]} : vector<16xi32> to vector<1xi32>
      %squeeze3A_722 = vector.extract %slice3A_721[0] : i32 from vector<1xi32>
      %shift_right_arithmetic3A_723 = arith.constant 3 : i32
      %shift_right_arithmetic3A_724 = arith.shrsi %squeeze3A_722, %shift_right_arithmetic3A_723 : i32
      %and3A_725 = arith.constant 7 : i32
      %and3A_726 = arith.andi %squeeze3A_722, %and3A_725 : i32
      %dma_start3A_727 = arith.constant 0 : i32
      %dma_start3A_728 = arith.constant 25 : i32
      %dma_start3A_729 = arith.constant 0 : i32
      %dma_start3A_730 = tpu.memref_slice %arg6[%dma_start3A_727, %dma_start3A_728, %dma_start3A_729] : memref<2x32x64xf32, #tpu.memory_space<vmem>> -> memref<1x1x64xf32, #tpu.memory_space<vmem>>
      %dma_start3A_731 = tpu.memref_squeeze %dma_start3A_730 : memref<1x1x64xf32, #tpu.memory_space<vmem>> -> memref<1x64xf32, #tpu.memory_space<vmem>>
      %dma_start3A_732 = arith.constant 0 : i32
      %dma_start3A_733 = arith.constant 0 : i32
      %dma_start3A_734 = tpu.memref_slice %arg2[%shift_right_arithmetic3A_724, %dma_start3A_732, %dma_start3A_733] : memref<125000x8x64xf32, #tpu.memory_space<hbm>> -> memref<1x8x64xf32, #tpu.memory_space<hbm>>
      %dma_start3A_735 = tpu.memref_squeeze %dma_start3A_734 : memref<1x8x64xf32, #tpu.memory_space<hbm>> -> memref<8x64xf32, #tpu.memory_space<hbm>>
      %dma_start3A_736 = arith.constant 0 : i32
      %dma_start3A_737 = tpu.memref_slice %dma_start3A_735[%and3A_726, %dma_start3A_736] : memref<8x64xf32, #tpu.memory_space<hbm>> -> memref<1x64xf32, #tpu.memory_space<hbm>>
      %dma_start3A_738 = arith.constant 25 : i32
      %dma_start3A_739 = arith.constant 0 : i32
      %dma_start3A_740 = tpu.memref_slice %arg6[%dma_start3A_727, %dma_start3A_738, %dma_start3A_739] : memref<2x32x64xf32, #tpu.memory_space<vmem>> -> memref<1x1x64xf32, #tpu.memory_space<vmem>>
      %dma_start3A_741 = tpu.memref_squeeze %dma_start3A_740 : memref<1x1x64xf32, #tpu.memory_space<vmem>> -> memref<1x64xf32, #tpu.memory_space<vmem>>
      %dma_start3A_742 = arith.constant 0 : i32
      %dma_start3A_743 = arith.constant 0 : i32
      %dma_start3A_744 = tpu.memref_slice %arg2[%shift_right_arithmetic3A_724, %dma_start3A_742, %dma_start3A_743] : memref<125000x8x64xf32, #tpu.memory_space<hbm>> -> memref<1x8x64xf32, #tpu.memory_space<hbm>>
      %dma_start3A_745 = tpu.memref_squeeze %dma_start3A_744 : memref<1x8x64xf32, #tpu.memory_space<hbm>> -> memref<8x64xf32, #tpu.memory_space<hbm>>
      %dma_start3A_746 = arith.constant 0 : i32
      %dma_start3A_747 = tpu.memref_slice %dma_start3A_745[%and3A_726, %dma_start3A_746] : memref<8x64xf32, #tpu.memory_space<hbm>> -> memref<1x64xf32, #tpu.memory_space<hbm>>
      tpu.enqueue_dma source(%dma_start3A_747 : memref<1x64xf32, #tpu.memory_space<hbm>>) target(%dma_start3A_741 : memref<1x64xf32, #tpu.memory_space<vmem>>) target_semaphore(%arg7 : memref<!tpu.dma_semaphore, #tpu.memory_space<semaphore_mem>>)
      %slice3A_748 = vector.extract_strided_slice %get3A_477 {offsets = [10], sizes = [1], strides = [1]} : vector<16xi32> to vector<1xi32>
      %squeeze3A_749 = vector.extract %slice3A_748[0] : i32 from vector<1xi32>
      %shift_right_arithmetic3A_750 = arith.constant 3 : i32
      %shift_right_arithmetic3A_751 = arith.shrsi %squeeze3A_749, %shift_right_arithmetic3A_750 : i32
      %and3A_752 = arith.constant 7 : i32
      %and3A_753 = arith.andi %squeeze3A_749, %and3A_752 : i32
      %dma_start3A_754 = arith.constant 0 : i32
      %dma_start3A_755 = arith.constant 26 : i32
      %dma_start3A_756 = arith.constant 0 : i32
      %dma_start3A_757 = tpu.memref_slice %arg6[%dma_start3A_754, %dma_start3A_755, %dma_start3A_756] : memref<2x32x64xf32, #tpu.memory_space<vmem>> -> memref<1x1x64xf32, #tpu.memory_space<vmem>>
      %dma_start3A_758 = tpu.memref_squeeze %dma_start3A_757 : memref<1x1x64xf32, #tpu.memory_space<vmem>> -> memref<1x64xf32, #tpu.memory_space<vmem>>
      %dma_start3A_759 = arith.constant 0 : i32
      %dma_start3A_760 = arith.constant 0 : i32
      %dma_start3A_761 = tpu.memref_slice %arg2[%shift_right_arithmetic3A_751, %dma_start3A_759, %dma_start3A_760] : memref<125000x8x64xf32, #tpu.memory_space<hbm>> -> memref<1x8x64xf32, #tpu.memory_space<hbm>>
      %dma_start3A_762 = tpu.memref_squeeze %dma_start3A_761 : memref<1x8x64xf32, #tpu.memory_space<hbm>> -> memref<8x64xf32, #tpu.memory_space<hbm>>
      %dma_start3A_763 = arith.constant 0 : i32
      %dma_start3A_764 = tpu.memref_slice %dma_start3A_762[%and3A_753, %dma_start3A_763] : memref<8x64xf32, #tpu.memory_space<hbm>> -> memref<1x64xf32, #tpu.memory_space<hbm>>
      %dma_start3A_765 = arith.constant 26 : i32
      %dma_start3A_766 = arith.constant 0 : i32
      %dma_start3A_767 = tpu.memref_slice %arg6[%dma_start3A_754, %dma_start3A_765, %dma_start3A_766] : memref<2x32x64xf32, #tpu.memory_space<vmem>> -> memref<1x1x64xf32, #tpu.memory_space<vmem>>
      %dma_start3A_768 = tpu.memref_squeeze %dma_start3A_767 : memref<1x1x64xf32, #tpu.memory_space<vmem>> -> memref<1x64xf32, #tpu.memory_space<vmem>>
      %dma_start3A_769 = arith.constant 0 : i32
      %dma_start3A_770 = arith.constant 0 : i32
      %dma_start3A_771 = tpu.memref_slice %arg2[%shift_right_arithmetic3A_751, %dma_start3A_769, %dma_start3A_770] : memref<125000x8x64xf32, #tpu.memory_space<hbm>> -> memref<1x8x64xf32, #tpu.memory_space<hbm>>
      %dma_start3A_772 = tpu.memref_squeeze %dma_start3A_771 : memref<1x8x64xf32, #tpu.memory_space<hbm>> -> memref<8x64xf32, #tpu.memory_space<hbm>>
      %dma_start3A_773 = arith.constant 0 : i32
      %dma_start3A_774 = tpu.memref_slice %dma_start3A_772[%and3A_753, %dma_start3A_773] : memref<8x64xf32, #tpu.memory_space<hbm>> -> memref<1x64xf32, #tpu.memory_space<hbm>>
      tpu.enqueue_dma source(%dma_start3A_774 : memref<1x64xf32, #tpu.memory_space<hbm>>) target(%dma_start3A_768 : memref<1x64xf32, #tpu.memory_space<vmem>>) target_semaphore(%arg7 : memref<!tpu.dma_semaphore, #tpu.memory_space<semaphore_mem>>)
      %slice3A_775 = vector.extract_strided_slice %get3A_477 {offsets = [11], sizes = [1], strides = [1]} : vector<16xi32> to vector<1xi32>
      %squeeze3A_776 = vector.extract %slice3A_775[0] : i32 from vector<1xi32>
      %shift_right_arithmetic3A_777 = arith.constant 3 : i32
      %shift_right_arithmetic3A_778 = arith.shrsi %squeeze3A_776, %shift_right_arithmetic3A_777 : i32
      %and3A_779 = arith.constant 7 : i32
      %and3A_780 = arith.andi %squeeze3A_776, %and3A_779 : i32
      %dma_start3A_781 = arith.constant 0 : i32
      %dma_start3A_782 = arith.constant 27 : i32
      %dma_start3A_783 = arith.constant 0 : i32
      %dma_start3A_784 = tpu.memref_slice %arg6[%dma_start3A_781, %dma_start3A_782, %dma_start3A_783] : memref<2x32x64xf32, #tpu.memory_space<vmem>> -> memref<1x1x64xf32, #tpu.memory_space<vmem>>
      %dma_start3A_785 = tpu.memref_squeeze %dma_start3A_784 : memref<1x1x64xf32, #tpu.memory_space<vmem>> -> memref<1x64xf32, #tpu.memory_space<vmem>>
      %dma_start3A_786 = arith.constant 0 : i32
      %dma_start3A_787 = arith.constant 0 : i32
      %dma_start3A_788 = tpu.memref_slice %arg2[%shift_right_arithmetic3A_778, %dma_start3A_786, %dma_start3A_787] : memref<125000x8x64xf32, #tpu.memory_space<hbm>> -> memref<1x8x64xf32, #tpu.memory_space<hbm>>
      %dma_start3A_789 = tpu.memref_squeeze %dma_start3A_788 : memref<1x8x64xf32, #tpu.memory_space<hbm>> -> memref<8x64xf32, #tpu.memory_space<hbm>>
      %dma_start3A_790 = arith.constant 0 : i32
      %dma_start3A_791 = tpu.memref_slice %dma_start3A_789[%and3A_780, %dma_start3A_790] : memref<8x64xf32, #tpu.memory_space<hbm>> -> memref<1x64xf32, #tpu.memory_space<hbm>>
      %dma_start3A_792 = arith.constant 27 : i32
      %dma_start3A_793 = arith.constant 0 : i32
      %dma_start3A_794 = tpu.memref_slice %arg6[%dma_start3A_781, %dma_start3A_792, %dma_start3A_793] : memref<2x32x64xf32, #tpu.memory_space<vmem>> -> memref<1x1x64xf32, #tpu.memory_space<vmem>>
      %dma_start3A_795 = tpu.memref_squeeze %dma_start3A_794 : memref<1x1x64xf32, #tpu.memory_space<vmem>> -> memref<1x64xf32, #tpu.memory_space<vmem>>
      %dma_start3A_796 = arith.constant 0 : i32
      %dma_start3A_797 = arith.constant 0 : i32
      %dma_start3A_798 = tpu.memref_slice %arg2[%shift_right_arithmetic3A_778, %dma_start3A_796, %dma_start3A_797] : memref<125000x8x64xf32, #tpu.memory_space<hbm>> -> memref<1x8x64xf32, #tpu.memory_space<hbm>>
      %dma_start3A_799 = tpu.memref_squeeze %dma_start3A_798 : memref<1x8x64xf32, #tpu.memory_space<hbm>> -> memref<8x64xf32, #tpu.memory_space<hbm>>
      %dma_start3A_800 = arith.constant 0 : i32
      %dma_start3A_801 = tpu.memref_slice %dma_start3A_799[%and3A_780, %dma_start3A_800] : memref<8x64xf32, #tpu.memory_space<hbm>> -> memref<1x64xf32, #tpu.memory_space<hbm>>
      tpu.enqueue_dma source(%dma_start3A_801 : memref<1x64xf32, #tpu.memory_space<hbm>>) target(%dma_start3A_795 : memref<1x64xf32, #tpu.memory_space<vmem>>) target_semaphore(%arg7 : memref<!tpu.dma_semaphore, #tpu.memory_space<semaphore_mem>>)
      %slice3A_802 = vector.extract_strided_slice %get3A_477 {offsets = [12], sizes = [1], strides = [1]} : vector<16xi32> to vector<1xi32>
      %squeeze3A_803 = vector.extract %slice3A_802[0] : i32 from vector<1xi32>
      %shift_right_arithmetic3A_804 = arith.constant 3 : i32
      %shift_right_arithmetic3A_805 = arith.shrsi %squeeze3A_803, %shift_right_arithmetic3A_804 : i32
      %and3A_806 = arith.constant 7 : i32
      %and3A_807 = arith.andi %squeeze3A_803, %and3A_806 : i32
      %dma_start3A_808 = arith.constant 0 : i32
      %dma_start3A_809 = arith.constant 28 : i32
      %dma_start3A_810 = arith.constant 0 : i32
      %dma_start3A_811 = tpu.memref_slice %arg6[%dma_start3A_808, %dma_start3A_809, %dma_start3A_810] : memref<2x32x64xf32, #tpu.memory_space<vmem>> -> memref<1x1x64xf32, #tpu.memory_space<vmem>>
      %dma_start3A_812 = tpu.memref_squeeze %dma_start3A_811 : memref<1x1x64xf32, #tpu.memory_space<vmem>> -> memref<1x64xf32, #tpu.memory_space<vmem>>
      %dma_start3A_813 = arith.constant 0 : i32
      %dma_start3A_814 = arith.constant 0 : i32
      %dma_start3A_815 = tpu.memref_slice %arg2[%shift_right_arithmetic3A_805, %dma_start3A_813, %dma_start3A_814] : memref<125000x8x64xf32, #tpu.memory_space<hbm>> -> memref<1x8x64xf32, #tpu.memory_space<hbm>>
      %dma_start3A_816 = tpu.memref_squeeze %dma_start3A_815 : memref<1x8x64xf32, #tpu.memory_space<hbm>> -> memref<8x64xf32, #tpu.memory_space<hbm>>
      %dma_start3A_817 = arith.constant 0 : i32
      %dma_start3A_818 = tpu.memref_slice %dma_start3A_816[%and3A_807, %dma_start3A_817] : memref<8x64xf32, #tpu.memory_space<hbm>> -> memref<1x64xf32, #tpu.memory_space<hbm>>
      %dma_start3A_819 = arith.constant 28 : i32
      %dma_start3A_820 = arith.constant 0 : i32
      %dma_start3A_821 = tpu.memref_slice %arg6[%dma_start3A_808, %dma_start3A_819, %dma_start3A_820] : memref<2x32x64xf32, #tpu.memory_space<vmem>> -> memref<1x1x64xf32, #tpu.memory_space<vmem>>
      %dma_start3A_822 = tpu.memref_squeeze %dma_start3A_821 : memref<1x1x64xf32, #tpu.memory_space<vmem>> -> memref<1x64xf32, #tpu.memory_space<vmem>>
      %dma_start3A_823 = arith.constant 0 : i32
      %dma_start3A_824 = arith.constant 0 : i32
      %dma_start3A_825 = tpu.memref_slice %arg2[%shift_right_arithmetic3A_805, %dma_start3A_823, %dma_start3A_824] : memref<125000x8x64xf32, #tpu.memory_space<hbm>> -> memref<1x8x64xf32, #tpu.memory_space<hbm>>
      %dma_start3A_826 = tpu.memref_squeeze %dma_start3A_825 : memref<1x8x64xf32, #tpu.memory_space<hbm>> -> memref<8x64xf32, #tpu.memory_space<hbm>>
      %dma_start3A_827 = arith.constant 0 : i32
      %dma_start3A_828 = tpu.memref_slice %dma_start3A_826[%and3A_807, %dma_start3A_827] : memref<8x64xf32, #tpu.memory_space<hbm>> -> memref<1x64xf32, #tpu.memory_space<hbm>>
      tpu.enqueue_dma source(%dma_start3A_828 : memref<1x64xf32, #tpu.memory_space<hbm>>) target(%dma_start3A_822 : memref<1x64xf32, #tpu.memory_space<vmem>>) target_semaphore(%arg7 : memref<!tpu.dma_semaphore, #tpu.memory_space<semaphore_mem>>)
      %slice3A_829 = vector.extract_strided_slice %get3A_477 {offsets = [13], sizes = [1], strides = [1]} : vector<16xi32> to vector<1xi32>
      %squeeze3A_830 = vector.extract %slice3A_829[0] : i32 from vector<1xi32>
      %shift_right_arithmetic3A_831 = arith.constant 3 : i32
      %shift_right_arithmetic3A_832 = arith.shrsi %squeeze3A_830, %shift_right_arithmetic3A_831 : i32
      %and3A_833 = arith.constant 7 : i32
      %and3A_834 = arith.andi %squeeze3A_830, %and3A_833 : i32
      %dma_start3A_835 = arith.constant 0 : i32
      %dma_start3A_836 = arith.constant 29 : i32
      %dma_start3A_837 = arith.constant 0 : i32
      %dma_start3A_838 = tpu.memref_slice %arg6[%dma_start3A_835, %dma_start3A_836, %dma_start3A_837] : memref<2x32x64xf32, #tpu.memory_space<vmem>> -> memref<1x1x64xf32, #tpu.memory_space<vmem>>
      %dma_start3A_839 = tpu.memref_squeeze %dma_start3A_838 : memref<1x1x64xf32, #tpu.memory_space<vmem>> -> memref<1x64xf32, #tpu.memory_space<vmem>>
      %dma_start3A_840 = arith.constant 0 : i32
      %dma_start3A_841 = arith.constant 0 : i32
      %dma_start3A_842 = tpu.memref_slice %arg2[%shift_right_arithmetic3A_832, %dma_start3A_840, %dma_start3A_841] : memref<125000x8x64xf32, #tpu.memory_space<hbm>> -> memref<1x8x64xf32, #tpu.memory_space<hbm>>
      %dma_start3A_843 = tpu.memref_squeeze %dma_start3A_842 : memref<1x8x64xf32, #tpu.memory_space<hbm>> -> memref<8x64xf32, #tpu.memory_space<hbm>>
      %dma_start3A_844 = arith.constant 0 : i32
      %dma_start3A_845 = tpu.memref_slice %dma_start3A_843[%and3A_834, %dma_start3A_844] : memref<8x64xf32, #tpu.memory_space<hbm>> -> memref<1x64xf32, #tpu.memory_space<hbm>>
      %dma_start3A_846 = arith.constant 29 : i32
      %dma_start3A_847 = arith.constant 0 : i32
      %dma_start3A_848 = tpu.memref_slice %arg6[%dma_start3A_835, %dma_start3A_846, %dma_start3A_847] : memref<2x32x64xf32, #tpu.memory_space<vmem>> -> memref<1x1x64xf32, #tpu.memory_space<vmem>>
      %dma_start3A_849 = tpu.memref_squeeze %dma_start3A_848 : memref<1x1x64xf32, #tpu.memory_space<vmem>> -> memref<1x64xf32, #tpu.memory_space<vmem>>
      %dma_start3A_850 = arith.constant 0 : i32
      %dma_start3A_851 = arith.constant 0 : i32
      %dma_start3A_852 = tpu.memref_slice %arg2[%shift_right_arithmetic3A_832, %dma_start3A_850, %dma_start3A_851] : memref<125000x8x64xf32, #tpu.memory_space<hbm>> -> memref<1x8x64xf32, #tpu.memory_space<hbm>>
      %dma_start3A_853 = tpu.memref_squeeze %dma_start3A_852 : memref<1x8x64xf32, #tpu.memory_space<hbm>> -> memref<8x64xf32, #tpu.memory_space<hbm>>
      %dma_start3A_854 = arith.constant 0 : i32
      %dma_start3A_855 = tpu.memref_slice %dma_start3A_853[%and3A_834, %dma_start3A_854] : memref<8x64xf32, #tpu.memory_space<hbm>> -> memref<1x64xf32, #tpu.memory_space<hbm>>
      tpu.enqueue_dma source(%dma_start3A_855 : memref<1x64xf32, #tpu.memory_space<hbm>>) target(%dma_start3A_849 : memref<1x64xf32, #tpu.memory_space<vmem>>) target_semaphore(%arg7 : memref<!tpu.dma_semaphore, #tpu.memory_space<semaphore_mem>>)
      %slice3A_856 = vector.extract_strided_slice %get3A_477 {offsets = [14], sizes = [1], strides = [1]} : vector<16xi32> to vector<1xi32>
      %squeeze3A_857 = vector.extract %slice3A_856[0] : i32 from vector<1xi32>
      %shift_right_arithmetic3A_858 = arith.constant 3 : i32
      %shift_right_arithmetic3A_859 = arith.shrsi %squeeze3A_857, %shift_right_arithmetic3A_858 : i32
      %and3A_860 = arith.constant 7 : i32
      %and3A_861 = arith.andi %squeeze3A_857, %and3A_860 : i32
      %dma_start3A_862 = arith.constant 0 : i32
      %dma_start3A_863 = arith.constant 30 : i32
      %dma_start3A_864 = arith.constant 0 : i32
      %dma_start3A_865 = tpu.memref_slice %arg6[%dma_start3A_862, %dma_start3A_863, %dma_start3A_864] : memref<2x32x64xf32, #tpu.memory_space<vmem>> -> memref<1x1x64xf32, #tpu.memory_space<vmem>>
      %dma_start3A_866 = tpu.memref_squeeze %dma_start3A_865 : memref<1x1x64xf32, #tpu.memory_space<vmem>> -> memref<1x64xf32, #tpu.memory_space<vmem>>
      %dma_start3A_867 = arith.constant 0 : i32
      %dma_start3A_868 = arith.constant 0 : i32
      %dma_start3A_869 = tpu.memref_slice %arg2[%shift_right_arithmetic3A_859, %dma_start3A_867, %dma_start3A_868] : memref<125000x8x64xf32, #tpu.memory_space<hbm>> -> memref<1x8x64xf32, #tpu.memory_space<hbm>>
      %dma_start3A_870 = tpu.memref_squeeze %dma_start3A_869 : memref<1x8x64xf32, #tpu.memory_space<hbm>> -> memref<8x64xf32, #tpu.memory_space<hbm>>
      %dma_start3A_871 = arith.constant 0 : i32
      %dma_start3A_872 = tpu.memref_slice %dma_start3A_870[%and3A_861, %dma_start3A_871] : memref<8x64xf32, #tpu.memory_space<hbm>> -> memref<1x64xf32, #tpu.memory_space<hbm>>
      %dma_start3A_873 = arith.constant 30 : i32
      %dma_start3A_874 = arith.constant 0 : i32
      %dma_start3A_875 = tpu.memref_slice %arg6[%dma_start3A_862, %dma_start3A_873, %dma_start3A_874] : memref<2x32x64xf32, #tpu.memory_space<vmem>> -> memref<1x1x64xf32, #tpu.memory_space<vmem>>
      %dma_start3A_876 = tpu.memref_squeeze %dma_start3A_875 : memref<1x1x64xf32, #tpu.memory_space<vmem>> -> memref<1x64xf32, #tpu.memory_space<vmem>>
      %dma_start3A_877 = arith.constant 0 : i32
      %dma_start3A_878 = arith.constant 0 : i32
      %dma_start3A_879 = tpu.memref_slice %arg2[%shift_right_arithmetic3A_859, %dma_start3A_877, %dma_start3A_878] : memref<125000x8x64xf32, #tpu.memory_space<hbm>> -> memref<1x8x64xf32, #tpu.memory_space<hbm>>
      %dma_start3A_880 = tpu.memref_squeeze %dma_start3A_879 : memref<1x8x64xf32, #tpu.memory_space<hbm>> -> memref<8x64xf32, #tpu.memory_space<hbm>>
      %dma_start3A_881 = arith.constant 0 : i32
      %dma_start3A_882 = tpu.memref_slice %dma_start3A_880[%and3A_861, %dma_start3A_881] : memref<8x64xf32, #tpu.memory_space<hbm>> -> memref<1x64xf32, #tpu.memory_space<hbm>>
      tpu.enqueue_dma source(%dma_start3A_882 : memref<1x64xf32, #tpu.memory_space<hbm>>) target(%dma_start3A_876 : memref<1x64xf32, #tpu.memory_space<vmem>>) target_semaphore(%arg7 : memref<!tpu.dma_semaphore, #tpu.memory_space<semaphore_mem>>)
      %slice3A_883 = vector.extract_strided_slice %get3A_477 {offsets = [15], sizes = [1], strides = [1]} : vector<16xi32> to vector<1xi32>
      %squeeze3A_884 = vector.extract %slice3A_883[0] : i32 from vector<1xi32>
      %shift_right_arithmetic3A_885 = arith.constant 3 : i32
      %shift_right_arithmetic3A_886 = arith.shrsi %squeeze3A_884, %shift_right_arithmetic3A_885 : i32
      %and3A_887 = arith.constant 7 : i32
      %and3A_888 = arith.andi %squeeze3A_884, %and3A_887 : i32
      %dma_start3A_889 = arith.constant 0 : i32
      %dma_start3A_890 = arith.constant 31 : i32
      %dma_start3A_891 = arith.constant 0 : i32
      %dma_start3A_892 = tpu.memref_slice %arg6[%dma_start3A_889, %dma_start3A_890, %dma_start3A_891] : memref<2x32x64xf32, #tpu.memory_space<vmem>> -> memref<1x1x64xf32, #tpu.memory_space<vmem>>
      %dma_start3A_893 = tpu.memref_squeeze %dma_start3A_892 : memref<1x1x64xf32, #tpu.memory_space<vmem>> -> memref<1x64xf32, #tpu.memory_space<vmem>>
      %dma_start3A_894 = arith.constant 0 : i32
      %dma_start3A_895 = arith.constant 0 : i32
      %dma_start3A_896 = tpu.memref_slice %arg2[%shift_right_arithmetic3A_886, %dma_start3A_894, %dma_start3A_895] : memref<125000x8x64xf32, #tpu.memory_space<hbm>> -> memref<1x8x64xf32, #tpu.memory_space<hbm>>
      %dma_start3A_897 = tpu.memref_squeeze %dma_start3A_896 : memref<1x8x64xf32, #tpu.memory_space<hbm>> -> memref<8x64xf32, #tpu.memory_space<hbm>>
      %dma_start3A_898 = arith.constant 0 : i32
      %dma_start3A_899 = tpu.memref_slice %dma_start3A_897[%and3A_888, %dma_start3A_898] : memref<8x64xf32, #tpu.memory_space<hbm>> -> memref<1x64xf32, #tpu.memory_space<hbm>>
      %dma_start3A_900 = arith.constant 31 : i32
      %dma_start3A_901 = arith.constant 0 : i32
      %dma_start3A_902 = tpu.memref_slice %arg6[%dma_start3A_889, %dma_start3A_900, %dma_start3A_901] : memref<2x32x64xf32, #tpu.memory_space<vmem>> -> memref<1x1x64xf32, #tpu.memory_space<vmem>>
      %dma_start3A_903 = tpu.memref_squeeze %dma_start3A_902 : memref<1x1x64xf32, #tpu.memory_space<vmem>> -> memref<1x64xf32, #tpu.memory_space<vmem>>
      %dma_start3A_904 = arith.constant 0 : i32
      %dma_start3A_905 = arith.constant 0 : i32
      %dma_start3A_906 = tpu.memref_slice %arg2[%shift_right_arithmetic3A_886, %dma_start3A_904, %dma_start3A_905] : memref<125000x8x64xf32, #tpu.memory_space<hbm>> -> memref<1x8x64xf32, #tpu.memory_space<hbm>>
      %dma_start3A_907 = tpu.memref_squeeze %dma_start3A_906 : memref<1x8x64xf32, #tpu.memory_space<hbm>> -> memref<8x64xf32, #tpu.memory_space<hbm>>
      %dma_start3A_908 = arith.constant 0 : i32
      %dma_start3A_909 = tpu.memref_slice %dma_start3A_907[%and3A_888, %dma_start3A_908] : memref<8x64xf32, #tpu.memory_space<hbm>> -> memref<1x64xf32, #tpu.memory_space<hbm>>
      tpu.enqueue_dma source(%dma_start3A_909 : memref<1x64xf32, #tpu.memory_space<hbm>>) target(%dma_start3A_903 : memref<1x64xf32, #tpu.memory_space<vmem>>) target_semaphore(%arg7 : memref<!tpu.dma_semaphore, #tpu.memory_space<semaphore_mem>>)
      %dma_wait3A_910 = arith.constant 0 : i32
      %dma_wait3A_911 = arith.constant 0 : i32
      %dma_wait3A_912 = arith.constant 0 : i32
      %dma_wait3A_913 = arith.constant 0 : i32
      %dma_wait3A_914 = tpu.memref_slice %arg6[%dma_wait3A_911, %dma_wait3A_912, %dma_wait3A_913] : memref<2x32x64xf32, #tpu.memory_space<vmem>> -> memref<1x8x64xf32, #tpu.memory_space<vmem>>
      %dma_wait3A_915 = tpu.memref_squeeze %dma_wait3A_914 : memref<1x8x64xf32, #tpu.memory_space<vmem>> -> memref<8x64xf32, #tpu.memory_space<vmem>>
      %dma_wait3A_916 = arith.constant 0 : i32
      %dma_wait3A_917 = arith.constant 0 : i32
      %dma_wait3A_918 = tpu.memref_slice %arg2[%dma_wait3A_910, %dma_wait3A_916, %dma_wait3A_917] : memref<125000x8x64xf32, #tpu.memory_space<hbm>> -> memref<1x8x64xf32, #tpu.memory_space<hbm>>
      %dma_wait3A_919 = tpu.memref_squeeze %dma_wait3A_918 : memref<1x8x64xf32, #tpu.memory_space<hbm>> -> memref<8x64xf32, #tpu.memory_space<hbm>>
      %dma_wait3A_920 = arith.constant 0 : i32
      %dma_wait3A_921 = arith.constant 0 : i32
      %dma_wait3A_922 = tpu.memref_slice %arg6[%dma_wait3A_911, %dma_wait3A_920, %dma_wait3A_921] : memref<2x32x64xf32, #tpu.memory_space<vmem>> -> memref<1x8x64xf32, #tpu.memory_space<vmem>>
      %dma_wait3A_923 = tpu.memref_squeeze %dma_wait3A_922 : memref<1x8x64xf32, #tpu.memory_space<vmem>> -> memref<8x64xf32, #tpu.memory_space<vmem>>
      %dma_wait3A_924 = arith.constant 0 : i32
      %dma_wait3A_925 = arith.constant 0 : i32
      %dma_wait3A_926 = tpu.memref_slice %arg2[%dma_wait3A_910, %dma_wait3A_924, %dma_wait3A_925] : memref<125000x8x64xf32, #tpu.memory_space<hbm>> -> memref<1x8x64xf32, #tpu.memory_space<hbm>>
      %dma_wait3A_927 = tpu.memref_squeeze %dma_wait3A_926 : memref<1x8x64xf32, #tpu.memory_space<hbm>> -> memref<8x64xf32, #tpu.memory_space<hbm>>
      tpu.wait_dma2 semaphore(%arg7 : memref<!tpu.dma_semaphore, #tpu.memory_space<semaphore_mem>>) src(%dma_wait3A_927 : memref<8x64xf32, #tpu.memory_space<hbm>>) dst(%dma_wait3A_923 : memref<8x64xf32, #tpu.memory_space<vmem>>)
      %dma_wait3A_928 = arith.constant 0 : i32
      %dma_wait3A_929 = arith.constant 0 : i32
      %dma_wait3A_930 = arith.constant 8 : i32
      %dma_wait3A_931 = arith.constant 0 : i32
      %dma_wait3A_932 = tpu.memref_slice %arg6[%dma_wait3A_929, %dma_wait3A_930, %dma_wait3A_931] : memref<2x32x64xf32, #tpu.memory_space<vmem>> -> memref<1x8x64xf32, #tpu.memory_space<vmem>>
      %dma_wait3A_933 = tpu.memref_squeeze %dma_wait3A_932 : memref<1x8x64xf32, #tpu.memory_space<vmem>> -> memref<8x64xf32, #tpu.memory_space<vmem>>
      %dma_wait3A_934 = arith.constant 0 : i32
      %dma_wait3A_935 = arith.constant 0 : i32
      %dma_wait3A_936 = tpu.memref_slice %arg2[%dma_wait3A_928, %dma_wait3A_934, %dma_wait3A_935] : memref<125000x8x64xf32, #tpu.memory_space<hbm>> -> memref<1x8x64xf32, #tpu.memory_space<hbm>>
      %dma_wait3A_937 = tpu.memref_squeeze %dma_wait3A_936 : memref<1x8x64xf32, #tpu.memory_space<hbm>> -> memref<8x64xf32, #tpu.memory_space<hbm>>
      %dma_wait3A_938 = arith.constant 8 : i32
      %dma_wait3A_939 = arith.constant 0 : i32
      %dma_wait3A_940 = tpu.memref_slice %arg6[%dma_wait3A_929, %dma_wait3A_938, %dma_wait3A_939] : memref<2x32x64xf32, #tpu.memory_space<vmem>> -> memref<1x8x64xf32, #tpu.memory_space<vmem>>
      %dma_wait3A_941 = tpu.memref_squeeze %dma_wait3A_940 : memref<1x8x64xf32, #tpu.memory_space<vmem>> -> memref<8x64xf32, #tpu.memory_space<vmem>>
      %dma_wait3A_942 = arith.constant 0 : i32
      %dma_wait3A_943 = arith.constant 0 : i32
      %dma_wait3A_944 = tpu.memref_slice %arg2[%dma_wait3A_928, %dma_wait3A_942, %dma_wait3A_943] : memref<125000x8x64xf32, #tpu.memory_space<hbm>> -> memref<1x8x64xf32, #tpu.memory_space<hbm>>
      %dma_wait3A_945 = tpu.memref_squeeze %dma_wait3A_944 : memref<1x8x64xf32, #tpu.memory_space<hbm>> -> memref<8x64xf32, #tpu.memory_space<hbm>>
      tpu.wait_dma2 semaphore(%arg7 : memref<!tpu.dma_semaphore, #tpu.memory_space<semaphore_mem>>) src(%dma_wait3A_945 : memref<8x64xf32, #tpu.memory_space<hbm>>) dst(%dma_wait3A_941 : memref<8x64xf32, #tpu.memory_space<vmem>>)
      %dma_wait3A_946 = arith.constant 0 : i32
      %dma_wait3A_947 = arith.constant 0 : i32
      %dma_wait3A_948 = arith.constant 16 : i32
      %dma_wait3A_949 = arith.constant 0 : i32
      %dma_wait3A_950 = tpu.memref_slice %arg6[%dma_wait3A_947, %dma_wait3A_948, %dma_wait3A_949] : memref<2x32x64xf32, #tpu.memory_space<vmem>> -> memref<1x8x64xf32, #tpu.memory_space<vmem>>
      %dma_wait3A_951 = tpu.memref_squeeze %dma_wait3A_950 : memref<1x8x64xf32, #tpu.memory_space<vmem>> -> memref<8x64xf32, #tpu.memory_space<vmem>>
      %dma_wait3A_952 = arith.constant 0 : i32
      %dma_wait3A_953 = arith.constant 0 : i32
      %dma_wait3A_954 = tpu.memref_slice %arg2[%dma_wait3A_946, %dma_wait3A_952, %dma_wait3A_953] : memref<125000x8x64xf32, #tpu.memory_space<hbm>> -> memref<1x8x64xf32, #tpu.memory_space<hbm>>
      %dma_wait3A_955 = tpu.memref_squeeze %dma_wait3A_954 : memref<1x8x64xf32, #tpu.memory_space<hbm>> -> memref<8x64xf32, #tpu.memory_space<hbm>>
      %dma_wait3A_956 = arith.constant 16 : i32
      %dma_wait3A_957 = arith.constant 0 : i32
      %dma_wait3A_958 = tpu.memref_slice %arg6[%dma_wait3A_947, %dma_wait3A_956, %dma_wait3A_957] : memref<2x32x64xf32, #tpu.memory_space<vmem>> -> memref<1x8x64xf32, #tpu.memory_space<vmem>>
      %dma_wait3A_959 = tpu.memref_squeeze %dma_wait3A_958 : memref<1x8x64xf32, #tpu.memory_space<vmem>> -> memref<8x64xf32, #tpu.memory_space<vmem>>
      %dma_wait3A_960 = arith.constant 0 : i32
      %dma_wait3A_961 = arith.constant 0 : i32
      %dma_wait3A_962 = tpu.memref_slice %arg2[%dma_wait3A_946, %dma_wait3A_960, %dma_wait3A_961] : memref<125000x8x64xf32, #tpu.memory_space<hbm>> -> memref<1x8x64xf32, #tpu.memory_space<hbm>>
      %dma_wait3A_963 = tpu.memref_squeeze %dma_wait3A_962 : memref<1x8x64xf32, #tpu.memory_space<hbm>> -> memref<8x64xf32, #tpu.memory_space<hbm>>
      tpu.wait_dma2 semaphore(%arg7 : memref<!tpu.dma_semaphore, #tpu.memory_space<semaphore_mem>>) src(%dma_wait3A_963 : memref<8x64xf32, #tpu.memory_space<hbm>>) dst(%dma_wait3A_959 : memref<8x64xf32, #tpu.memory_space<vmem>>)
      %dma_wait3A_964 = arith.constant 0 : i32
      %dma_wait3A_965 = arith.constant 0 : i32
      %dma_wait3A_966 = arith.constant 24 : i32
      %dma_wait3A_967 = arith.constant 0 : i32
      %dma_wait3A_968 = tpu.memref_slice %arg6[%dma_wait3A_965, %dma_wait3A_966, %dma_wait3A_967] : memref<2x32x64xf32, #tpu.memory_space<vmem>> -> memref<1x8x64xf32, #tpu.memory_space<vmem>>
      %dma_wait3A_969 = tpu.memref_squeeze %dma_wait3A_968 : memref<1x8x64xf32, #tpu.memory_space<vmem>> -> memref<8x64xf32, #tpu.memory_space<vmem>>
      %dma_wait3A_970 = arith.constant 0 : i32
      %dma_wait3A_971 = arith.constant 0 : i32
      %dma_wait3A_972 = tpu.memref_slice %arg2[%dma_wait3A_964, %dma_wait3A_970, %dma_wait3A_971] : memref<125000x8x64xf32, #tpu.memory_space<hbm>> -> memref<1x8x64xf32, #tpu.memory_space<hbm>>
      %dma_wait3A_973 = tpu.memref_squeeze %dma_wait3A_972 : memref<1x8x64xf32, #tpu.memory_space<hbm>> -> memref<8x64xf32, #tpu.memory_space<hbm>>
      %dma_wait3A_974 = arith.constant 24 : i32
      %dma_wait3A_975 = arith.constant 0 : i32
      %dma_wait3A_976 = tpu.memref_slice %arg6[%dma_wait3A_965, %dma_wait3A_974, %dma_wait3A_975] : memref<2x32x64xf32, #tpu.memory_space<vmem>> -> memref<1x8x64xf32, #tpu.memory_space<vmem>>
      %dma_wait3A_977 = tpu.memref_squeeze %dma_wait3A_976 : memref<1x8x64xf32, #tpu.memory_space<vmem>> -> memref<8x64xf32, #tpu.memory_space<vmem>>
      %dma_wait3A_978 = arith.constant 0 : i32
      %dma_wait3A_979 = arith.constant 0 : i32
      %dma_wait3A_980 = tpu.memref_slice %arg2[%dma_wait3A_964, %dma_wait3A_978, %dma_wait3A_979] : memref<125000x8x64xf32, #tpu.memory_space<hbm>> -> memref<1x8x64xf32, #tpu.memory_space<hbm>>
      %dma_wait3A_981 = tpu.memref_squeeze %dma_wait3A_980 : memref<1x8x64xf32, #tpu.memory_space<hbm>> -> memref<8x64xf32, #tpu.memory_space<hbm>>
      tpu.wait_dma2 semaphore(%arg7 : memref<!tpu.dma_semaphore, #tpu.memory_space<semaphore_mem>>) src(%dma_wait3A_981 : memref<8x64xf32, #tpu.memory_space<hbm>>) dst(%dma_wait3A_977 : memref<8x64xf32, #tpu.memory_space<vmem>>)
      %mul3A_982 = arith.constant 32 : i32
      %mul3A_983 = arith.muli %add3A_41, %mul3A_982 : i32
      %add3A_984 = arith.addi %mul3A_2, %mul3A_983 : i32
      %dma_start3A_985 = arith.constant 0 : i32
      %dma_start3A_986 = arith.constant 0 : i32
      %dma_start3A_987 = arith.constant 0 : i32
      %dma_start3A_988 = tpu.memref_slice %arg6[%dma_start3A_985, %dma_start3A_986, %dma_start3A_987] : memref<2x32x64xf32, #tpu.memory_space<vmem>> -> memref<1x32x64xf32, #tpu.memory_space<vmem>>
      %dma_start3A_989 = tpu.memref_squeeze %dma_start3A_988 : memref<1x32x64xf32, #tpu.memory_space<vmem>> -> memref<32x64xf32, #tpu.memory_space<vmem>>
      %dma_start3A_990 = arith.constant 0 : i32
      %dma_start3A_991 = tpu.memref_slice %arg4[%add3A_984, %dma_start3A_990] : memref<51200x64xf32, #tpu.memory_space<hbm>> -> memref<32x64xf32, #tpu.memory_space<hbm>>
      %dma_start3A_992 = arith.constant 0 : i32
      %dma_start3A_993 = tpu.memref_slice %arg4[%add3A_984, %dma_start3A_992] : memref<51200x64xf32, #tpu.memory_space<hbm>> -> memref<32x64xf32, #tpu.memory_space<hbm>>
      %dma_start3A_994 = arith.constant 0 : i32
      %dma_start3A_995 = arith.constant 0 : i32
      %dma_start3A_996 = tpu.memref_slice %arg6[%dma_start3A_985, %dma_start3A_994, %dma_start3A_995] : memref<2x32x64xf32, #tpu.memory_space<vmem>> -> memref<1x32x64xf32, #tpu.memory_space<vmem>>
      %dma_start3A_997 = tpu.memref_squeeze %dma_start3A_996 : memref<1x32x64xf32, #tpu.memory_space<vmem>> -> memref<32x64xf32, #tpu.memory_space<vmem>>
      tpu.enqueue_dma source(%dma_start3A_997 : memref<32x64xf32, #tpu.memory_space<vmem>>) target(%dma_start3A_993 : memref<32x64xf32, #tpu.memory_space<hbm>>) target_semaphore(%arg9 : memref<!tpu.dma_semaphore, #tpu.memory_space<semaphore_mem>>)
      %mul3A_998 = arith.constant 2 : i32
      %mul3A_999 = arith.muli %mul3A_998, %scan3A_37 : i32
      %add3A_1000 = arith.constant 1 : i32
      %add3A_1001 = arith.addi %mul3A_999, %add3A_1000 : i32
      %gt3A_1002 = arith.constant 0 : i32
      %gt3A_1003 = arith.cmpi sgt, %scan3A_37, %gt3A_1002 : i32
      %convert_element_type3A_1004 = arith.extui %gt3A_1003 : i1 to i32
      %cond3A_1005 = arith.constant 0 : i32
      %cond3A_1006 = arith.cmpi ne, %convert_element_type3A_1004, %cond3A_1005 : i32
      scf.if %cond3A_1006 {
        %dma_wait3A_1967 = arith.constant 1 : i32
        %dma_wait3A_1968 = arith.constant 0 : i32
        %dma_wait3A_1969 = arith.constant 0 : i32
        %dma_wait3A_1970 = tpu.memref_slice %arg6[%dma_wait3A_1967, %dma_wait3A_1968, %dma_wait3A_1969] : memref<2x32x64xf32, #tpu.memory_space<vmem>> -> memref<1x32x64xf32, #tpu.memory_space<vmem>>
        %dma_wait3A_1971 = tpu.memref_squeeze %dma_wait3A_1970 : memref<1x32x64xf32, #tpu.memory_space<vmem>> -> memref<32x64xf32, #tpu.memory_space<vmem>>
        %dma_wait3A_1972 = arith.constant 0 : i32
        %dma_wait3A_1973 = arith.constant 0 : i32
        %dma_wait3A_1974 = tpu.memref_slice %arg4[%dma_wait3A_1972, %dma_wait3A_1973] : memref<51200x64xf32, #tpu.memory_space<hbm>> -> memref<32x64xf32, #tpu.memory_space<hbm>>
        %dma_wait3A_1975 = arith.constant 0 : i32
        %dma_wait3A_1976 = arith.constant 0 : i32
        %dma_wait3A_1977 = tpu.memref_slice %arg4[%dma_wait3A_1975, %dma_wait3A_1976] : memref<51200x64xf32, #tpu.memory_space<hbm>> -> memref<32x64xf32, #tpu.memory_space<hbm>>
        %dma_wait3A_1978 = arith.constant 0 : i32
        %dma_wait3A_1979 = arith.constant 0 : i32
        %dma_wait3A_1980 = tpu.memref_slice %arg6[%dma_wait3A_1967, %dma_wait3A_1978, %dma_wait3A_1979] : memref<2x32x64xf32, #tpu.memory_space<vmem>> -> memref<1x32x64xf32, #tpu.memory_space<vmem>>
        %dma_wait3A_1981 = tpu.memref_squeeze %dma_wait3A_1980 : memref<1x32x64xf32, #tpu.memory_space<vmem>> -> memref<32x64xf32, #tpu.memory_space<vmem>>
        tpu.wait_dma2 semaphore(%arg10 : memref<!tpu.dma_semaphore, #tpu.memory_space<semaphore_mem>>) src(%dma_wait3A_1981 : memref<32x64xf32, #tpu.memory_space<vmem>>) dst(%dma_wait3A_1977 : memref<32x64xf32, #tpu.memory_space<hbm>>)
      } else {
      }
      %get3A_1007 = arith.index_cast %add3A_1001 : i32 to index
      %get3A_1008 = arith.constant 0 : index
      %get3A_1009 = tpu.vector_load %arg5[%get3A_1007, %get3A_1008] {strides = array<i32>} : memref<50x32xi32, #tpu.memory_space<vmem>>, vector<1x16xi32>,
      %get3A_1010 = vector.shape_cast %get3A_1009 : vector<1x16xi32> to vector<16xi32>
      %slice3A_1011 = vector.extract_strided_slice %get3A_1010 {offsets = [0], sizes = [1], strides = [1]} : vector<16xi32> to vector<1xi32>
      %squeeze3A_1012 = vector.extract %slice3A_1011[0] : i32 from vector<1xi32>
      %shift_right_arithmetic3A_1013 = arith.constant 3 : i32
      %shift_right_arithmetic3A_1014 = arith.shrsi %squeeze3A_1012, %shift_right_arithmetic3A_1013 : i32
      %and3A_1015 = arith.constant 7 : i32
      %and3A_1016 = arith.andi %squeeze3A_1012, %and3A_1015 : i32
      %dma_start3A_1017 = arith.constant 1 : i32
      %dma_start3A_1018 = arith.constant 0 : i32
      %dma_start3A_1019 = arith.constant 0 : i32
      %dma_start3A_1020 = tpu.memref_slice %arg6[%dma_start3A_1017, %dma_start3A_1018, %dma_start3A_1019] : memref<2x32x64xf32, #tpu.memory_space<vmem>> -> memref<1x1x64xf32, #tpu.memory_space<vmem>>
      %dma_start3A_1021 = tpu.memref_squeeze %dma_start3A_1020 : memref<1x1x64xf32, #tpu.memory_space<vmem>> -> memref<1x64xf32, #tpu.memory_space<vmem>>
      %dma_start3A_1022 = arith.constant 0 : i32
      %dma_start3A_1023 = arith.constant 0 : i32
      %dma_start3A_1024 = tpu.memref_slice %arg2[%shift_right_arithmetic3A_1014, %dma_start3A_1022, %dma_start3A_1023] : memref<125000x8x64xf32, #tpu.memory_space<hbm>> -> memref<1x8x64xf32, #tpu.memory_space<hbm>>
      %dma_start3A_1025 = tpu.memref_squeeze %dma_start3A_1024 : memref<1x8x64xf32, #tpu.memory_space<hbm>> -> memref<8x64xf32, #tpu.memory_space<hbm>>
      %dma_start3A_1026 = arith.constant 0 : i32
      %dma_start3A_1027 = tpu.memref_slice %dma_start3A_1025[%and3A_1016, %dma_start3A_1026] : memref<8x64xf32, #tpu.memory_space<hbm>> -> memref<1x64xf32, #tpu.memory_space<hbm>>
      %dma_start3A_1028 = arith.constant 0 : i32
      %dma_start3A_1029 = arith.constant 0 : i32
      %dma_start3A_1030 = tpu.memref_slice %arg6[%dma_start3A_1017, %dma_start3A_1028, %dma_start3A_1029] : memref<2x32x64xf32, #tpu.memory_space<vmem>> -> memref<1x1x64xf32, #tpu.memory_space<vmem>>
      %dma_start3A_1031 = tpu.memref_squeeze %dma_start3A_1030 : memref<1x1x64xf32, #tpu.memory_space<vmem>> -> memref<1x64xf32, #tpu.memory_space<vmem>>
      %dma_start3A_1032 = arith.constant 0 : i32
      %dma_start3A_1033 = arith.constant 0 : i32
      %dma_start3A_1034 = tpu.memref_slice %arg2[%shift_right_arithmetic3A_1014, %dma_start3A_1032, %dma_start3A_1033] : memref<125000x8x64xf32, #tpu.memory_space<hbm>> -> memref<1x8x64xf32, #tpu.memory_space<hbm>>
      %dma_start3A_1035 = tpu.memref_squeeze %dma_start3A_1034 : memref<1x8x64xf32, #tpu.memory_space<hbm>> -> memref<8x64xf32, #tpu.memory_space<hbm>>
      %dma_start3A_1036 = arith.constant 0 : i32
      %dma_start3A_1037 = tpu.memref_slice %dma_start3A_1035[%and3A_1016, %dma_start3A_1036] : memref<8x64xf32, #tpu.memory_space<hbm>> -> memref<1x64xf32, #tpu.memory_space<hbm>>
      tpu.enqueue_dma source(%dma_start3A_1037 : memref<1x64xf32, #tpu.memory_space<hbm>>) target(%dma_start3A_1031 : memref<1x64xf32, #tpu.memory_space<vmem>>) target_semaphore(%arg8 : memref<!tpu.dma_semaphore, #tpu.memory_space<semaphore_mem>>)
      %slice3A_1038 = vector.extract_strided_slice %get3A_1010 {offsets = [1], sizes = [1], strides = [1]} : vector<16xi32> to vector<1xi32>
      %squeeze3A_1039 = vector.extract %slice3A_1038[0] : i32 from vector<1xi32>
      %shift_right_arithmetic3A_1040 = arith.constant 3 : i32
      %shift_right_arithmetic3A_1041 = arith.shrsi %squeeze3A_1039, %shift_right_arithmetic3A_1040 : i32
      %and3A_1042 = arith.constant 7 : i32
      %and3A_1043 = arith.andi %squeeze3A_1039, %and3A_1042 : i32
      %dma_start3A_1044 = arith.constant 1 : i32
      %dma_start3A_1045 = arith.constant 1 : i32
      %dma_start3A_1046 = arith.constant 0 : i32
      %dma_start3A_1047 = tpu.memref_slice %arg6[%dma_start3A_1044, %dma_start3A_1045, %dma_start3A_1046] : memref<2x32x64xf32, #tpu.memory_space<vmem>> -> memref<1x1x64xf32, #tpu.memory_space<vmem>>
      %dma_start3A_1048 = tpu.memref_squeeze %dma_start3A_1047 : memref<1x1x64xf32, #tpu.memory_space<vmem>> -> memref<1x64xf32, #tpu.memory_space<vmem>>
      %dma_start3A_1049 = arith.constant 0 : i32
      %dma_start3A_1050 = arith.constant 0 : i32
      %dma_start3A_1051 = tpu.memref_slice %arg2[%shift_right_arithmetic3A_1041, %dma_start3A_1049, %dma_start3A_1050] : memref<125000x8x64xf32, #tpu.memory_space<hbm>> -> memref<1x8x64xf32, #tpu.memory_space<hbm>>
      %dma_start3A_1052 = tpu.memref_squeeze %dma_start3A_1051 : memref<1x8x64xf32, #tpu.memory_space<hbm>> -> memref<8x64xf32, #tpu.memory_space<hbm>>
      %dma_start3A_1053 = arith.constant 0 : i32
      %dma_start3A_1054 = tpu.memref_slice %dma_start3A_1052[%and3A_1043, %dma_start3A_1053] : memref<8x64xf32, #tpu.memory_space<hbm>> -> memref<1x64xf32, #tpu.memory_space<hbm>>
      %dma_start3A_1055 = arith.constant 1 : i32
      %dma_start3A_1056 = arith.constant 0 : i32
      %dma_start3A_1057 = tpu.memref_slice %arg6[%dma_start3A_1044, %dma_start3A_1055, %dma_start3A_1056] : memref<2x32x64xf32, #tpu.memory_space<vmem>> -> memref<1x1x64xf32, #tpu.memory_space<vmem>>
      %dma_start3A_1058 = tpu.memref_squeeze %dma_start3A_1057 : memref<1x1x64xf32, #tpu.memory_space<vmem>> -> memref<1x64xf32, #tpu.memory_space<vmem>>
      %dma_start3A_1059 = arith.constant 0 : i32
      %dma_start3A_1060 = arith.constant 0 : i32
      %dma_start3A_1061 = tpu.memref_slice %arg2[%shift_right_arithmetic3A_1041, %dma_start3A_1059, %dma_start3A_1060] : memref<125000x8x64xf32, #tpu.memory_space<hbm>> -> memref<1x8x64xf32, #tpu.memory_space<hbm>>
      %dma_start3A_1062 = tpu.memref_squeeze %dma_start3A_1061 : memref<1x8x64xf32, #tpu.memory_space<hbm>> -> memref<8x64xf32, #tpu.memory_space<hbm>>
      %dma_start3A_1063 = arith.constant 0 : i32
      %dma_start3A_1064 = tpu.memref_slice %dma_start3A_1062[%and3A_1043, %dma_start3A_1063] : memref<8x64xf32, #tpu.memory_space<hbm>> -> memref<1x64xf32, #tpu.memory_space<hbm>>
      tpu.enqueue_dma source(%dma_start3A_1064 : memref<1x64xf32, #tpu.memory_space<hbm>>) target(%dma_start3A_1058 : memref<1x64xf32, #tpu.memory_space<vmem>>) target_semaphore(%arg8 : memref<!tpu.dma_semaphore, #tpu.memory_space<semaphore_mem>>)
      %slice3A_1065 = vector.extract_strided_slice %get3A_1010 {offsets = [2], sizes = [1], strides = [1]} : vector<16xi32> to vector<1xi32>
      %squeeze3A_1066 = vector.extract %slice3A_1065[0] : i32 from vector<1xi32>
      %shift_right_arithmetic3A_1067 = arith.constant 3 : i32
      %shift_right_arithmetic3A_1068 = arith.shrsi %squeeze3A_1066, %shift_right_arithmetic3A_1067 : i32
      %and3A_1069 = arith.constant 7 : i32
      %and3A_1070 = arith.andi %squeeze3A_1066, %and3A_1069 : i32
      %dma_start3A_1071 = arith.constant 1 : i32
      %dma_start3A_1072 = arith.constant 2 : i32
      %dma_start3A_1073 = arith.constant 0 : i32
      %dma_start3A_1074 = tpu.memref_slice %arg6[%dma_start3A_1071, %dma_start3A_1072, %dma_start3A_1073] : memref<2x32x64xf32, #tpu.memory_space<vmem>> -> memref<1x1x64xf32, #tpu.memory_space<vmem>>
      %dma_start3A_1075 = tpu.memref_squeeze %dma_start3A_1074 : memref<1x1x64xf32, #tpu.memory_space<vmem>> -> memref<1x64xf32, #tpu.memory_space<vmem>>
      %dma_start3A_1076 = arith.constant 0 : i32
      %dma_start3A_1077 = arith.constant 0 : i32
      %dma_start3A_1078 = tpu.memref_slice %arg2[%shift_right_arithmetic3A_1068, %dma_start3A_1076, %dma_start3A_1077] : memref<125000x8x64xf32, #tpu.memory_space<hbm>> -> memref<1x8x64xf32, #tpu.memory_space<hbm>>
      %dma_start3A_1079 = tpu.memref_squeeze %dma_start3A_1078 : memref<1x8x64xf32, #tpu.memory_space<hbm>> -> memref<8x64xf32, #tpu.memory_space<hbm>>
      %dma_start3A_1080 = arith.constant 0 : i32
      %dma_start3A_1081 = tpu.memref_slice %dma_start3A_1079[%and3A_1070, %dma_start3A_1080] : memref<8x64xf32, #tpu.memory_space<hbm>> -> memref<1x64xf32, #tpu.memory_space<hbm>>
      %dma_start3A_1082 = arith.constant 2 : i32
      %dma_start3A_1083 = arith.constant 0 : i32
      %dma_start3A_1084 = tpu.memref_slice %arg6[%dma_start3A_1071, %dma_start3A_1082, %dma_start3A_1083] : memref<2x32x64xf32, #tpu.memory_space<vmem>> -> memref<1x1x64xf32, #tpu.memory_space<vmem>>
      %dma_start3A_1085 = tpu.memref_squeeze %dma_start3A_1084 : memref<1x1x64xf32, #tpu.memory_space<vmem>> -> memref<1x64xf32, #tpu.memory_space<vmem>>
      %dma_start3A_1086 = arith.constant 0 : i32
      %dma_start3A_1087 = arith.constant 0 : i32
      %dma_start3A_1088 = tpu.memref_slice %arg2[%shift_right_arithmetic3A_1068, %dma_start3A_1086, %dma_start3A_1087] : memref<125000x8x64xf32, #tpu.memory_space<hbm>> -> memref<1x8x64xf32, #tpu.memory_space<hbm>>
      %dma_start3A_1089 = tpu.memref_squeeze %dma_start3A_1088 : memref<1x8x64xf32, #tpu.memory_space<hbm>> -> memref<8x64xf32, #tpu.memory_space<hbm>>
      %dma_start3A_1090 = arith.constant 0 : i32
      %dma_start3A_1091 = tpu.memref_slice %dma_start3A_1089[%and3A_1070, %dma_start3A_1090] : memref<8x64xf32, #tpu.memory_space<hbm>> -> memref<1x64xf32, #tpu.memory_space<hbm>>
      tpu.enqueue_dma source(%dma_start3A_1091 : memref<1x64xf32, #tpu.memory_space<hbm>>) target(%dma_start3A_1085 : memref<1x64xf32, #tpu.memory_space<vmem>>) target_semaphore(%arg8 : memref<!tpu.dma_semaphore, #tpu.memory_space<semaphore_mem>>)
      %slice3A_1092 = vector.extract_strided_slice %get3A_1010 {offsets = [3], sizes = [1], strides = [1]} : vector<16xi32> to vector<1xi32>
      %squeeze3A_1093 = vector.extract %slice3A_1092[0] : i32 from vector<1xi32>
      %shift_right_arithmetic3A_1094 = arith.constant 3 : i32
      %shift_right_arithmetic3A_1095 = arith.shrsi %squeeze3A_1093, %shift_right_arithmetic3A_1094 : i32
      %and3A_1096 = arith.constant 7 : i32
      %and3A_1097 = arith.andi %squeeze3A_1093, %and3A_1096 : i32
      %dma_start3A_1098 = arith.constant 1 : i32
      %dma_start3A_1099 = arith.constant 3 : i32
      %dma_start3A_1100 = arith.constant 0 : i32
      %dma_start3A_1101 = tpu.memref_slice %arg6[%dma_start3A_1098, %dma_start3A_1099, %dma_start3A_1100] : memref<2x32x64xf32, #tpu.memory_space<vmem>> -> memref<1x1x64xf32, #tpu.memory_space<vmem>>
      %dma_start3A_1102 = tpu.memref_squeeze %dma_start3A_1101 : memref<1x1x64xf32, #tpu.memory_space<vmem>> -> memref<1x64xf32, #tpu.memory_space<vmem>>
      %dma_start3A_1103 = arith.constant 0 : i32
      %dma_start3A_1104 = arith.constant 0 : i32
      %dma_start3A_1105 = tpu.memref_slice %arg2[%shift_right_arithmetic3A_1095, %dma_start3A_1103, %dma_start3A_1104] : memref<125000x8x64xf32, #tpu.memory_space<hbm>> -> memref<1x8x64xf32, #tpu.memory_space<hbm>>
      %dma_start3A_1106 = tpu.memref_squeeze %dma_start3A_1105 : memref<1x8x64xf32, #tpu.memory_space<hbm>> -> memref<8x64xf32, #tpu.memory_space<hbm>>
      %dma_start3A_1107 = arith.constant 0 : i32
      %dma_start3A_1108 = tpu.memref_slice %dma_start3A_1106[%and3A_1097, %dma_start3A_1107] : memref<8x64xf32, #tpu.memory_space<hbm>> -> memref<1x64xf32, #tpu.memory_space<hbm>>
      %dma_start3A_1109 = arith.constant 3 : i32
      %dma_start3A_1110 = arith.constant 0 : i32
      %dma_start3A_1111 = tpu.memref_slice %arg6[%dma_start3A_1098, %dma_start3A_1109, %dma_start3A_1110] : memref<2x32x64xf32, #tpu.memory_space<vmem>> -> memref<1x1x64xf32, #tpu.memory_space<vmem>>
      %dma_start3A_1112 = tpu.memref_squeeze %dma_start3A_1111 : memref<1x1x64xf32, #tpu.memory_space<vmem>> -> memref<1x64xf32, #tpu.memory_space<vmem>>
      %dma_start3A_1113 = arith.constant 0 : i32
      %dma_start3A_1114 = arith.constant 0 : i32
      %dma_start3A_1115 = tpu.memref_slice %arg2[%shift_right_arithmetic3A_1095, %dma_start3A_1113, %dma_start3A_1114] : memref<125000x8x64xf32, #tpu.memory_space<hbm>> -> memref<1x8x64xf32, #tpu.memory_space<hbm>>
      %dma_start3A_1116 = tpu.memref_squeeze %dma_start3A_1115 : memref<1x8x64xf32, #tpu.memory_space<hbm>> -> memref<8x64xf32, #tpu.memory_space<hbm>>
      %dma_start3A_1117 = arith.constant 0 : i32
      %dma_start3A_1118 = tpu.memref_slice %dma_start3A_1116[%and3A_1097, %dma_start3A_1117] : memref<8x64xf32, #tpu.memory_space<hbm>> -> memref<1x64xf32, #tpu.memory_space<hbm>>
      tpu.enqueue_dma source(%dma_start3A_1118 : memref<1x64xf32, #tpu.memory_space<hbm>>) target(%dma_start3A_1112 : memref<1x64xf32, #tpu.memory_space<vmem>>) target_semaphore(%arg8 : memref<!tpu.dma_semaphore, #tpu.memory_space<semaphore_mem>>)
      %slice3A_1119 = vector.extract_strided_slice %get3A_1010 {offsets = [4], sizes = [1], strides = [1]} : vector<16xi32> to vector<1xi32>
      %squeeze3A_1120 = vector.extract %slice3A_1119[0] : i32 from vector<1xi32>
      %shift_right_arithmetic3A_1121 = arith.constant 3 : i32
      %shift_right_arithmetic3A_1122 = arith.shrsi %squeeze3A_1120, %shift_right_arithmetic3A_1121 : i32
      %and3A_1123 = arith.constant 7 : i32
      %and3A_1124 = arith.andi %squeeze3A_1120, %and3A_1123 : i32
      %dma_start3A_1125 = arith.constant 1 : i32
      %dma_start3A_1126 = arith.constant 4 : i32
      %dma_start3A_1127 = arith.constant 0 : i32
      %dma_start3A_1128 = tpu.memref_slice %arg6[%dma_start3A_1125, %dma_start3A_1126, %dma_start3A_1127] : memref<2x32x64xf32, #tpu.memory_space<vmem>> -> memref<1x1x64xf32, #tpu.memory_space<vmem>>
      %dma_start3A_1129 = tpu.memref_squeeze %dma_start3A_1128 : memref<1x1x64xf32, #tpu.memory_space<vmem>> -> memref<1x64xf32, #tpu.memory_space<vmem>>
      %dma_start3A_1130 = arith.constant 0 : i32
      %dma_start3A_1131 = arith.constant 0 : i32
      %dma_start3A_1132 = tpu.memref_slice %arg2[%shift_right_arithmetic3A_1122, %dma_start3A_1130, %dma_start3A_1131] : memref<125000x8x64xf32, #tpu.memory_space<hbm>> -> memref<1x8x64xf32, #tpu.memory_space<hbm>>
      %dma_start3A_1133 = tpu.memref_squeeze %dma_start3A_1132 : memref<1x8x64xf32, #tpu.memory_space<hbm>> -> memref<8x64xf32, #tpu.memory_space<hbm>>
      %dma_start3A_1134 = arith.constant 0 : i32
      %dma_start3A_1135 = tpu.memref_slice %dma_start3A_1133[%and3A_1124, %dma_start3A_1134] : memref<8x64xf32, #tpu.memory_space<hbm>> -> memref<1x64xf32, #tpu.memory_space<hbm>>
      %dma_start3A_1136 = arith.constant 4 : i32
      %dma_start3A_1137 = arith.constant 0 : i32
      %dma_start3A_1138 = tpu.memref_slice %arg6[%dma_start3A_1125, %dma_start3A_1136, %dma_start3A_1137] : memref<2x32x64xf32, #tpu.memory_space<vmem>> -> memref<1x1x64xf32, #tpu.memory_space<vmem>>
      %dma_start3A_1139 = tpu.memref_squeeze %dma_start3A_1138 : memref<1x1x64xf32, #tpu.memory_space<vmem>> -> memref<1x64xf32, #tpu.memory_space<vmem>>
      %dma_start3A_1140 = arith.constant 0 : i32
      %dma_start3A_1141 = arith.constant 0 : i32
      %dma_start3A_1142 = tpu.memref_slice %arg2[%shift_right_arithmetic3A_1122, %dma_start3A_1140, %dma_start3A_1141] : memref<125000x8x64xf32, #tpu.memory_space<hbm>> -> memref<1x8x64xf32, #tpu.memory_space<hbm>>
      %dma_start3A_1143 = tpu.memref_squeeze %dma_start3A_1142 : memref<1x8x64xf32, #tpu.memory_space<hbm>> -> memref<8x64xf32, #tpu.memory_space<hbm>>
      %dma_start3A_1144 = arith.constant 0 : i32
      %dma_start3A_1145 = tpu.memref_slice %dma_start3A_1143[%and3A_1124, %dma_start3A_1144] : memref<8x64xf32, #tpu.memory_space<hbm>> -> memref<1x64xf32, #tpu.memory_space<hbm>>
      tpu.enqueue_dma source(%dma_start3A_1145 : memref<1x64xf32, #tpu.memory_space<hbm>>) target(%dma_start3A_1139 : memref<1x64xf32, #tpu.memory_space<vmem>>) target_semaphore(%arg8 : memref<!tpu.dma_semaphore, #tpu.memory_space<semaphore_mem>>)
      %slice3A_1146 = vector.extract_strided_slice %get3A_1010 {offsets = [5], sizes = [1], strides = [1]} : vector<16xi32> to vector<1xi32>
      %squeeze3A_1147 = vector.extract %slice3A_1146[0] : i32 from vector<1xi32>
      %shift_right_arithmetic3A_1148 = arith.constant 3 : i32
      %shift_right_arithmetic3A_1149 = arith.shrsi %squeeze3A_1147, %shift_right_arithmetic3A_1148 : i32
      %and3A_1150 = arith.constant 7 : i32
      %and3A_1151 = arith.andi %squeeze3A_1147, %and3A_1150 : i32
      %dma_start3A_1152 = arith.constant 1 : i32
      %dma_start3A_1153 = arith.constant 5 : i32
      %dma_start3A_1154 = arith.constant 0 : i32
      %dma_start3A_1155 = tpu.memref_slice %arg6[%dma_start3A_1152, %dma_start3A_1153, %dma_start3A_1154] : memref<2x32x64xf32, #tpu.memory_space<vmem>> -> memref<1x1x64xf32, #tpu.memory_space<vmem>>
      %dma_start3A_1156 = tpu.memref_squeeze %dma_start3A_1155 : memref<1x1x64xf32, #tpu.memory_space<vmem>> -> memref<1x64xf32, #tpu.memory_space<vmem>>
      %dma_start3A_1157 = arith.constant 0 : i32
      %dma_start3A_1158 = arith.constant 0 : i32
      %dma_start3A_1159 = tpu.memref_slice %arg2[%shift_right_arithmetic3A_1149, %dma_start3A_1157, %dma_start3A_1158] : memref<125000x8x64xf32, #tpu.memory_space<hbm>> -> memref<1x8x64xf32, #tpu.memory_space<hbm>>
      %dma_start3A_1160 = tpu.memref_squeeze %dma_start3A_1159 : memref<1x8x64xf32, #tpu.memory_space<hbm>> -> memref<8x64xf32, #tpu.memory_space<hbm>>
      %dma_start3A_1161 = arith.constant 0 : i32
      %dma_start3A_1162 = tpu.memref_slice %dma_start3A_1160[%and3A_1151, %dma_start3A_1161] : memref<8x64xf32, #tpu.memory_space<hbm>> -> memref<1x64xf32, #tpu.memory_space<hbm>>
      %dma_start3A_1163 = arith.constant 5 : i32
      %dma_start3A_1164 = arith.constant 0 : i32
      %dma_start3A_1165 = tpu.memref_slice %arg6[%dma_start3A_1152, %dma_start3A_1163, %dma_start3A_1164] : memref<2x32x64xf32, #tpu.memory_space<vmem>> -> memref<1x1x64xf32, #tpu.memory_space<vmem>>
      %dma_start3A_1166 = tpu.memref_squeeze %dma_start3A_1165 : memref<1x1x64xf32, #tpu.memory_space<vmem>> -> memref<1x64xf32, #tpu.memory_space<vmem>>
      %dma_start3A_1167 = arith.constant 0 : i32
      %dma_start3A_1168 = arith.constant 0 : i32
      %dma_start3A_1169 = tpu.memref_slice %arg2[%shift_right_arithmetic3A_1149, %dma_start3A_1167, %dma_start3A_1168] : memref<125000x8x64xf32, #tpu.memory_space<hbm>> -> memref<1x8x64xf32, #tpu.memory_space<hbm>>
      %dma_start3A_1170 = tpu.memref_squeeze %dma_start3A_1169 : memref<1x8x64xf32, #tpu.memory_space<hbm>> -> memref<8x64xf32, #tpu.memory_space<hbm>>
      %dma_start3A_1171 = arith.constant 0 : i32
      %dma_start3A_1172 = tpu.memref_slice %dma_start3A_1170[%and3A_1151, %dma_start3A_1171] : memref<8x64xf32, #tpu.memory_space<hbm>> -> memref<1x64xf32, #tpu.memory_space<hbm>>
      tpu.enqueue_dma source(%dma_start3A_1172 : memref<1x64xf32, #tpu.memory_space<hbm>>) target(%dma_start3A_1166 : memref<1x64xf32, #tpu.memory_space<vmem>>) target_semaphore(%arg8 : memref<!tpu.dma_semaphore, #tpu.memory_space<semaphore_mem>>)
      %slice3A_1173 = vector.extract_strided_slice %get3A_1010 {offsets = [6], sizes = [1], strides = [1]} : vector<16xi32> to vector<1xi32>
      %squeeze3A_1174 = vector.extract %slice3A_1173[0] : i32 from vector<1xi32>
      %shift_right_arithmetic3A_1175 = arith.constant 3 : i32
      %shift_right_arithmetic3A_1176 = arith.shrsi %squeeze3A_1174, %shift_right_arithmetic3A_1175 : i32
      %and3A_1177 = arith.constant 7 : i32
      %and3A_1178 = arith.andi %squeeze3A_1174, %and3A_1177 : i32
      %dma_start3A_1179 = arith.constant 1 : i32
      %dma_start3A_1180 = arith.constant 6 : i32
      %dma_start3A_1181 = arith.constant 0 : i32
      %dma_start3A_1182 = tpu.memref_slice %arg6[%dma_start3A_1179, %dma_start3A_1180, %dma_start3A_1181] : memref<2x32x64xf32, #tpu.memory_space<vmem>> -> memref<1x1x64xf32, #tpu.memory_space<vmem>>
      %dma_start3A_1183 = tpu.memref_squeeze %dma_start3A_1182 : memref<1x1x64xf32, #tpu.memory_space<vmem>> -> memref<1x64xf32, #tpu.memory_space<vmem>>
      %dma_start3A_1184 = arith.constant 0 : i32
      %dma_start3A_1185 = arith.constant 0 : i32
      %dma_start3A_1186 = tpu.memref_slice %arg2[%shift_right_arithmetic3A_1176, %dma_start3A_1184, %dma_start3A_1185] : memref<125000x8x64xf32, #tpu.memory_space<hbm>> -> memref<1x8x64xf32, #tpu.memory_space<hbm>>
      %dma_start3A_1187 = tpu.memref_squeeze %dma_start3A_1186 : memref<1x8x64xf32, #tpu.memory_space<hbm>> -> memref<8x64xf32, #tpu.memory_space<hbm>>
      %dma_start3A_1188 = arith.constant 0 : i32
      %dma_start3A_1189 = tpu.memref_slice %dma_start3A_1187[%and3A_1178, %dma_start3A_1188] : memref<8x64xf32, #tpu.memory_space<hbm>> -> memref<1x64xf32, #tpu.memory_space<hbm>>
      %dma_start3A_1190 = arith.constant 6 : i32
      %dma_start3A_1191 = arith.constant 0 : i32
      %dma_start3A_1192 = tpu.memref_slice %arg6[%dma_start3A_1179, %dma_start3A_1190, %dma_start3A_1191] : memref<2x32x64xf32, #tpu.memory_space<vmem>> -> memref<1x1x64xf32, #tpu.memory_space<vmem>>
      %dma_start3A_1193 = tpu.memref_squeeze %dma_start3A_1192 : memref<1x1x64xf32, #tpu.memory_space<vmem>> -> memref<1x64xf32, #tpu.memory_space<vmem>>
      %dma_start3A_1194 = arith.constant 0 : i32
      %dma_start3A_1195 = arith.constant 0 : i32
      %dma_start3A_1196 = tpu.memref_slice %arg2[%shift_right_arithmetic3A_1176, %dma_start3A_1194, %dma_start3A_1195] : memref<125000x8x64xf32, #tpu.memory_space<hbm>> -> memref<1x8x64xf32, #tpu.memory_space<hbm>>
      %dma_start3A_1197 = tpu.memref_squeeze %dma_start3A_1196 : memref<1x8x64xf32, #tpu.memory_space<hbm>> -> memref<8x64xf32, #tpu.memory_space<hbm>>
      %dma_start3A_1198 = arith.constant 0 : i32
      %dma_start3A_1199 = tpu.memref_slice %dma_start3A_1197[%and3A_1178, %dma_start3A_1198] : memref<8x64xf32, #tpu.memory_space<hbm>> -> memref<1x64xf32, #tpu.memory_space<hbm>>
      tpu.enqueue_dma source(%dma_start3A_1199 : memref<1x64xf32, #tpu.memory_space<hbm>>) target(%dma_start3A_1193 : memref<1x64xf32, #tpu.memory_space<vmem>>) target_semaphore(%arg8 : memref<!tpu.dma_semaphore, #tpu.memory_space<semaphore_mem>>)
      %slice3A_1200 = vector.extract_strided_slice %get3A_1010 {offsets = [7], sizes = [1], strides = [1]} : vector<16xi32> to vector<1xi32>
      %squeeze3A_1201 = vector.extract %slice3A_1200[0] : i32 from vector<1xi32>
      %shift_right_arithmetic3A_1202 = arith.constant 3 : i32
      %shift_right_arithmetic3A_1203 = arith.shrsi %squeeze3A_1201, %shift_right_arithmetic3A_1202 : i32
      %and3A_1204 = arith.constant 7 : i32
      %and3A_1205 = arith.andi %squeeze3A_1201, %and3A_1204 : i32
      %dma_start3A_1206 = arith.constant 1 : i32
      %dma_start3A_1207 = arith.constant 7 : i32
      %dma_start3A_1208 = arith.constant 0 : i32
      %dma_start3A_1209 = tpu.memref_slice %arg6[%dma_start3A_1206, %dma_start3A_1207, %dma_start3A_1208] : memref<2x32x64xf32, #tpu.memory_space<vmem>> -> memref<1x1x64xf32, #tpu.memory_space<vmem>>
      %dma_start3A_1210 = tpu.memref_squeeze %dma_start3A_1209 : memref<1x1x64xf32, #tpu.memory_space<vmem>> -> memref<1x64xf32, #tpu.memory_space<vmem>>
      %dma_start3A_1211 = arith.constant 0 : i32
      %dma_start3A_1212 = arith.constant 0 : i32
      %dma_start3A_1213 = tpu.memref_slice %arg2[%shift_right_arithmetic3A_1203, %dma_start3A_1211, %dma_start3A_1212] : memref<125000x8x64xf32, #tpu.memory_space<hbm>> -> memref<1x8x64xf32, #tpu.memory_space<hbm>>
      %dma_start3A_1214 = tpu.memref_squeeze %dma_start3A_1213 : memref<1x8x64xf32, #tpu.memory_space<hbm>> -> memref<8x64xf32, #tpu.memory_space<hbm>>
      %dma_start3A_1215 = arith.constant 0 : i32
      %dma_start3A_1216 = tpu.memref_slice %dma_start3A_1214[%and3A_1205, %dma_start3A_1215] : memref<8x64xf32, #tpu.memory_space<hbm>> -> memref<1x64xf32, #tpu.memory_space<hbm>>
      %dma_start3A_1217 = arith.constant 7 : i32
      %dma_start3A_1218 = arith.constant 0 : i32
      %dma_start3A_1219 = tpu.memref_slice %arg6[%dma_start3A_1206, %dma_start3A_1217, %dma_start3A_1218] : memref<2x32x64xf32, #tpu.memory_space<vmem>> -> memref<1x1x64xf32, #tpu.memory_space<vmem>>
      %dma_start3A_1220 = tpu.memref_squeeze %dma_start3A_1219 : memref<1x1x64xf32, #tpu.memory_space<vmem>> -> memref<1x64xf32, #tpu.memory_space<vmem>>
      %dma_start3A_1221 = arith.constant 0 : i32
      %dma_start3A_1222 = arith.constant 0 : i32
      %dma_start3A_1223 = tpu.memref_slice %arg2[%shift_right_arithmetic3A_1203, %dma_start3A_1221, %dma_start3A_1222] : memref<125000x8x64xf32, #tpu.memory_space<hbm>> -> memref<1x8x64xf32, #tpu.memory_space<hbm>>
      %dma_start3A_1224 = tpu.memref_squeeze %dma_start3A_1223 : memref<1x8x64xf32, #tpu.memory_space<hbm>> -> memref<8x64xf32, #tpu.memory_space<hbm>>
      %dma_start3A_1225 = arith.constant 0 : i32
      %dma_start3A_1226 = tpu.memref_slice %dma_start3A_1224[%and3A_1205, %dma_start3A_1225] : memref<8x64xf32, #tpu.memory_space<hbm>> -> memref<1x64xf32, #tpu.memory_space<hbm>>
      tpu.enqueue_dma source(%dma_start3A_1226 : memref<1x64xf32, #tpu.memory_space<hbm>>) target(%dma_start3A_1220 : memref<1x64xf32, #tpu.memory_space<vmem>>) target_semaphore(%arg8 : memref<!tpu.dma_semaphore, #tpu.memory_space<semaphore_mem>>)
      %slice3A_1227 = vector.extract_strided_slice %get3A_1010 {offsets = [8], sizes = [1], strides = [1]} : vector<16xi32> to vector<1xi32>
      %squeeze3A_1228 = vector.extract %slice3A_1227[0] : i32 from vector<1xi32>
      %shift_right_arithmetic3A_1229 = arith.constant 3 : i32
      %shift_right_arithmetic3A_1230 = arith.shrsi %squeeze3A_1228, %shift_right_arithmetic3A_1229 : i32
      %and3A_1231 = arith.constant 7 : i32
      %and3A_1232 = arith.andi %squeeze3A_1228, %and3A_1231 : i32
      %dma_start3A_1233 = arith.constant 1 : i32
      %dma_start3A_1234 = arith.constant 8 : i32
      %dma_start3A_1235 = arith.constant 0 : i32
      %dma_start3A_1236 = tpu.memref_slice %arg6[%dma_start3A_1233, %dma_start3A_1234, %dma_start3A_1235] : memref<2x32x64xf32, #tpu.memory_space<vmem>> -> memref<1x1x64xf32, #tpu.memory_space<vmem>>
      %dma_start3A_1237 = tpu.memref_squeeze %dma_start3A_1236 : memref<1x1x64xf32, #tpu.memory_space<vmem>> -> memref<1x64xf32, #tpu.memory_space<vmem>>
      %dma_start3A_1238 = arith.constant 0 : i32
      %dma_start3A_1239 = arith.constant 0 : i32
      %dma_start3A_1240 = tpu.memref_slice %arg2[%shift_right_arithmetic3A_1230, %dma_start3A_1238, %dma_start3A_1239] : memref<125000x8x64xf32, #tpu.memory_space<hbm>> -> memref<1x8x64xf32, #tpu.memory_space<hbm>>
      %dma_start3A_1241 = tpu.memref_squeeze %dma_start3A_1240 : memref<1x8x64xf32, #tpu.memory_space<hbm>> -> memref<8x64xf32, #tpu.memory_space<hbm>>
      %dma_start3A_1242 = arith.constant 0 : i32
      %dma_start3A_1243 = tpu.memref_slice %dma_start3A_1241[%and3A_1232, %dma_start3A_1242] : memref<8x64xf32, #tpu.memory_space<hbm>> -> memref<1x64xf32, #tpu.memory_space<hbm>>
      %dma_start3A_1244 = arith.constant 8 : i32
      %dma_start3A_1245 = arith.constant 0 : i32
      %dma_start3A_1246 = tpu.memref_slice %arg6[%dma_start3A_1233, %dma_start3A_1244, %dma_start3A_1245] : memref<2x32x64xf32, #tpu.memory_space<vmem>> -> memref<1x1x64xf32, #tpu.memory_space<vmem>>
      %dma_start3A_1247 = tpu.memref_squeeze %dma_start3A_1246 : memref<1x1x64xf32, #tpu.memory_space<vmem>> -> memref<1x64xf32, #tpu.memory_space<vmem>>
      %dma_start3A_1248 = arith.constant 0 : i32
      %dma_start3A_1249 = arith.constant 0 : i32
      %dma_start3A_1250 = tpu.memref_slice %arg2[%shift_right_arithmetic3A_1230, %dma_start3A_1248, %dma_start3A_1249] : memref<125000x8x64xf32, #tpu.memory_space<hbm>> -> memref<1x8x64xf32, #tpu.memory_space<hbm>>
      %dma_start3A_1251 = tpu.memref_squeeze %dma_start3A_1250 : memref<1x8x64xf32, #tpu.memory_space<hbm>> -> memref<8x64xf32, #tpu.memory_space<hbm>>
      %dma_start3A_1252 = arith.constant 0 : i32
      %dma_start3A_1253 = tpu.memref_slice %dma_start3A_1251[%and3A_1232, %dma_start3A_1252] : memref<8x64xf32, #tpu.memory_space<hbm>> -> memref<1x64xf32, #tpu.memory_space<hbm>>
      tpu.enqueue_dma source(%dma_start3A_1253 : memref<1x64xf32, #tpu.memory_space<hbm>>) target(%dma_start3A_1247 : memref<1x64xf32, #tpu.memory_space<vmem>>) target_semaphore(%arg8 : memref<!tpu.dma_semaphore, #tpu.memory_space<semaphore_mem>>)
      %slice3A_1254 = vector.extract_strided_slice %get3A_1010 {offsets = [9], sizes = [1], strides = [1]} : vector<16xi32> to vector<1xi32>
      %squeeze3A_1255 = vector.extract %slice3A_1254[0] : i32 from vector<1xi32>
      %shift_right_arithmetic3A_1256 = arith.constant 3 : i32
      %shift_right_arithmetic3A_1257 = arith.shrsi %squeeze3A_1255, %shift_right_arithmetic3A_1256 : i32
      %and3A_1258 = arith.constant 7 : i32
      %and3A_1259 = arith.andi %squeeze3A_1255, %and3A_1258 : i32
      %dma_start3A_1260 = arith.constant 1 : i32
      %dma_start3A_1261 = arith.constant 9 : i32
      %dma_start3A_1262 = arith.constant 0 : i32
      %dma_start3A_1263 = tpu.memref_slice %arg6[%dma_start3A_1260, %dma_start3A_1261, %dma_start3A_1262] : memref<2x32x64xf32, #tpu.memory_space<vmem>> -> memref<1x1x64xf32, #tpu.memory_space<vmem>>
      %dma_start3A_1264 = tpu.memref_squeeze %dma_start3A_1263 : memref<1x1x64xf32, #tpu.memory_space<vmem>> -> memref<1x64xf32, #tpu.memory_space<vmem>>
      %dma_start3A_1265 = arith.constant 0 : i32
      %dma_start3A_1266 = arith.constant 0 : i32
      %dma_start3A_1267 = tpu.memref_slice %arg2[%shift_right_arithmetic3A_1257, %dma_start3A_1265, %dma_start3A_1266] : memref<125000x8x64xf32, #tpu.memory_space<hbm>> -> memref<1x8x64xf32, #tpu.memory_space<hbm>>
      %dma_start3A_1268 = tpu.memref_squeeze %dma_start3A_1267 : memref<1x8x64xf32, #tpu.memory_space<hbm>> -> memref<8x64xf32, #tpu.memory_space<hbm>>
      %dma_start3A_1269 = arith.constant 0 : i32
      %dma_start3A_1270 = tpu.memref_slice %dma_start3A_1268[%and3A_1259, %dma_start3A_1269] : memref<8x64xf32, #tpu.memory_space<hbm>> -> memref<1x64xf32, #tpu.memory_space<hbm>>
      %dma_start3A_1271 = arith.constant 9 : i32
      %dma_start3A_1272 = arith.constant 0 : i32
      %dma_start3A_1273 = tpu.memref_slice %arg6[%dma_start3A_1260, %dma_start3A_1271, %dma_start3A_1272] : memref<2x32x64xf32, #tpu.memory_space<vmem>> -> memref<1x1x64xf32, #tpu.memory_space<vmem>>
      %dma_start3A_1274 = tpu.memref_squeeze %dma_start3A_1273 : memref<1x1x64xf32, #tpu.memory_space<vmem>> -> memref<1x64xf32, #tpu.memory_space<vmem>>
      %dma_start3A_1275 = arith.constant 0 : i32
      %dma_start3A_1276 = arith.constant 0 : i32
      %dma_start3A_1277 = tpu.memref_slice %arg2[%shift_right_arithmetic3A_1257, %dma_start3A_1275, %dma_start3A_1276] : memref<125000x8x64xf32, #tpu.memory_space<hbm>> -> memref<1x8x64xf32, #tpu.memory_space<hbm>>
      %dma_start3A_1278 = tpu.memref_squeeze %dma_start3A_1277 : memref<1x8x64xf32, #tpu.memory_space<hbm>> -> memref<8x64xf32, #tpu.memory_space<hbm>>
      %dma_start3A_1279 = arith.constant 0 : i32
      %dma_start3A_1280 = tpu.memref_slice %dma_start3A_1278[%and3A_1259, %dma_start3A_1279] : memref<8x64xf32, #tpu.memory_space<hbm>> -> memref<1x64xf32, #tpu.memory_space<hbm>>
      tpu.enqueue_dma source(%dma_start3A_1280 : memref<1x64xf32, #tpu.memory_space<hbm>>) target(%dma_start3A_1274 : memref<1x64xf32, #tpu.memory_space<vmem>>) target_semaphore(%arg8 : memref<!tpu.dma_semaphore, #tpu.memory_space<semaphore_mem>>)
      %slice3A_1281 = vector.extract_strided_slice %get3A_1010 {offsets = [10], sizes = [1], strides = [1]} : vector<16xi32> to vector<1xi32>
      %squeeze3A_1282 = vector.extract %slice3A_1281[0] : i32 from vector<1xi32>
      %shift_right_arithmetic3A_1283 = arith.constant 3 : i32
      %shift_right_arithmetic3A_1284 = arith.shrsi %squeeze3A_1282, %shift_right_arithmetic3A_1283 : i32
      %and3A_1285 = arith.constant 7 : i32
      %and3A_1286 = arith.andi %squeeze3A_1282, %and3A_1285 : i32
      %dma_start3A_1287 = arith.constant 1 : i32
      %dma_start3A_1288 = arith.constant 10 : i32
      %dma_start3A_1289 = arith.constant 0 : i32
      %dma_start3A_1290 = tpu.memref_slice %arg6[%dma_start3A_1287, %dma_start3A_1288, %dma_start3A_1289] : memref<2x32x64xf32, #tpu.memory_space<vmem>> -> memref<1x1x64xf32, #tpu.memory_space<vmem>>
      %dma_start3A_1291 = tpu.memref_squeeze %dma_start3A_1290 : memref<1x1x64xf32, #tpu.memory_space<vmem>> -> memref<1x64xf32, #tpu.memory_space<vmem>>
      %dma_start3A_1292 = arith.constant 0 : i32
      %dma_start3A_1293 = arith.constant 0 : i32
      %dma_start3A_1294 = tpu.memref_slice %arg2[%shift_right_arithmetic3A_1284, %dma_start3A_1292, %dma_start3A_1293] : memref<125000x8x64xf32, #tpu.memory_space<hbm>> -> memref<1x8x64xf32, #tpu.memory_space<hbm>>
      %dma_start3A_1295 = tpu.memref_squeeze %dma_start3A_1294 : memref<1x8x64xf32, #tpu.memory_space<hbm>> -> memref<8x64xf32, #tpu.memory_space<hbm>>
      %dma_start3A_1296 = arith.constant 0 : i32
      %dma_start3A_1297 = tpu.memref_slice %dma_start3A_1295[%and3A_1286, %dma_start3A_1296] : memref<8x64xf32, #tpu.memory_space<hbm>> -> memref<1x64xf32, #tpu.memory_space<hbm>>
      %dma_start3A_1298 = arith.constant 10 : i32
      %dma_start3A_1299 = arith.constant 0 : i32
      %dma_start3A_1300 = tpu.memref_slice %arg6[%dma_start3A_1287, %dma_start3A_1298, %dma_start3A_1299] : memref<2x32x64xf32, #tpu.memory_space<vmem>> -> memref<1x1x64xf32, #tpu.memory_space<vmem>>
      %dma_start3A_1301 = tpu.memref_squeeze %dma_start3A_1300 : memref<1x1x64xf32, #tpu.memory_space<vmem>> -> memref<1x64xf32, #tpu.memory_space<vmem>>
      %dma_start3A_1302 = arith.constant 0 : i32
      %dma_start3A_1303 = arith.constant 0 : i32
      %dma_start3A_1304 = tpu.memref_slice %arg2[%shift_right_arithmetic3A_1284, %dma_start3A_1302, %dma_start3A_1303] : memref<125000x8x64xf32, #tpu.memory_space<hbm>> -> memref<1x8x64xf32, #tpu.memory_space<hbm>>
      %dma_start3A_1305 = tpu.memref_squeeze %dma_start3A_1304 : memref<1x8x64xf32, #tpu.memory_space<hbm>> -> memref<8x64xf32, #tpu.memory_space<hbm>>
      %dma_start3A_1306 = arith.constant 0 : i32
      %dma_start3A_1307 = tpu.memref_slice %dma_start3A_1305[%and3A_1286, %dma_start3A_1306] : memref<8x64xf32, #tpu.memory_space<hbm>> -> memref<1x64xf32, #tpu.memory_space<hbm>>
      tpu.enqueue_dma source(%dma_start3A_1307 : memref<1x64xf32, #tpu.memory_space<hbm>>) target(%dma_start3A_1301 : memref<1x64xf32, #tpu.memory_space<vmem>>) target_semaphore(%arg8 : memref<!tpu.dma_semaphore, #tpu.memory_space<semaphore_mem>>)
      %slice3A_1308 = vector.extract_strided_slice %get3A_1010 {offsets = [11], sizes = [1], strides = [1]} : vector<16xi32> to vector<1xi32>
      %squeeze3A_1309 = vector.extract %slice3A_1308[0] : i32 from vector<1xi32>
      %shift_right_arithmetic3A_1310 = arith.constant 3 : i32
      %shift_right_arithmetic3A_1311 = arith.shrsi %squeeze3A_1309, %shift_right_arithmetic3A_1310 : i32
      %and3A_1312 = arith.constant 7 : i32
      %and3A_1313 = arith.andi %squeeze3A_1309, %and3A_1312 : i32
      %dma_start3A_1314 = arith.constant 1 : i32
      %dma_start3A_1315 = arith.constant 11 : i32
      %dma_start3A_1316 = arith.constant 0 : i32
      %dma_start3A_1317 = tpu.memref_slice %arg6[%dma_start3A_1314, %dma_start3A_1315, %dma_start3A_1316] : memref<2x32x64xf32, #tpu.memory_space<vmem>> -> memref<1x1x64xf32, #tpu.memory_space<vmem>>
      %dma_start3A_1318 = tpu.memref_squeeze %dma_start3A_1317 : memref<1x1x64xf32, #tpu.memory_space<vmem>> -> memref<1x64xf32, #tpu.memory_space<vmem>>
      %dma_start3A_1319 = arith.constant 0 : i32
      %dma_start3A_1320 = arith.constant 0 : i32
      %dma_start3A_1321 = tpu.memref_slice %arg2[%shift_right_arithmetic3A_1311, %dma_start3A_1319, %dma_start3A_1320] : memref<125000x8x64xf32, #tpu.memory_space<hbm>> -> memref<1x8x64xf32, #tpu.memory_space<hbm>>
      %dma_start3A_1322 = tpu.memref_squeeze %dma_start3A_1321 : memref<1x8x64xf32, #tpu.memory_space<hbm>> -> memref<8x64xf32, #tpu.memory_space<hbm>>
      %dma_start3A_1323 = arith.constant 0 : i32
      %dma_start3A_1324 = tpu.memref_slice %dma_start3A_1322[%and3A_1313, %dma_start3A_1323] : memref<8x64xf32, #tpu.memory_space<hbm>> -> memref<1x64xf32, #tpu.memory_space<hbm>>
      %dma_start3A_1325 = arith.constant 11 : i32
      %dma_start3A_1326 = arith.constant 0 : i32
      %dma_start3A_1327 = tpu.memref_slice %arg6[%dma_start3A_1314, %dma_start3A_1325, %dma_start3A_1326] : memref<2x32x64xf32, #tpu.memory_space<vmem>> -> memref<1x1x64xf32, #tpu.memory_space<vmem>>
      %dma_start3A_1328 = tpu.memref_squeeze %dma_start3A_1327 : memref<1x1x64xf32, #tpu.memory_space<vmem>> -> memref<1x64xf32, #tpu.memory_space<vmem>>
      %dma_start3A_1329 = arith.constant 0 : i32
      %dma_start3A_1330 = arith.constant 0 : i32
      %dma_start3A_1331 = tpu.memref_slice %arg2[%shift_right_arithmetic3A_1311, %dma_start3A_1329, %dma_start3A_1330] : memref<125000x8x64xf32, #tpu.memory_space<hbm>> -> memref<1x8x64xf32, #tpu.memory_space<hbm>>
      %dma_start3A_1332 = tpu.memref_squeeze %dma_start3A_1331 : memref<1x8x64xf32, #tpu.memory_space<hbm>> -> memref<8x64xf32, #tpu.memory_space<hbm>>
      %dma_start3A_1333 = arith.constant 0 : i32
      %dma_start3A_1334 = tpu.memref_slice %dma_start3A_1332[%and3A_1313, %dma_start3A_1333] : memref<8x64xf32, #tpu.memory_space<hbm>> -> memref<1x64xf32, #tpu.memory_space<hbm>>
      tpu.enqueue_dma source(%dma_start3A_1334 : memref<1x64xf32, #tpu.memory_space<hbm>>) target(%dma_start3A_1328 : memref<1x64xf32, #tpu.memory_space<vmem>>) target_semaphore(%arg8 : memref<!tpu.dma_semaphore, #tpu.memory_space<semaphore_mem>>)
      %slice3A_1335 = vector.extract_strided_slice %get3A_1010 {offsets = [12], sizes = [1], strides = [1]} : vector<16xi32> to vector<1xi32>
      %squeeze3A_1336 = vector.extract %slice3A_1335[0] : i32 from vector<1xi32>
      %shift_right_arithmetic3A_1337 = arith.constant 3 : i32
      %shift_right_arithmetic3A_1338 = arith.shrsi %squeeze3A_1336, %shift_right_arithmetic3A_1337 : i32
      %and3A_1339 = arith.constant 7 : i32
      %and3A_1340 = arith.andi %squeeze3A_1336, %and3A_1339 : i32
      %dma_start3A_1341 = arith.constant 1 : i32
      %dma_start3A_1342 = arith.constant 12 : i32
      %dma_start3A_1343 = arith.constant 0 : i32
      %dma_start3A_1344 = tpu.memref_slice %arg6[%dma_start3A_1341, %dma_start3A_1342, %dma_start3A_1343] : memref<2x32x64xf32, #tpu.memory_space<vmem>> -> memref<1x1x64xf32, #tpu.memory_space<vmem>>
      %dma_start3A_1345 = tpu.memref_squeeze %dma_start3A_1344 : memref<1x1x64xf32, #tpu.memory_space<vmem>> -> memref<1x64xf32, #tpu.memory_space<vmem>>
      %dma_start3A_1346 = arith.constant 0 : i32
      %dma_start3A_1347 = arith.constant 0 : i32
      %dma_start3A_1348 = tpu.memref_slice %arg2[%shift_right_arithmetic3A_1338, %dma_start3A_1346, %dma_start3A_1347] : memref<125000x8x64xf32, #tpu.memory_space<hbm>> -> memref<1x8x64xf32, #tpu.memory_space<hbm>>
      %dma_start3A_1349 = tpu.memref_squeeze %dma_start3A_1348 : memref<1x8x64xf32, #tpu.memory_space<hbm>> -> memref<8x64xf32, #tpu.memory_space<hbm>>
      %dma_start3A_1350 = arith.constant 0 : i32
      %dma_start3A_1351 = tpu.memref_slice %dma_start3A_1349[%and3A_1340, %dma_start3A_1350] : memref<8x64xf32, #tpu.memory_space<hbm>> -> memref<1x64xf32, #tpu.memory_space<hbm>>
      %dma_start3A_1352 = arith.constant 12 : i32
      %dma_start3A_1353 = arith.constant 0 : i32
      %dma_start3A_1354 = tpu.memref_slice %arg6[%dma_start3A_1341, %dma_start3A_1352, %dma_start3A_1353] : memref<2x32x64xf32, #tpu.memory_space<vmem>> -> memref<1x1x64xf32, #tpu.memory_space<vmem>>
      %dma_start3A_1355 = tpu.memref_squeeze %dma_start3A_1354 : memref<1x1x64xf32, #tpu.memory_space<vmem>> -> memref<1x64xf32, #tpu.memory_space<vmem>>
      %dma_start3A_1356 = arith.constant 0 : i32
      %dma_start3A_1357 = arith.constant 0 : i32
      %dma_start3A_1358 = tpu.memref_slice %arg2[%shift_right_arithmetic3A_1338, %dma_start3A_1356, %dma_start3A_1357] : memref<125000x8x64xf32, #tpu.memory_space<hbm>> -> memref<1x8x64xf32, #tpu.memory_space<hbm>>
      %dma_start3A_1359 = tpu.memref_squeeze %dma_start3A_1358 : memref<1x8x64xf32, #tpu.memory_space<hbm>> -> memref<8x64xf32, #tpu.memory_space<hbm>>
      %dma_start3A_1360 = arith.constant 0 : i32
      %dma_start3A_1361 = tpu.memref_slice %dma_start3A_1359[%and3A_1340, %dma_start3A_1360] : memref<8x64xf32, #tpu.memory_space<hbm>> -> memref<1x64xf32, #tpu.memory_space<hbm>>
      tpu.enqueue_dma source(%dma_start3A_1361 : memref<1x64xf32, #tpu.memory_space<hbm>>) target(%dma_start3A_1355 : memref<1x64xf32, #tpu.memory_space<vmem>>) target_semaphore(%arg8 : memref<!tpu.dma_semaphore, #tpu.memory_space<semaphore_mem>>)
      %slice3A_1362 = vector.extract_strided_slice %get3A_1010 {offsets = [13], sizes = [1], strides = [1]} : vector<16xi32> to vector<1xi32>
      %squeeze3A_1363 = vector.extract %slice3A_1362[0] : i32 from vector<1xi32>
      %shift_right_arithmetic3A_1364 = arith.constant 3 : i32
      %shift_right_arithmetic3A_1365 = arith.shrsi %squeeze3A_1363, %shift_right_arithmetic3A_1364 : i32
      %and3A_1366 = arith.constant 7 : i32
      %and3A_1367 = arith.andi %squeeze3A_1363, %and3A_1366 : i32
      %dma_start3A_1368 = arith.constant 1 : i32
      %dma_start3A_1369 = arith.constant 13 : i32
      %dma_start3A_1370 = arith.constant 0 : i32
      %dma_start3A_1371 = tpu.memref_slice %arg6[%dma_start3A_1368, %dma_start3A_1369, %dma_start3A_1370] : memref<2x32x64xf32, #tpu.memory_space<vmem>> -> memref<1x1x64xf32, #tpu.memory_space<vmem>>
      %dma_start3A_1372 = tpu.memref_squeeze %dma_start3A_1371 : memref<1x1x64xf32, #tpu.memory_space<vmem>> -> memref<1x64xf32, #tpu.memory_space<vmem>>
      %dma_start3A_1373 = arith.constant 0 : i32
      %dma_start3A_1374 = arith.constant 0 : i32
      %dma_start3A_1375 = tpu.memref_slice %arg2[%shift_right_arithmetic3A_1365, %dma_start3A_1373, %dma_start3A_1374] : memref<125000x8x64xf32, #tpu.memory_space<hbm>> -> memref<1x8x64xf32, #tpu.memory_space<hbm>>
      %dma_start3A_1376 = tpu.memref_squeeze %dma_start3A_1375 : memref<1x8x64xf32, #tpu.memory_space<hbm>> -> memref<8x64xf32, #tpu.memory_space<hbm>>
      %dma_start3A_1377 = arith.constant 0 : i32
      %dma_start3A_1378 = tpu.memref_slice %dma_start3A_1376[%and3A_1367, %dma_start3A_1377] : memref<8x64xf32, #tpu.memory_space<hbm>> -> memref<1x64xf32, #tpu.memory_space<hbm>>
      %dma_start3A_1379 = arith.constant 13 : i32
      %dma_start3A_1380 = arith.constant 0 : i32
      %dma_start3A_1381 = tpu.memref_slice %arg6[%dma_start3A_1368, %dma_start3A_1379, %dma_start3A_1380] : memref<2x32x64xf32, #tpu.memory_space<vmem>> -> memref<1x1x64xf32, #tpu.memory_space<vmem>>
      %dma_start3A_1382 = tpu.memref_squeeze %dma_start3A_1381 : memref<1x1x64xf32, #tpu.memory_space<vmem>> -> memref<1x64xf32, #tpu.memory_space<vmem>>
      %dma_start3A_1383 = arith.constant 0 : i32
      %dma_start3A_1384 = arith.constant 0 : i32
      %dma_start3A_1385 = tpu.memref_slice %arg2[%shift_right_arithmetic3A_1365, %dma_start3A_1383, %dma_start3A_1384] : memref<125000x8x64xf32, #tpu.memory_space<hbm>> -> memref<1x8x64xf32, #tpu.memory_space<hbm>>
      %dma_start3A_1386 = tpu.memref_squeeze %dma_start3A_1385 : memref<1x8x64xf32, #tpu.memory_space<hbm>> -> memref<8x64xf32, #tpu.memory_space<hbm>>
      %dma_start3A_1387 = arith.constant 0 : i32
      %dma_start3A_1388 = tpu.memref_slice %dma_start3A_1386[%and3A_1367, %dma_start3A_1387] : memref<8x64xf32, #tpu.memory_space<hbm>> -> memref<1x64xf32, #tpu.memory_space<hbm>>
      tpu.enqueue_dma source(%dma_start3A_1388 : memref<1x64xf32, #tpu.memory_space<hbm>>) target(%dma_start3A_1382 : memref<1x64xf32, #tpu.memory_space<vmem>>) target_semaphore(%arg8 : memref<!tpu.dma_semaphore, #tpu.memory_space<semaphore_mem>>)
      %slice3A_1389 = vector.extract_strided_slice %get3A_1010 {offsets = [14], sizes = [1], strides = [1]} : vector<16xi32> to vector<1xi32>
      %squeeze3A_1390 = vector.extract %slice3A_1389[0] : i32 from vector<1xi32>
      %shift_right_arithmetic3A_1391 = arith.constant 3 : i32
      %shift_right_arithmetic3A_1392 = arith.shrsi %squeeze3A_1390, %shift_right_arithmetic3A_1391 : i32
      %and3A_1393 = arith.constant 7 : i32
      %and3A_1394 = arith.andi %squeeze3A_1390, %and3A_1393 : i32
      %dma_start3A_1395 = arith.constant 1 : i32
      %dma_start3A_1396 = arith.constant 14 : i32
      %dma_start3A_1397 = arith.constant 0 : i32
      %dma_start3A_1398 = tpu.memref_slice %arg6[%dma_start3A_1395, %dma_start3A_1396, %dma_start3A_1397] : memref<2x32x64xf32, #tpu.memory_space<vmem>> -> memref<1x1x64xf32, #tpu.memory_space<vmem>>
      %dma_start3A_1399 = tpu.memref_squeeze %dma_start3A_1398 : memref<1x1x64xf32, #tpu.memory_space<vmem>> -> memref<1x64xf32, #tpu.memory_space<vmem>>
      %dma_start3A_1400 = arith.constant 0 : i32
      %dma_start3A_1401 = arith.constant 0 : i32
      %dma_start3A_1402 = tpu.memref_slice %arg2[%shift_right_arithmetic3A_1392, %dma_start3A_1400, %dma_start3A_1401] : memref<125000x8x64xf32, #tpu.memory_space<hbm>> -> memref<1x8x64xf32, #tpu.memory_space<hbm>>
      %dma_start3A_1403 = tpu.memref_squeeze %dma_start3A_1402 : memref<1x8x64xf32, #tpu.memory_space<hbm>> -> memref<8x64xf32, #tpu.memory_space<hbm>>
      %dma_start3A_1404 = arith.constant 0 : i32
      %dma_start3A_1405 = tpu.memref_slice %dma_start3A_1403[%and3A_1394, %dma_start3A_1404] : memref<8x64xf32, #tpu.memory_space<hbm>> -> memref<1x64xf32, #tpu.memory_space<hbm>>
      %dma_start3A_1406 = arith.constant 14 : i32
      %dma_start3A_1407 = arith.constant 0 : i32
      %dma_start3A_1408 = tpu.memref_slice %arg6[%dma_start3A_1395, %dma_start3A_1406, %dma_start3A_1407] : memref<2x32x64xf32, #tpu.memory_space<vmem>> -> memref<1x1x64xf32, #tpu.memory_space<vmem>>
      %dma_start3A_1409 = tpu.memref_squeeze %dma_start3A_1408 : memref<1x1x64xf32, #tpu.memory_space<vmem>> -> memref<1x64xf32, #tpu.memory_space<vmem>>
      %dma_start3A_1410 = arith.constant 0 : i32
      %dma_start3A_1411 = arith.constant 0 : i32
      %dma_start3A_1412 = tpu.memref_slice %arg2[%shift_right_arithmetic3A_1392, %dma_start3A_1410, %dma_start3A_1411] : memref<125000x8x64xf32, #tpu.memory_space<hbm>> -> memref<1x8x64xf32, #tpu.memory_space<hbm>>
      %dma_start3A_1413 = tpu.memref_squeeze %dma_start3A_1412 : memref<1x8x64xf32, #tpu.memory_space<hbm>> -> memref<8x64xf32, #tpu.memory_space<hbm>>
      %dma_start3A_1414 = arith.constant 0 : i32
      %dma_start3A_1415 = tpu.memref_slice %dma_start3A_1413[%and3A_1394, %dma_start3A_1414] : memref<8x64xf32, #tpu.memory_space<hbm>> -> memref<1x64xf32, #tpu.memory_space<hbm>>
      tpu.enqueue_dma source(%dma_start3A_1415 : memref<1x64xf32, #tpu.memory_space<hbm>>) target(%dma_start3A_1409 : memref<1x64xf32, #tpu.memory_space<vmem>>) target_semaphore(%arg8 : memref<!tpu.dma_semaphore, #tpu.memory_space<semaphore_mem>>)
      %slice3A_1416 = vector.extract_strided_slice %get3A_1010 {offsets = [15], sizes = [1], strides = [1]} : vector<16xi32> to vector<1xi32>
      %squeeze3A_1417 = vector.extract %slice3A_1416[0] : i32 from vector<1xi32>
      %shift_right_arithmetic3A_1418 = arith.constant 3 : i32
      %shift_right_arithmetic3A_1419 = arith.shrsi %squeeze3A_1417, %shift_right_arithmetic3A_1418 : i32
      %and3A_1420 = arith.constant 7 : i32
      %and3A_1421 = arith.andi %squeeze3A_1417, %and3A_1420 : i32
      %dma_start3A_1422 = arith.constant 1 : i32
      %dma_start3A_1423 = arith.constant 15 : i32
      %dma_start3A_1424 = arith.constant 0 : i32
      %dma_start3A_1425 = tpu.memref_slice %arg6[%dma_start3A_1422, %dma_start3A_1423, %dma_start3A_1424] : memref<2x32x64xf32, #tpu.memory_space<vmem>> -> memref<1x1x64xf32, #tpu.memory_space<vmem>>
      %dma_start3A_1426 = tpu.memref_squeeze %dma_start3A_1425 : memref<1x1x64xf32, #tpu.memory_space<vmem>> -> memref<1x64xf32, #tpu.memory_space<vmem>>
      %dma_start3A_1427 = arith.constant 0 : i32
      %dma_start3A_1428 = arith.constant 0 : i32
      %dma_start3A_1429 = tpu.memref_slice %arg2[%shift_right_arithmetic3A_1419, %dma_start3A_1427, %dma_start3A_1428] : memref<125000x8x64xf32, #tpu.memory_space<hbm>> -> memref<1x8x64xf32, #tpu.memory_space<hbm>>
      %dma_start3A_1430 = tpu.memref_squeeze %dma_start3A_1429 : memref<1x8x64xf32, #tpu.memory_space<hbm>> -> memref<8x64xf32, #tpu.memory_space<hbm>>
      %dma_start3A_1431 = arith.constant 0 : i32
      %dma_start3A_1432 = tpu.memref_slice %dma_start3A_1430[%and3A_1421, %dma_start3A_1431] : memref<8x64xf32, #tpu.memory_space<hbm>> -> memref<1x64xf32, #tpu.memory_space<hbm>>
      %dma_start3A_1433 = arith.constant 15 : i32
      %dma_start3A_1434 = arith.constant 0 : i32
      %dma_start3A_1435 = tpu.memref_slice %arg6[%dma_start3A_1422, %dma_start3A_1433, %dma_start3A_1434] : memref<2x32x64xf32, #tpu.memory_space<vmem>> -> memref<1x1x64xf32, #tpu.memory_space<vmem>>
      %dma_start3A_1436 = tpu.memref_squeeze %dma_start3A_1435 : memref<1x1x64xf32, #tpu.memory_space<vmem>> -> memref<1x64xf32, #tpu.memory_space<vmem>>
      %dma_start3A_1437 = arith.constant 0 : i32
      %dma_start3A_1438 = arith.constant 0 : i32
      %dma_start3A_1439 = tpu.memref_slice %arg2[%shift_right_arithmetic3A_1419, %dma_start3A_1437, %dma_start3A_1438] : memref<125000x8x64xf32, #tpu.memory_space<hbm>> -> memref<1x8x64xf32, #tpu.memory_space<hbm>>
      %dma_start3A_1440 = tpu.memref_squeeze %dma_start3A_1439 : memref<1x8x64xf32, #tpu.memory_space<hbm>> -> memref<8x64xf32, #tpu.memory_space<hbm>>
      %dma_start3A_1441 = arith.constant 0 : i32
      %dma_start3A_1442 = tpu.memref_slice %dma_start3A_1440[%and3A_1421, %dma_start3A_1441] : memref<8x64xf32, #tpu.memory_space<hbm>> -> memref<1x64xf32, #tpu.memory_space<hbm>>
      tpu.enqueue_dma source(%dma_start3A_1442 : memref<1x64xf32, #tpu.memory_space<hbm>>) target(%dma_start3A_1436 : memref<1x64xf32, #tpu.memory_space<vmem>>) target_semaphore(%arg8 : memref<!tpu.dma_semaphore, #tpu.memory_space<semaphore_mem>>)
      %get3A_1443 = arith.index_cast %add3A_1001 : i32 to index
      %get3A_1444 = arith.constant 16 : index
      %get3A_1445 = tpu.vector_load %arg5[%get3A_1443, %get3A_1444] {strides = array<i32>} : memref<50x32xi32, #tpu.memory_space<vmem>>, vector<1x16xi32>,
      %get3A_1446 = vector.shape_cast %get3A_1445 : vector<1x16xi32> to vector<16xi32>
      %slice3A_1447 = vector.extract_strided_slice %get3A_1446 {offsets = [0], sizes = [1], strides = [1]} : vector<16xi32> to vector<1xi32>
      %squeeze3A_1448 = vector.extract %slice3A_1447[0] : i32 from vector<1xi32>
      %shift_right_arithmetic3A_1449 = arith.constant 3 : i32
      %shift_right_arithmetic3A_1450 = arith.shrsi %squeeze3A_1448, %shift_right_arithmetic3A_1449 : i32
      %and3A_1451 = arith.constant 7 : i32
      %and3A_1452 = arith.andi %squeeze3A_1448, %and3A_1451 : i32
      %dma_start3A_1453 = arith.constant 1 : i32
      %dma_start3A_1454 = arith.constant 16 : i32
      %dma_start3A_1455 = arith.constant 0 : i32
      %dma_start3A_1456 = tpu.memref_slice %arg6[%dma_start3A_1453, %dma_start3A_1454, %dma_start3A_1455] : memref<2x32x64xf32, #tpu.memory_space<vmem>> -> memref<1x1x64xf32, #tpu.memory_space<vmem>>
      %dma_start3A_1457 = tpu.memref_squeeze %dma_start3A_1456 : memref<1x1x64xf32, #tpu.memory_space<vmem>> -> memref<1x64xf32, #tpu.memory_space<vmem>>
      %dma_start3A_1458 = arith.constant 0 : i32
      %dma_start3A_1459 = arith.constant 0 : i32
      %dma_start3A_1460 = tpu.memref_slice %arg2[%shift_right_arithmetic3A_1450, %dma_start3A_1458, %dma_start3A_1459] : memref<125000x8x64xf32, #tpu.memory_space<hbm>> -> memref<1x8x64xf32, #tpu.memory_space<hbm>>
      %dma_start3A_1461 = tpu.memref_squeeze %dma_start3A_1460 : memref<1x8x64xf32, #tpu.memory_space<hbm>> -> memref<8x64xf32, #tpu.memory_space<hbm>>
      %dma_start3A_1462 = arith.constant 0 : i32
      %dma_start3A_1463 = tpu.memref_slice %dma_start3A_1461[%and3A_1452, %dma_start3A_1462] : memref<8x64xf32, #tpu.memory_space<hbm>> -> memref<1x64xf32, #tpu.memory_space<hbm>>
      %dma_start3A_1464 = arith.constant 16 : i32
      %dma_start3A_1465 = arith.constant 0 : i32
      %dma_start3A_1466 = tpu.memref_slice %arg6[%dma_start3A_1453, %dma_start3A_1464, %dma_start3A_1465] : memref<2x32x64xf32, #tpu.memory_space<vmem>> -> memref<1x1x64xf32, #tpu.memory_space<vmem>>
      %dma_start3A_1467 = tpu.memref_squeeze %dma_start3A_1466 : memref<1x1x64xf32, #tpu.memory_space<vmem>> -> memref<1x64xf32, #tpu.memory_space<vmem>>
      %dma_start3A_1468 = arith.constant 0 : i32
      %dma_start3A_1469 = arith.constant 0 : i32
      %dma_start3A_1470 = tpu.memref_slice %arg2[%shift_right_arithmetic3A_1450, %dma_start3A_1468, %dma_start3A_1469] : memref<125000x8x64xf32, #tpu.memory_space<hbm>> -> memref<1x8x64xf32, #tpu.memory_space<hbm>>
      %dma_start3A_1471 = tpu.memref_squeeze %dma_start3A_1470 : memref<1x8x64xf32, #tpu.memory_space<hbm>> -> memref<8x64xf32, #tpu.memory_space<hbm>>
      %dma_start3A_1472 = arith.constant 0 : i32
      %dma_start3A_1473 = tpu.memref_slice %dma_start3A_1471[%and3A_1452, %dma_start3A_1472] : memref<8x64xf32, #tpu.memory_space<hbm>> -> memref<1x64xf32, #tpu.memory_space<hbm>>
      tpu.enqueue_dma source(%dma_start3A_1473 : memref<1x64xf32, #tpu.memory_space<hbm>>) target(%dma_start3A_1467 : memref<1x64xf32, #tpu.memory_space<vmem>>) target_semaphore(%arg8 : memref<!tpu.dma_semaphore, #tpu.memory_space<semaphore_mem>>)
      %slice3A_1474 = vector.extract_strided_slice %get3A_1446 {offsets = [1], sizes = [1], strides = [1]} : vector<16xi32> to vector<1xi32>
      %squeeze3A_1475 = vector.extract %slice3A_1474[0] : i32 from vector<1xi32>
      %shift_right_arithmetic3A_1476 = arith.constant 3 : i32
      %shift_right_arithmetic3A_1477 = arith.shrsi %squeeze3A_1475, %shift_right_arithmetic3A_1476 : i32
      %and3A_1478 = arith.constant 7 : i32
      %and3A_1479 = arith.andi %squeeze3A_1475, %and3A_1478 : i32
      %dma_start3A_1480 = arith.constant 1 : i32
      %dma_start3A_1481 = arith.constant 17 : i32
      %dma_start3A_1482 = arith.constant 0 : i32
      %dma_start3A_1483 = tpu.memref_slice %arg6[%dma_start3A_1480, %dma_start3A_1481, %dma_start3A_1482] : memref<2x32x64xf32, #tpu.memory_space<vmem>> -> memref<1x1x64xf32, #tpu.memory_space<vmem>>
      %dma_start3A_1484 = tpu.memref_squeeze %dma_start3A_1483 : memref<1x1x64xf32, #tpu.memory_space<vmem>> -> memref<1x64xf32, #tpu.memory_space<vmem>>
      %dma_start3A_1485 = arith.constant 0 : i32
      %dma_start3A_1486 = arith.constant 0 : i32
      %dma_start3A_1487 = tpu.memref_slice %arg2[%shift_right_arithmetic3A_1477, %dma_start3A_1485, %dma_start3A_1486] : memref<125000x8x64xf32, #tpu.memory_space<hbm>> -> memref<1x8x64xf32, #tpu.memory_space<hbm>>
      %dma_start3A_1488 = tpu.memref_squeeze %dma_start3A_1487 : memref<1x8x64xf32, #tpu.memory_space<hbm>> -> memref<8x64xf32, #tpu.memory_space<hbm>>
      %dma_start3A_1489 = arith.constant 0 : i32
      %dma_start3A_1490 = tpu.memref_slice %dma_start3A_1488[%and3A_1479, %dma_start3A_1489] : memref<8x64xf32, #tpu.memory_space<hbm>> -> memref<1x64xf32, #tpu.memory_space<hbm>>
      %dma_start3A_1491 = arith.constant 17 : i32
      %dma_start3A_1492 = arith.constant 0 : i32
      %dma_start3A_1493 = tpu.memref_slice %arg6[%dma_start3A_1480, %dma_start3A_1491, %dma_start3A_1492] : memref<2x32x64xf32, #tpu.memory_space<vmem>> -> memref<1x1x64xf32, #tpu.memory_space<vmem>>
      %dma_start3A_1494 = tpu.memref_squeeze %dma_start3A_1493 : memref<1x1x64xf32, #tpu.memory_space<vmem>> -> memref<1x64xf32, #tpu.memory_space<vmem>>
      %dma_start3A_1495 = arith.constant 0 : i32
      %dma_start3A_1496 = arith.constant 0 : i32
      %dma_start3A_1497 = tpu.memref_slice %arg2[%shift_right_arithmetic3A_1477, %dma_start3A_1495, %dma_start3A_1496] : memref<125000x8x64xf32, #tpu.memory_space<hbm>> -> memref<1x8x64xf32, #tpu.memory_space<hbm>>
      %dma_start3A_1498 = tpu.memref_squeeze %dma_start3A_1497 : memref<1x8x64xf32, #tpu.memory_space<hbm>> -> memref<8x64xf32, #tpu.memory_space<hbm>>
      %dma_start3A_1499 = arith.constant 0 : i32
      %dma_start3A_1500 = tpu.memref_slice %dma_start3A_1498[%and3A_1479, %dma_start3A_1499] : memref<8x64xf32, #tpu.memory_space<hbm>> -> memref<1x64xf32, #tpu.memory_space<hbm>>
      tpu.enqueue_dma source(%dma_start3A_1500 : memref<1x64xf32, #tpu.memory_space<hbm>>) target(%dma_start3A_1494 : memref<1x64xf32, #tpu.memory_space<vmem>>) target_semaphore(%arg8 : memref<!tpu.dma_semaphore, #tpu.memory_space<semaphore_mem>>)
      %slice3A_1501 = vector.extract_strided_slice %get3A_1446 {offsets = [2], sizes = [1], strides = [1]} : vector<16xi32> to vector<1xi32>
      %squeeze3A_1502 = vector.extract %slice3A_1501[0] : i32 from vector<1xi32>
      %shift_right_arithmetic3A_1503 = arith.constant 3 : i32
      %shift_right_arithmetic3A_1504 = arith.shrsi %squeeze3A_1502, %shift_right_arithmetic3A_1503 : i32
      %and3A_1505 = arith.constant 7 : i32
      %and3A_1506 = arith.andi %squeeze3A_1502, %and3A_1505 : i32
      %dma_start3A_1507 = arith.constant 1 : i32
      %dma_start3A_1508 = arith.constant 18 : i32
      %dma_start3A_1509 = arith.constant 0 : i32
      %dma_start3A_1510 = tpu.memref_slice %arg6[%dma_start3A_1507, %dma_start3A_1508, %dma_start3A_1509] : memref<2x32x64xf32, #tpu.memory_space<vmem>> -> memref<1x1x64xf32, #tpu.memory_space<vmem>>
      %dma_start3A_1511 = tpu.memref_squeeze %dma_start3A_1510 : memref<1x1x64xf32, #tpu.memory_space<vmem>> -> memref<1x64xf32, #tpu.memory_space<vmem>>
      %dma_start3A_1512 = arith.constant 0 : i32
      %dma_start3A_1513 = arith.constant 0 : i32
      %dma_start3A_1514 = tpu.memref_slice %arg2[%shift_right_arithmetic3A_1504, %dma_start3A_1512, %dma_start3A_1513] : memref<125000x8x64xf32, #tpu.memory_space<hbm>> -> memref<1x8x64xf32, #tpu.memory_space<hbm>>
      %dma_start3A_1515 = tpu.memref_squeeze %dma_start3A_1514 : memref<1x8x64xf32, #tpu.memory_space<hbm>> -> memref<8x64xf32, #tpu.memory_space<hbm>>
      %dma_start3A_1516 = arith.constant 0 : i32
      %dma_start3A_1517 = tpu.memref_slice %dma_start3A_1515[%and3A_1506, %dma_start3A_1516] : memref<8x64xf32, #tpu.memory_space<hbm>> -> memref<1x64xf32, #tpu.memory_space<hbm>>
      %dma_start3A_1518 = arith.constant 18 : i32
      %dma_start3A_1519 = arith.constant 0 : i32
      %dma_start3A_1520 = tpu.memref_slice %arg6[%dma_start3A_1507, %dma_start3A_1518, %dma_start3A_1519] : memref<2x32x64xf32, #tpu.memory_space<vmem>> -> memref<1x1x64xf32, #tpu.memory_space<vmem>>
      %dma_start3A_1521 = tpu.memref_squeeze %dma_start3A_1520 : memref<1x1x64xf32, #tpu.memory_space<vmem>> -> memref<1x64xf32, #tpu.memory_space<vmem>>
      %dma_start3A_1522 = arith.constant 0 : i32
      %dma_start3A_1523 = arith.constant 0 : i32
      %dma_start3A_1524 = tpu.memref_slice %arg2[%shift_right_arithmetic3A_1504, %dma_start3A_1522, %dma_start3A_1523] : memref<125000x8x64xf32, #tpu.memory_space<hbm>> -> memref<1x8x64xf32, #tpu.memory_space<hbm>>
      %dma_start3A_1525 = tpu.memref_squeeze %dma_start3A_1524 : memref<1x8x64xf32, #tpu.memory_space<hbm>> -> memref<8x64xf32, #tpu.memory_space<hbm>>
      %dma_start3A_1526 = arith.constant 0 : i32
      %dma_start3A_1527 = tpu.memref_slice %dma_start3A_1525[%and3A_1506, %dma_start3A_1526] : memref<8x64xf32, #tpu.memory_space<hbm>> -> memref<1x64xf32, #tpu.memory_space<hbm>>
      tpu.enqueue_dma source(%dma_start3A_1527 : memref<1x64xf32, #tpu.memory_space<hbm>>) target(%dma_start3A_1521 : memref<1x64xf32, #tpu.memory_space<vmem>>) target_semaphore(%arg8 : memref<!tpu.dma_semaphore, #tpu.memory_space<semaphore_mem>>)
      %slice3A_1528 = vector.extract_strided_slice %get3A_1446 {offsets = [3], sizes = [1], strides = [1]} : vector<16xi32> to vector<1xi32>
      %squeeze3A_1529 = vector.extract %slice3A_1528[0] : i32 from vector<1xi32>
      %shift_right_arithmetic3A_1530 = arith.constant 3 : i32
      %shift_right_arithmetic3A_1531 = arith.shrsi %squeeze3A_1529, %shift_right_arithmetic3A_1530 : i32
      %and3A_1532 = arith.constant 7 : i32
      %and3A_1533 = arith.andi %squeeze3A_1529, %and3A_1532 : i32
      %dma_start3A_1534 = arith.constant 1 : i32
      %dma_start3A_1535 = arith.constant 19 : i32
      %dma_start3A_1536 = arith.constant 0 : i32
      %dma_start3A_1537 = tpu.memref_slice %arg6[%dma_start3A_1534, %dma_start3A_1535, %dma_start3A_1536] : memref<2x32x64xf32, #tpu.memory_space<vmem>> -> memref<1x1x64xf32, #tpu.memory_space<vmem>>
      %dma_start3A_1538 = tpu.memref_squeeze %dma_start3A_1537 : memref<1x1x64xf32, #tpu.memory_space<vmem>> -> memref<1x64xf32, #tpu.memory_space<vmem>>
      %dma_start3A_1539 = arith.constant 0 : i32
      %dma_start3A_1540 = arith.constant 0 : i32
      %dma_start3A_1541 = tpu.memref_slice %arg2[%shift_right_arithmetic3A_1531, %dma_start3A_1539, %dma_start3A_1540] : memref<125000x8x64xf32, #tpu.memory_space<hbm>> -> memref<1x8x64xf32, #tpu.memory_space<hbm>>
      %dma_start3A_1542 = tpu.memref_squeeze %dma_start3A_1541 : memref<1x8x64xf32, #tpu.memory_space<hbm>> -> memref<8x64xf32, #tpu.memory_space<hbm>>
      %dma_start3A_1543 = arith.constant 0 : i32
      %dma_start3A_1544 = tpu.memref_slice %dma_start3A_1542[%and3A_1533, %dma_start3A_1543] : memref<8x64xf32, #tpu.memory_space<hbm>> -> memref<1x64xf32, #tpu.memory_space<hbm>>
      %dma_start3A_1545 = arith.constant 19 : i32
      %dma_start3A_1546 = arith.constant 0 : i32
      %dma_start3A_1547 = tpu.memref_slice %arg6[%dma_start3A_1534, %dma_start3A_1545, %dma_start3A_1546] : memref<2x32x64xf32, #tpu.memory_space<vmem>> -> memref<1x1x64xf32, #tpu.memory_space<vmem>>
      %dma_start3A_1548 = tpu.memref_squeeze %dma_start3A_1547 : memref<1x1x64xf32, #tpu.memory_space<vmem>> -> memref<1x64xf32, #tpu.memory_space<vmem>>
      %dma_start3A_1549 = arith.constant 0 : i32
      %dma_start3A_1550 = arith.constant 0 : i32
      %dma_start3A_1551 = tpu.memref_slice %arg2[%shift_right_arithmetic3A_1531, %dma_start3A_1549, %dma_start3A_1550] : memref<125000x8x64xf32, #tpu.memory_space<hbm>> -> memref<1x8x64xf32, #tpu.memory_space<hbm>>
      %dma_start3A_1552 = tpu.memref_squeeze %dma_start3A_1551 : memref<1x8x64xf32, #tpu.memory_space<hbm>> -> memref<8x64xf32, #tpu.memory_space<hbm>>
      %dma_start3A_1553 = arith.constant 0 : i32
      %dma_start3A_1554 = tpu.memref_slice %dma_start3A_1552[%and3A_1533, %dma_start3A_1553] : memref<8x64xf32, #tpu.memory_space<hbm>> -> memref<1x64xf32, #tpu.memory_space<hbm>>
      tpu.enqueue_dma source(%dma_start3A_1554 : memref<1x64xf32, #tpu.memory_space<hbm>>) target(%dma_start3A_1548 : memref<1x64xf32, #tpu.memory_space<vmem>>) target_semaphore(%arg8 : memref<!tpu.dma_semaphore, #tpu.memory_space<semaphore_mem>>)
      %slice3A_1555 = vector.extract_strided_slice %get3A_1446 {offsets = [4], sizes = [1], strides = [1]} : vector<16xi32> to vector<1xi32>
      %squeeze3A_1556 = vector.extract %slice3A_1555[0] : i32 from vector<1xi32>
      %shift_right_arithmetic3A_1557 = arith.constant 3 : i32
      %shift_right_arithmetic3A_1558 = arith.shrsi %squeeze3A_1556, %shift_right_arithmetic3A_1557 : i32
      %and3A_1559 = arith.constant 7 : i32
      %and3A_1560 = arith.andi %squeeze3A_1556, %and3A_1559 : i32
      %dma_start3A_1561 = arith.constant 1 : i32
      %dma_start3A_1562 = arith.constant 20 : i32
      %dma_start3A_1563 = arith.constant 0 : i32
      %dma_start3A_1564 = tpu.memref_slice %arg6[%dma_start3A_1561, %dma_start3A_1562, %dma_start3A_1563] : memref<2x32x64xf32, #tpu.memory_space<vmem>> -> memref<1x1x64xf32, #tpu.memory_space<vmem>>
      %dma_start3A_1565 = tpu.memref_squeeze %dma_start3A_1564 : memref<1x1x64xf32, #tpu.memory_space<vmem>> -> memref<1x64xf32, #tpu.memory_space<vmem>>
      %dma_start3A_1566 = arith.constant 0 : i32
      %dma_start3A_1567 = arith.constant 0 : i32
      %dma_start3A_1568 = tpu.memref_slice %arg2[%shift_right_arithmetic3A_1558, %dma_start3A_1566, %dma_start3A_1567] : memref<125000x8x64xf32, #tpu.memory_space<hbm>> -> memref<1x8x64xf32, #tpu.memory_space<hbm>>
      %dma_start3A_1569 = tpu.memref_squeeze %dma_start3A_1568 : memref<1x8x64xf32, #tpu.memory_space<hbm>> -> memref<8x64xf32, #tpu.memory_space<hbm>>
      %dma_start3A_1570 = arith.constant 0 : i32
      %dma_start3A_1571 = tpu.memref_slice %dma_start3A_1569[%and3A_1560, %dma_start3A_1570] : memref<8x64xf32, #tpu.memory_space<hbm>> -> memref<1x64xf32, #tpu.memory_space<hbm>>
      %dma_start3A_1572 = arith.constant 20 : i32
      %dma_start3A_1573 = arith.constant 0 : i32
      %dma_start3A_1574 = tpu.memref_slice %arg6[%dma_start3A_1561, %dma_start3A_1572, %dma_start3A_1573] : memref<2x32x64xf32, #tpu.memory_space<vmem>> -> memref<1x1x64xf32, #tpu.memory_space<vmem>>
      %dma_start3A_1575 = tpu.memref_squeeze %dma_start3A_1574 : memref<1x1x64xf32, #tpu.memory_space<vmem>> -> memref<1x64xf32, #tpu.memory_space<vmem>>
      %dma_start3A_1576 = arith.constant 0 : i32
      %dma_start3A_1577 = arith.constant 0 : i32
      %dma_start3A_1578 = tpu.memref_slice %arg2[%shift_right_arithmetic3A_1558, %dma_start3A_1576, %dma_start3A_1577] : memref<125000x8x64xf32, #tpu.memory_space<hbm>> -> memref<1x8x64xf32, #tpu.memory_space<hbm>>
      %dma_start3A_1579 = tpu.memref_squeeze %dma_start3A_1578 : memref<1x8x64xf32, #tpu.memory_space<hbm>> -> memref<8x64xf32, #tpu.memory_space<hbm>>
      %dma_start3A_1580 = arith.constant 0 : i32
      %dma_start3A_1581 = tpu.memref_slice %dma_start3A_1579[%and3A_1560, %dma_start3A_1580] : memref<8x64xf32, #tpu.memory_space<hbm>> -> memref<1x64xf32, #tpu.memory_space<hbm>>
      tpu.enqueue_dma source(%dma_start3A_1581 : memref<1x64xf32, #tpu.memory_space<hbm>>) target(%dma_start3A_1575 : memref<1x64xf32, #tpu.memory_space<vmem>>) target_semaphore(%arg8 : memref<!tpu.dma_semaphore, #tpu.memory_space<semaphore_mem>>)
      %slice3A_1582 = vector.extract_strided_slice %get3A_1446 {offsets = [5], sizes = [1], strides = [1]} : vector<16xi32> to vector<1xi32>
      %squeeze3A_1583 = vector.extract %slice3A_1582[0] : i32 from vector<1xi32>
      %shift_right_arithmetic3A_1584 = arith.constant 3 : i32
      %shift_right_arithmetic3A_1585 = arith.shrsi %squeeze3A_1583, %shift_right_arithmetic3A_1584 : i32
      %and3A_1586 = arith.constant 7 : i32
      %and3A_1587 = arith.andi %squeeze3A_1583, %and3A_1586 : i32
      %dma_start3A_1588 = arith.constant 1 : i32
      %dma_start3A_1589 = arith.constant 21 : i32
      %dma_start3A_1590 = arith.constant 0 : i32
      %dma_start3A_1591 = tpu.memref_slice %arg6[%dma_start3A_1588, %dma_start3A_1589, %dma_start3A_1590] : memref<2x32x64xf32, #tpu.memory_space<vmem>> -> memref<1x1x64xf32, #tpu.memory_space<vmem>>
      %dma_start3A_1592 = tpu.memref_squeeze %dma_start3A_1591 : memref<1x1x64xf32, #tpu.memory_space<vmem>> -> memref<1x64xf32, #tpu.memory_space<vmem>>
      %dma_start3A_1593 = arith.constant 0 : i32
      %dma_start3A_1594 = arith.constant 0 : i32
      %dma_start3A_1595 = tpu.memref_slice %arg2[%shift_right_arithmetic3A_1585, %dma_start3A_1593, %dma_start3A_1594] : memref<125000x8x64xf32, #tpu.memory_space<hbm>> -> memref<1x8x64xf32, #tpu.memory_space<hbm>>
      %dma_start3A_1596 = tpu.memref_squeeze %dma_start3A_1595 : memref<1x8x64xf32, #tpu.memory_space<hbm>> -> memref<8x64xf32, #tpu.memory_space<hbm>>
      %dma_start3A_1597 = arith.constant 0 : i32
      %dma_start3A_1598 = tpu.memref_slice %dma_start3A_1596[%and3A_1587, %dma_start3A_1597] : memref<8x64xf32, #tpu.memory_space<hbm>> -> memref<1x64xf32, #tpu.memory_space<hbm>>
      %dma_start3A_1599 = arith.constant 21 : i32
      %dma_start3A_1600 = arith.constant 0 : i32
      %dma_start3A_1601 = tpu.memref_slice %arg6[%dma_start3A_1588, %dma_start3A_1599, %dma_start3A_1600] : memref<2x32x64xf32, #tpu.memory_space<vmem>> -> memref<1x1x64xf32, #tpu.memory_space<vmem>>
      %dma_start3A_1602 = tpu.memref_squeeze %dma_start3A_1601 : memref<1x1x64xf32, #tpu.memory_space<vmem>> -> memref<1x64xf32, #tpu.memory_space<vmem>>
      %dma_start3A_1603 = arith.constant 0 : i32
      %dma_start3A_1604 = arith.constant 0 : i32
      %dma_start3A_1605 = tpu.memref_slice %arg2[%shift_right_arithmetic3A_1585, %dma_start3A_1603, %dma_start3A_1604] : memref<125000x8x64xf32, #tpu.memory_space<hbm>> -> memref<1x8x64xf32, #tpu.memory_space<hbm>>
      %dma_start3A_1606 = tpu.memref_squeeze %dma_start3A_1605 : memref<1x8x64xf32, #tpu.memory_space<hbm>> -> memref<8x64xf32, #tpu.memory_space<hbm>>
      %dma_start3A_1607 = arith.constant 0 : i32
      %dma_start3A_1608 = tpu.memref_slice %dma_start3A_1606[%and3A_1587, %dma_start3A_1607] : memref<8x64xf32, #tpu.memory_space<hbm>> -> memref<1x64xf32, #tpu.memory_space<hbm>>
      tpu.enqueue_dma source(%dma_start3A_1608 : memref<1x64xf32, #tpu.memory_space<hbm>>) target(%dma_start3A_1602 : memref<1x64xf32, #tpu.memory_space<vmem>>) target_semaphore(%arg8 : memref<!tpu.dma_semaphore, #tpu.memory_space<semaphore_mem>>)
      %slice3A_1609 = vector.extract_strided_slice %get3A_1446 {offsets = [6], sizes = [1], strides = [1]} : vector<16xi32> to vector<1xi32>
      %squeeze3A_1610 = vector.extract %slice3A_1609[0] : i32 from vector<1xi32>
      %shift_right_arithmetic3A_1611 = arith.constant 3 : i32
      %shift_right_arithmetic3A_1612 = arith.shrsi %squeeze3A_1610, %shift_right_arithmetic3A_1611 : i32
      %and3A_1613 = arith.constant 7 : i32
      %and3A_1614 = arith.andi %squeeze3A_1610, %and3A_1613 : i32
      %dma_start3A_1615 = arith.constant 1 : i32
      %dma_start3A_1616 = arith.constant 22 : i32
      %dma_start3A_1617 = arith.constant 0 : i32
      %dma_start3A_1618 = tpu.memref_slice %arg6[%dma_start3A_1615, %dma_start3A_1616, %dma_start3A_1617] : memref<2x32x64xf32, #tpu.memory_space<vmem>> -> memref<1x1x64xf32, #tpu.memory_space<vmem>>
      %dma_start3A_1619 = tpu.memref_squeeze %dma_start3A_1618 : memref<1x1x64xf32, #tpu.memory_space<vmem>> -> memref<1x64xf32, #tpu.memory_space<vmem>>
      %dma_start3A_1620 = arith.constant 0 : i32
      %dma_start3A_1621 = arith.constant 0 : i32
      %dma_start3A_1622 = tpu.memref_slice %arg2[%shift_right_arithmetic3A_1612, %dma_start3A_1620, %dma_start3A_1621] : memref<125000x8x64xf32, #tpu.memory_space<hbm>> -> memref<1x8x64xf32, #tpu.memory_space<hbm>>
      %dma_start3A_1623 = tpu.memref_squeeze %dma_start3A_1622 : memref<1x8x64xf32, #tpu.memory_space<hbm>> -> memref<8x64xf32, #tpu.memory_space<hbm>>
      %dma_start3A_1624 = arith.constant 0 : i32
      %dma_start3A_1625 = tpu.memref_slice %dma_start3A_1623[%and3A_1614, %dma_start3A_1624] : memref<8x64xf32, #tpu.memory_space<hbm>> -> memref<1x64xf32, #tpu.memory_space<hbm>>
      %dma_start3A_1626 = arith.constant 22 : i32
      %dma_start3A_1627 = arith.constant 0 : i32
      %dma_start3A_1628 = tpu.memref_slice %arg6[%dma_start3A_1615, %dma_start3A_1626, %dma_start3A_1627] : memref<2x32x64xf32, #tpu.memory_space<vmem>> -> memref<1x1x64xf32, #tpu.memory_space<vmem>>
      %dma_start3A_1629 = tpu.memref_squeeze %dma_start3A_1628 : memref<1x1x64xf32, #tpu.memory_space<vmem>> -> memref<1x64xf32, #tpu.memory_space<vmem>>
      %dma_start3A_1630 = arith.constant 0 : i32
      %dma_start3A_1631 = arith.constant 0 : i32
      %dma_start3A_1632 = tpu.memref_slice %arg2[%shift_right_arithmetic3A_1612, %dma_start3A_1630, %dma_start3A_1631] : memref<125000x8x64xf32, #tpu.memory_space<hbm>> -> memref<1x8x64xf32, #tpu.memory_space<hbm>>
      %dma_start3A_1633 = tpu.memref_squeeze %dma_start3A_1632 : memref<1x8x64xf32, #tpu.memory_space<hbm>> -> memref<8x64xf32, #tpu.memory_space<hbm>>
      %dma_start3A_1634 = arith.constant 0 : i32
      %dma_start3A_1635 = tpu.memref_slice %dma_start3A_1633[%and3A_1614, %dma_start3A_1634] : memref<8x64xf32, #tpu.memory_space<hbm>> -> memref<1x64xf32, #tpu.memory_space<hbm>>
      tpu.enqueue_dma source(%dma_start3A_1635 : memref<1x64xf32, #tpu.memory_space<hbm>>) target(%dma_start3A_1629 : memref<1x64xf32, #tpu.memory_space<vmem>>) target_semaphore(%arg8 : memref<!tpu.dma_semaphore, #tpu.memory_space<semaphore_mem>>)
      %slice3A_1636 = vector.extract_strided_slice %get3A_1446 {offsets = [7], sizes = [1], strides = [1]} : vector<16xi32> to vector<1xi32>
      %squeeze3A_1637 = vector.extract %slice3A_1636[0] : i32 from vector<1xi32>
      %shift_right_arithmetic3A_1638 = arith.constant 3 : i32
      %shift_right_arithmetic3A_1639 = arith.shrsi %squeeze3A_1637, %shift_right_arithmetic3A_1638 : i32
      %and3A_1640 = arith.constant 7 : i32
      %and3A_1641 = arith.andi %squeeze3A_1637, %and3A_1640 : i32
      %dma_start3A_1642 = arith.constant 1 : i32
      %dma_start3A_1643 = arith.constant 23 : i32
      %dma_start3A_1644 = arith.constant 0 : i32
      %dma_start3A_1645 = tpu.memref_slice %arg6[%dma_start3A_1642, %dma_start3A_1643, %dma_start3A_1644] : memref<2x32x64xf32, #tpu.memory_space<vmem>> -> memref<1x1x64xf32, #tpu.memory_space<vmem>>
      %dma_start3A_1646 = tpu.memref_squeeze %dma_start3A_1645 : memref<1x1x64xf32, #tpu.memory_space<vmem>> -> memref<1x64xf32, #tpu.memory_space<vmem>>
      %dma_start3A_1647 = arith.constant 0 : i32
      %dma_start3A_1648 = arith.constant 0 : i32
      %dma_start3A_1649 = tpu.memref_slice %arg2[%shift_right_arithmetic3A_1639, %dma_start3A_1647, %dma_start3A_1648] : memref<125000x8x64xf32, #tpu.memory_space<hbm>> -> memref<1x8x64xf32, #tpu.memory_space<hbm>>
      %dma_start3A_1650 = tpu.memref_squeeze %dma_start3A_1649 : memref<1x8x64xf32, #tpu.memory_space<hbm>> -> memref<8x64xf32, #tpu.memory_space<hbm>>
      %dma_start3A_1651 = arith.constant 0 : i32
      %dma_start3A_1652 = tpu.memref_slice %dma_start3A_1650[%and3A_1641, %dma_start3A_1651] : memref<8x64xf32, #tpu.memory_space<hbm>> -> memref<1x64xf32, #tpu.memory_space<hbm>>
      %dma_start3A_1653 = arith.constant 23 : i32
      %dma_start3A_1654 = arith.constant 0 : i32
      %dma_start3A_1655 = tpu.memref_slice %arg6[%dma_start3A_1642, %dma_start3A_1653, %dma_start3A_1654] : memref<2x32x64xf32, #tpu.memory_space<vmem>> -> memref<1x1x64xf32, #tpu.memory_space<vmem>>
      %dma_start3A_1656 = tpu.memref_squeeze %dma_start3A_1655 : memref<1x1x64xf32, #tpu.memory_space<vmem>> -> memref<1x64xf32, #tpu.memory_space<vmem>>
      %dma_start3A_1657 = arith.constant 0 : i32
      %dma_start3A_1658 = arith.constant 0 : i32
      %dma_start3A_1659 = tpu.memref_slice %arg2[%shift_right_arithmetic3A_1639, %dma_start3A_1657, %dma_start3A_1658] : memref<125000x8x64xf32, #tpu.memory_space<hbm>> -> memref<1x8x64xf32, #tpu.memory_space<hbm>>
      %dma_start3A_1660 = tpu.memref_squeeze %dma_start3A_1659 : memref<1x8x64xf32, #tpu.memory_space<hbm>> -> memref<8x64xf32, #tpu.memory_space<hbm>>
      %dma_start3A_1661 = arith.constant 0 : i32
      %dma_start3A_1662 = tpu.memref_slice %dma_start3A_1660[%and3A_1641, %dma_start3A_1661] : memref<8x64xf32, #tpu.memory_space<hbm>> -> memref<1x64xf32, #tpu.memory_space<hbm>>
      tpu.enqueue_dma source(%dma_start3A_1662 : memref<1x64xf32, #tpu.memory_space<hbm>>) target(%dma_start3A_1656 : memref<1x64xf32, #tpu.memory_space<vmem>>) target_semaphore(%arg8 : memref<!tpu.dma_semaphore, #tpu.memory_space<semaphore_mem>>)
      %slice3A_1663 = vector.extract_strided_slice %get3A_1446 {offsets = [8], sizes = [1], strides = [1]} : vector<16xi32> to vector<1xi32>
      %squeeze3A_1664 = vector.extract %slice3A_1663[0] : i32 from vector<1xi32>
      %shift_right_arithmetic3A_1665 = arith.constant 3 : i32
      %shift_right_arithmetic3A_1666 = arith.shrsi %squeeze3A_1664, %shift_right_arithmetic3A_1665 : i32
      %and3A_1667 = arith.constant 7 : i32
      %and3A_1668 = arith.andi %squeeze3A_1664, %and3A_1667 : i32
      %dma_start3A_1669 = arith.constant 1 : i32
      %dma_start3A_1670 = arith.constant 24 : i32
      %dma_start3A_1671 = arith.constant 0 : i32
      %dma_start3A_1672 = tpu.memref_slice %arg6[%dma_start3A_1669, %dma_start3A_1670, %dma_start3A_1671] : memref<2x32x64xf32, #tpu.memory_space<vmem>> -> memref<1x1x64xf32, #tpu.memory_space<vmem>>
      %dma_start3A_1673 = tpu.memref_squeeze %dma_start3A_1672 : memref<1x1x64xf32, #tpu.memory_space<vmem>> -> memref<1x64xf32, #tpu.memory_space<vmem>>
      %dma_start3A_1674 = arith.constant 0 : i32
      %dma_start3A_1675 = arith.constant 0 : i32
      %dma_start3A_1676 = tpu.memref_slice %arg2[%shift_right_arithmetic3A_1666, %dma_start3A_1674, %dma_start3A_1675] : memref<125000x8x64xf32, #tpu.memory_space<hbm>> -> memref<1x8x64xf32, #tpu.memory_space<hbm>>
      %dma_start3A_1677 = tpu.memref_squeeze %dma_start3A_1676 : memref<1x8x64xf32, #tpu.memory_space<hbm>> -> memref<8x64xf32, #tpu.memory_space<hbm>>
      %dma_start3A_1678 = arith.constant 0 : i32
      %dma_start3A_1679 = tpu.memref_slice %dma_start3A_1677[%and3A_1668, %dma_start3A_1678] : memref<8x64xf32, #tpu.memory_space<hbm>> -> memref<1x64xf32, #tpu.memory_space<hbm>>
      %dma_start3A_1680 = arith.constant 24 : i32
      %dma_start3A_1681 = arith.constant 0 : i32
      %dma_start3A_1682 = tpu.memref_slice %arg6[%dma_start3A_1669, %dma_start3A_1680, %dma_start3A_1681] : memref<2x32x64xf32, #tpu.memory_space<vmem>> -> memref<1x1x64xf32, #tpu.memory_space<vmem>>
      %dma_start3A_1683 = tpu.memref_squeeze %dma_start3A_1682 : memref<1x1x64xf32, #tpu.memory_space<vmem>> -> memref<1x64xf32, #tpu.memory_space<vmem>>
      %dma_start3A_1684 = arith.constant 0 : i32
      %dma_start3A_1685 = arith.constant 0 : i32
      %dma_start3A_1686 = tpu.memref_slice %arg2[%shift_right_arithmetic3A_1666, %dma_start3A_1684, %dma_start3A_1685] : memref<125000x8x64xf32, #tpu.memory_space<hbm>> -> memref<1x8x64xf32, #tpu.memory_space<hbm>>
      %dma_start3A_1687 = tpu.memref_squeeze %dma_start3A_1686 : memref<1x8x64xf32, #tpu.memory_space<hbm>> -> memref<8x64xf32, #tpu.memory_space<hbm>>
      %dma_start3A_1688 = arith.constant 0 : i32
      %dma_start3A_1689 = tpu.memref_slice %dma_start3A_1687[%and3A_1668, %dma_start3A_1688] : memref<8x64xf32, #tpu.memory_space<hbm>> -> memref<1x64xf32, #tpu.memory_space<hbm>>
      tpu.enqueue_dma source(%dma_start3A_1689 : memref<1x64xf32, #tpu.memory_space<hbm>>) target(%dma_start3A_1683 : memref<1x64xf32, #tpu.memory_space<vmem>>) target_semaphore(%arg8 : memref<!tpu.dma_semaphore, #tpu.memory_space<semaphore_mem>>)
      %slice3A_1690 = vector.extract_strided_slice %get3A_1446 {offsets = [9], sizes = [1], strides = [1]} : vector<16xi32> to vector<1xi32>
      %squeeze3A_1691 = vector.extract %slice3A_1690[0] : i32 from vector<1xi32>
      %shift_right_arithmetic3A_1692 = arith.constant 3 : i32
      %shift_right_arithmetic3A_1693 = arith.shrsi %squeeze3A_1691, %shift_right_arithmetic3A_1692 : i32
      %and3A_1694 = arith.constant 7 : i32
      %and3A_1695 = arith.andi %squeeze3A_1691, %and3A_1694 : i32
      %dma_start3A_1696 = arith.constant 1 : i32
      %dma_start3A_1697 = arith.constant 25 : i32
      %dma_start3A_1698 = arith.constant 0 : i32
      %dma_start3A_1699 = tpu.memref_slice %arg6[%dma_start3A_1696, %dma_start3A_1697, %dma_start3A_1698] : memref<2x32x64xf32, #tpu.memory_space<vmem>> -> memref<1x1x64xf32, #tpu.memory_space<vmem>>
      %dma_start3A_1700 = tpu.memref_squeeze %dma_start3A_1699 : memref<1x1x64xf32, #tpu.memory_space<vmem>> -> memref<1x64xf32, #tpu.memory_space<vmem>>
      %dma_start3A_1701 = arith.constant 0 : i32
      %dma_start3A_1702 = arith.constant 0 : i32
      %dma_start3A_1703 = tpu.memref_slice %arg2[%shift_right_arithmetic3A_1693, %dma_start3A_1701, %dma_start3A_1702] : memref<125000x8x64xf32, #tpu.memory_space<hbm>> -> memref<1x8x64xf32, #tpu.memory_space<hbm>>
      %dma_start3A_1704 = tpu.memref_squeeze %dma_start3A_1703 : memref<1x8x64xf32, #tpu.memory_space<hbm>> -> memref<8x64xf32, #tpu.memory_space<hbm>>
      %dma_start3A_1705 = arith.constant 0 : i32
      %dma_start3A_1706 = tpu.memref_slice %dma_start3A_1704[%and3A_1695, %dma_start3A_1705] : memref<8x64xf32, #tpu.memory_space<hbm>> -> memref<1x64xf32, #tpu.memory_space<hbm>>
      %dma_start3A_1707 = arith.constant 25 : i32
      %dma_start3A_1708 = arith.constant 0 : i32
      %dma_start3A_1709 = tpu.memref_slice %arg6[%dma_start3A_1696, %dma_start3A_1707, %dma_start3A_1708] : memref<2x32x64xf32, #tpu.memory_space<vmem>> -> memref<1x1x64xf32, #tpu.memory_space<vmem>>
      %dma_start3A_1710 = tpu.memref_squeeze %dma_start3A_1709 : memref<1x1x64xf32, #tpu.memory_space<vmem>> -> memref<1x64xf32, #tpu.memory_space<vmem>>
      %dma_start3A_1711 = arith.constant 0 : i32
      %dma_start3A_1712 = arith.constant 0 : i32
      %dma_start3A_1713 = tpu.memref_slice %arg2[%shift_right_arithmetic3A_1693, %dma_start3A_1711, %dma_start3A_1712] : memref<125000x8x64xf32, #tpu.memory_space<hbm>> -> memref<1x8x64xf32, #tpu.memory_space<hbm>>
      %dma_start3A_1714 = tpu.memref_squeeze %dma_start3A_1713 : memref<1x8x64xf32, #tpu.memory_space<hbm>> -> memref<8x64xf32, #tpu.memory_space<hbm>>
      %dma_start3A_1715 = arith.constant 0 : i32
      %dma_start3A_1716 = tpu.memref_slice %dma_start3A_1714[%and3A_1695, %dma_start3A_1715] : memref<8x64xf32, #tpu.memory_space<hbm>> -> memref<1x64xf32, #tpu.memory_space<hbm>>
      tpu.enqueue_dma source(%dma_start3A_1716 : memref<1x64xf32, #tpu.memory_space<hbm>>) target(%dma_start3A_1710 : memref<1x64xf32, #tpu.memory_space<vmem>>) target_semaphore(%arg8 : memref<!tpu.dma_semaphore, #tpu.memory_space<semaphore_mem>>)
      %slice3A_1717 = vector.extract_strided_slice %get3A_1446 {offsets = [10], sizes = [1], strides = [1]} : vector<16xi32> to vector<1xi32>
      %squeeze3A_1718 = vector.extract %slice3A_1717[0] : i32 from vector<1xi32>
      %shift_right_arithmetic3A_1719 = arith.constant 3 : i32
      %shift_right_arithmetic3A_1720 = arith.shrsi %squeeze3A_1718, %shift_right_arithmetic3A_1719 : i32
      %and3A_1721 = arith.constant 7 : i32
      %and3A_1722 = arith.andi %squeeze3A_1718, %and3A_1721 : i32
      %dma_start3A_1723 = arith.constant 1 : i32
      %dma_start3A_1724 = arith.constant 26 : i32
      %dma_start3A_1725 = arith.constant 0 : i32
      %dma_start3A_1726 = tpu.memref_slice %arg6[%dma_start3A_1723, %dma_start3A_1724, %dma_start3A_1725] : memref<2x32x64xf32, #tpu.memory_space<vmem>> -> memref<1x1x64xf32, #tpu.memory_space<vmem>>
      %dma_start3A_1727 = tpu.memref_squeeze %dma_start3A_1726 : memref<1x1x64xf32, #tpu.memory_space<vmem>> -> memref<1x64xf32, #tpu.memory_space<vmem>>
      %dma_start3A_1728 = arith.constant 0 : i32
      %dma_start3A_1729 = arith.constant 0 : i32
      %dma_start3A_1730 = tpu.memref_slice %arg2[%shift_right_arithmetic3A_1720, %dma_start3A_1728, %dma_start3A_1729] : memref<125000x8x64xf32, #tpu.memory_space<hbm>> -> memref<1x8x64xf32, #tpu.memory_space<hbm>>
      %dma_start3A_1731 = tpu.memref_squeeze %dma_start3A_1730 : memref<1x8x64xf32, #tpu.memory_space<hbm>> -> memref<8x64xf32, #tpu.memory_space<hbm>>
      %dma_start3A_1732 = arith.constant 0 : i32
      %dma_start3A_1733 = tpu.memref_slice %dma_start3A_1731[%and3A_1722, %dma_start3A_1732] : memref<8x64xf32, #tpu.memory_space<hbm>> -> memref<1x64xf32, #tpu.memory_space<hbm>>
      %dma_start3A_1734 = arith.constant 26 : i32
      %dma_start3A_1735 = arith.constant 0 : i32
      %dma_start3A_1736 = tpu.memref_slice %arg6[%dma_start3A_1723, %dma_start3A_1734, %dma_start3A_1735] : memref<2x32x64xf32, #tpu.memory_space<vmem>> -> memref<1x1x64xf32, #tpu.memory_space<vmem>>
      %dma_start3A_1737 = tpu.memref_squeeze %dma_start3A_1736 : memref<1x1x64xf32, #tpu.memory_space<vmem>> -> memref<1x64xf32, #tpu.memory_space<vmem>>
      %dma_start3A_1738 = arith.constant 0 : i32
      %dma_start3A_1739 = arith.constant 0 : i32
      %dma_start3A_1740 = tpu.memref_slice %arg2[%shift_right_arithmetic3A_1720, %dma_start3A_1738, %dma_start3A_1739] : memref<125000x8x64xf32, #tpu.memory_space<hbm>> -> memref<1x8x64xf32, #tpu.memory_space<hbm>>
      %dma_start3A_1741 = tpu.memref_squeeze %dma_start3A_1740 : memref<1x8x64xf32, #tpu.memory_space<hbm>> -> memref<8x64xf32, #tpu.memory_space<hbm>>
      %dma_start3A_1742 = arith.constant 0 : i32
      %dma_start3A_1743 = tpu.memref_slice %dma_start3A_1741[%and3A_1722, %dma_start3A_1742] : memref<8x64xf32, #tpu.memory_space<hbm>> -> memref<1x64xf32, #tpu.memory_space<hbm>>
      tpu.enqueue_dma source(%dma_start3A_1743 : memref<1x64xf32, #tpu.memory_space<hbm>>) target(%dma_start3A_1737 : memref<1x64xf32, #tpu.memory_space<vmem>>) target_semaphore(%arg8 : memref<!tpu.dma_semaphore, #tpu.memory_space<semaphore_mem>>)
      %slice3A_1744 = vector.extract_strided_slice %get3A_1446 {offsets = [11], sizes = [1], strides = [1]} : vector<16xi32> to vector<1xi32>
      %squeeze3A_1745 = vector.extract %slice3A_1744[0] : i32 from vector<1xi32>
      %shift_right_arithmetic3A_1746 = arith.constant 3 : i32
      %shift_right_arithmetic3A_1747 = arith.shrsi %squeeze3A_1745, %shift_right_arithmetic3A_1746 : i32
      %and3A_1748 = arith.constant 7 : i32
      %and3A_1749 = arith.andi %squeeze3A_1745, %and3A_1748 : i32
      %dma_start3A_1750 = arith.constant 1 : i32
      %dma_start3A_1751 = arith.constant 27 : i32
      %dma_start3A_1752 = arith.constant 0 : i32
      %dma_start3A_1753 = tpu.memref_slice %arg6[%dma_start3A_1750, %dma_start3A_1751, %dma_start3A_1752] : memref<2x32x64xf32, #tpu.memory_space<vmem>> -> memref<1x1x64xf32, #tpu.memory_space<vmem>>
      %dma_start3A_1754 = tpu.memref_squeeze %dma_start3A_1753 : memref<1x1x64xf32, #tpu.memory_space<vmem>> -> memref<1x64xf32, #tpu.memory_space<vmem>>
      %dma_start3A_1755 = arith.constant 0 : i32
      %dma_start3A_1756 = arith.constant 0 : i32
      %dma_start3A_1757 = tpu.memref_slice %arg2[%shift_right_arithmetic3A_1747, %dma_start3A_1755, %dma_start3A_1756] : memref<125000x8x64xf32, #tpu.memory_space<hbm>> -> memref<1x8x64xf32, #tpu.memory_space<hbm>>
      %dma_start3A_1758 = tpu.memref_squeeze %dma_start3A_1757 : memref<1x8x64xf32, #tpu.memory_space<hbm>> -> memref<8x64xf32, #tpu.memory_space<hbm>>
      %dma_start3A_1759 = arith.constant 0 : i32
      %dma_start3A_1760 = tpu.memref_slice %dma_start3A_1758[%and3A_1749, %dma_start3A_1759] : memref<8x64xf32, #tpu.memory_space<hbm>> -> memref<1x64xf32, #tpu.memory_space<hbm>>
      %dma_start3A_1761 = arith.constant 27 : i32
      %dma_start3A_1762 = arith.constant 0 : i32
      %dma_start3A_1763 = tpu.memref_slice %arg6[%dma_start3A_1750, %dma_start3A_1761, %dma_start3A_1762] : memref<2x32x64xf32, #tpu.memory_space<vmem>> -> memref<1x1x64xf32, #tpu.memory_space<vmem>>
      %dma_start3A_1764 = tpu.memref_squeeze %dma_start3A_1763 : memref<1x1x64xf32, #tpu.memory_space<vmem>> -> memref<1x64xf32, #tpu.memory_space<vmem>>
      %dma_start3A_1765 = arith.constant 0 : i32
      %dma_start3A_1766 = arith.constant 0 : i32
      %dma_start3A_1767 = tpu.memref_slice %arg2[%shift_right_arithmetic3A_1747, %dma_start3A_1765, %dma_start3A_1766] : memref<125000x8x64xf32, #tpu.memory_space<hbm>> -> memref<1x8x64xf32, #tpu.memory_space<hbm>>
      %dma_start3A_1768 = tpu.memref_squeeze %dma_start3A_1767 : memref<1x8x64xf32, #tpu.memory_space<hbm>> -> memref<8x64xf32, #tpu.memory_space<hbm>>
      %dma_start3A_1769 = arith.constant 0 : i32
      %dma_start3A_1770 = tpu.memref_slice %dma_start3A_1768[%and3A_1749, %dma_start3A_1769] : memref<8x64xf32, #tpu.memory_space<hbm>> -> memref<1x64xf32, #tpu.memory_space<hbm>>
      tpu.enqueue_dma source(%dma_start3A_1770 : memref<1x64xf32, #tpu.memory_space<hbm>>) target(%dma_start3A_1764 : memref<1x64xf32, #tpu.memory_space<vmem>>) target_semaphore(%arg8 : memref<!tpu.dma_semaphore, #tpu.memory_space<semaphore_mem>>)
      %slice3A_1771 = vector.extract_strided_slice %get3A_1446 {offsets = [12], sizes = [1], strides = [1]} : vector<16xi32> to vector<1xi32>
      %squeeze3A_1772 = vector.extract %slice3A_1771[0] : i32 from vector<1xi32>
      %shift_right_arithmetic3A_1773 = arith.constant 3 : i32
      %shift_right_arithmetic3A_1774 = arith.shrsi %squeeze3A_1772, %shift_right_arithmetic3A_1773 : i32
      %and3A_1775 = arith.constant 7 : i32
      %and3A_1776 = arith.andi %squeeze3A_1772, %and3A_1775 : i32
      %dma_start3A_1777 = arith.constant 1 : i32
      %dma_start3A_1778 = arith.constant 28 : i32
      %dma_start3A_1779 = arith.constant 0 : i32
      %dma_start3A_1780 = tpu.memref_slice %arg6[%dma_start3A_1777, %dma_start3A_1778, %dma_start3A_1779] : memref<2x32x64xf32, #tpu.memory_space<vmem>> -> memref<1x1x64xf32, #tpu.memory_space<vmem>>
      %dma_start3A_1781 = tpu.memref_squeeze %dma_start3A_1780 : memref<1x1x64xf32, #tpu.memory_space<vmem>> -> memref<1x64xf32, #tpu.memory_space<vmem>>
      %dma_start3A_1782 = arith.constant 0 : i32
      %dma_start3A_1783 = arith.constant 0 : i32
      %dma_start3A_1784 = tpu.memref_slice %arg2[%shift_right_arithmetic3A_1774, %dma_start3A_1782, %dma_start3A_1783] : memref<125000x8x64xf32, #tpu.memory_space<hbm>> -> memref<1x8x64xf32, #tpu.memory_space<hbm>>
      %dma_start3A_1785 = tpu.memref_squeeze %dma_start3A_1784 : memref<1x8x64xf32, #tpu.memory_space<hbm>> -> memref<8x64xf32, #tpu.memory_space<hbm>>
      %dma_start3A_1786 = arith.constant 0 : i32
      %dma_start3A_1787 = tpu.memref_slice %dma_start3A_1785[%and3A_1776, %dma_start3A_1786] : memref<8x64xf32, #tpu.memory_space<hbm>> -> memref<1x64xf32, #tpu.memory_space<hbm>>
      %dma_start3A_1788 = arith.constant 28 : i32
      %dma_start3A_1789 = arith.constant 0 : i32
      %dma_start3A_1790 = tpu.memref_slice %arg6[%dma_start3A_1777, %dma_start3A_1788, %dma_start3A_1789] : memref<2x32x64xf32, #tpu.memory_space<vmem>> -> memref<1x1x64xf32, #tpu.memory_space<vmem>>
      %dma_start3A_1791 = tpu.memref_squeeze %dma_start3A_1790 : memref<1x1x64xf32, #tpu.memory_space<vmem>> -> memref<1x64xf32, #tpu.memory_space<vmem>>
      %dma_start3A_1792 = arith.constant 0 : i32
      %dma_start3A_1793 = arith.constant 0 : i32
      %dma_start3A_1794 = tpu.memref_slice %arg2[%shift_right_arithmetic3A_1774, %dma_start3A_1792, %dma_start3A_1793] : memref<125000x8x64xf32, #tpu.memory_space<hbm>> -> memref<1x8x64xf32, #tpu.memory_space<hbm>>
      %dma_start3A_1795 = tpu.memref_squeeze %dma_start3A_1794 : memref<1x8x64xf32, #tpu.memory_space<hbm>> -> memref<8x64xf32, #tpu.memory_space<hbm>>
      %dma_start3A_1796 = arith.constant 0 : i32
      %dma_start3A_1797 = tpu.memref_slice %dma_start3A_1795[%and3A_1776, %dma_start3A_1796] : memref<8x64xf32, #tpu.memory_space<hbm>> -> memref<1x64xf32, #tpu.memory_space<hbm>>
      tpu.enqueue_dma source(%dma_start3A_1797 : memref<1x64xf32, #tpu.memory_space<hbm>>) target(%dma_start3A_1791 : memref<1x64xf32, #tpu.memory_space<vmem>>) target_semaphore(%arg8 : memref<!tpu.dma_semaphore, #tpu.memory_space<semaphore_mem>>)
      %slice3A_1798 = vector.extract_strided_slice %get3A_1446 {offsets = [13], sizes = [1], strides = [1]} : vector<16xi32> to vector<1xi32>
      %squeeze3A_1799 = vector.extract %slice3A_1798[0] : i32 from vector<1xi32>
      %shift_right_arithmetic3A_1800 = arith.constant 3 : i32
      %shift_right_arithmetic3A_1801 = arith.shrsi %squeeze3A_1799, %shift_right_arithmetic3A_1800 : i32
      %and3A_1802 = arith.constant 7 : i32
      %and3A_1803 = arith.andi %squeeze3A_1799, %and3A_1802 : i32
      %dma_start3A_1804 = arith.constant 1 : i32
      %dma_start3A_1805 = arith.constant 29 : i32
      %dma_start3A_1806 = arith.constant 0 : i32
      %dma_start3A_1807 = tpu.memref_slice %arg6[%dma_start3A_1804, %dma_start3A_1805, %dma_start3A_1806] : memref<2x32x64xf32, #tpu.memory_space<vmem>> -> memref<1x1x64xf32, #tpu.memory_space<vmem>>
      %dma_start3A_1808 = tpu.memref_squeeze %dma_start3A_1807 : memref<1x1x64xf32, #tpu.memory_space<vmem>> -> memref<1x64xf32, #tpu.memory_space<vmem>>
      %dma_start3A_1809 = arith.constant 0 : i32
      %dma_start3A_1810 = arith.constant 0 : i32
      %dma_start3A_1811 = tpu.memref_slice %arg2[%shift_right_arithmetic3A_1801, %dma_start3A_1809, %dma_start3A_1810] : memref<125000x8x64xf32, #tpu.memory_space<hbm>> -> memref<1x8x64xf32, #tpu.memory_space<hbm>>
      %dma_start3A_1812 = tpu.memref_squeeze %dma_start3A_1811 : memref<1x8x64xf32, #tpu.memory_space<hbm>> -> memref<8x64xf32, #tpu.memory_space<hbm>>
      %dma_start3A_1813 = arith.constant 0 : i32
      %dma_start3A_1814 = tpu.memref_slice %dma_start3A_1812[%and3A_1803, %dma_start3A_1813] : memref<8x64xf32, #tpu.memory_space<hbm>> -> memref<1x64xf32, #tpu.memory_space<hbm>>
      %dma_start3A_1815 = arith.constant 29 : i32
      %dma_start3A_1816 = arith.constant 0 : i32
      %dma_start3A_1817 = tpu.memref_slice %arg6[%dma_start3A_1804, %dma_start3A_1815, %dma_start3A_1816] : memref<2x32x64xf32, #tpu.memory_space<vmem>> -> memref<1x1x64xf32, #tpu.memory_space<vmem>>
      %dma_start3A_1818 = tpu.memref_squeeze %dma_start3A_1817 : memref<1x1x64xf32, #tpu.memory_space<vmem>> -> memref<1x64xf32, #tpu.memory_space<vmem>>
      %dma_start3A_1819 = arith.constant 0 : i32
      %dma_start3A_1820 = arith.constant 0 : i32
      %dma_start3A_1821 = tpu.memref_slice %arg2[%shift_right_arithmetic3A_1801, %dma_start3A_1819, %dma_start3A_1820] : memref<125000x8x64xf32, #tpu.memory_space<hbm>> -> memref<1x8x64xf32, #tpu.memory_space<hbm>>
      %dma_start3A_1822 = tpu.memref_squeeze %dma_start3A_1821 : memref<1x8x64xf32, #tpu.memory_space<hbm>> -> memref<8x64xf32, #tpu.memory_space<hbm>>
      %dma_start3A_1823 = arith.constant 0 : i32
      %dma_start3A_1824 = tpu.memref_slice %dma_start3A_1822[%and3A_1803, %dma_start3A_1823] : memref<8x64xf32, #tpu.memory_space<hbm>> -> memref<1x64xf32, #tpu.memory_space<hbm>>
      tpu.enqueue_dma source(%dma_start3A_1824 : memref<1x64xf32, #tpu.memory_space<hbm>>) target(%dma_start3A_1818 : memref<1x64xf32, #tpu.memory_space<vmem>>) target_semaphore(%arg8 : memref<!tpu.dma_semaphore, #tpu.memory_space<semaphore_mem>>)
      %slice3A_1825 = vector.extract_strided_slice %get3A_1446 {offsets = [14], sizes = [1], strides = [1]} : vector<16xi32> to vector<1xi32>
      %squeeze3A_1826 = vector.extract %slice3A_1825[0] : i32 from vector<1xi32>
      %shift_right_arithmetic3A_1827 = arith.constant 3 : i32
      %shift_right_arithmetic3A_1828 = arith.shrsi %squeeze3A_1826, %shift_right_arithmetic3A_1827 : i32
      %and3A_1829 = arith.constant 7 : i32
      %and3A_1830 = arith.andi %squeeze3A_1826, %and3A_1829 : i32
      %dma_start3A_1831 = arith.constant 1 : i32
      %dma_start3A_1832 = arith.constant 30 : i32
      %dma_start3A_1833 = arith.constant 0 : i32
      %dma_start3A_1834 = tpu.memref_slice %arg6[%dma_start3A_1831, %dma_start3A_1832, %dma_start3A_1833] : memref<2x32x64xf32, #tpu.memory_space<vmem>> -> memref<1x1x64xf32, #tpu.memory_space<vmem>>
      %dma_start3A_1835 = tpu.memref_squeeze %dma_start3A_1834 : memref<1x1x64xf32, #tpu.memory_space<vmem>> -> memref<1x64xf32, #tpu.memory_space<vmem>>
      %dma_start3A_1836 = arith.constant 0 : i32
      %dma_start3A_1837 = arith.constant 0 : i32
      %dma_start3A_1838 = tpu.memref_slice %arg2[%shift_right_arithmetic3A_1828, %dma_start3A_1836, %dma_start3A_1837] : memref<125000x8x64xf32, #tpu.memory_space<hbm>> -> memref<1x8x64xf32, #tpu.memory_space<hbm>>
      %dma_start3A_1839 = tpu.memref_squeeze %dma_start3A_1838 : memref<1x8x64xf32, #tpu.memory_space<hbm>> -> memref<8x64xf32, #tpu.memory_space<hbm>>
      %dma_start3A_1840 = arith.constant 0 : i32
      %dma_start3A_1841 = tpu.memref_slice %dma_start3A_1839[%and3A_1830, %dma_start3A_1840] : memref<8x64xf32, #tpu.memory_space<hbm>> -> memref<1x64xf32, #tpu.memory_space<hbm>>
      %dma_start3A_1842 = arith.constant 30 : i32
      %dma_start3A_1843 = arith.constant 0 : i32
      %dma_start3A_1844 = tpu.memref_slice %arg6[%dma_start3A_1831, %dma_start3A_1842, %dma_start3A_1843] : memref<2x32x64xf32, #tpu.memory_space<vmem>> -> memref<1x1x64xf32, #tpu.memory_space<vmem>>
      %dma_start3A_1845 = tpu.memref_squeeze %dma_start3A_1844 : memref<1x1x64xf32, #tpu.memory_space<vmem>> -> memref<1x64xf32, #tpu.memory_space<vmem>>
      %dma_start3A_1846 = arith.constant 0 : i32
      %dma_start3A_1847 = arith.constant 0 : i32
      %dma_start3A_1848 = tpu.memref_slice %arg2[%shift_right_arithmetic3A_1828, %dma_start3A_1846, %dma_start3A_1847] : memref<125000x8x64xf32, #tpu.memory_space<hbm>> -> memref<1x8x64xf32, #tpu.memory_space<hbm>>
      %dma_start3A_1849 = tpu.memref_squeeze %dma_start3A_1848 : memref<1x8x64xf32, #tpu.memory_space<hbm>> -> memref<8x64xf32, #tpu.memory_space<hbm>>
      %dma_start3A_1850 = arith.constant 0 : i32
      %dma_start3A_1851 = tpu.memref_slice %dma_start3A_1849[%and3A_1830, %dma_start3A_1850] : memref<8x64xf32, #tpu.memory_space<hbm>> -> memref<1x64xf32, #tpu.memory_space<hbm>>
      tpu.enqueue_dma source(%dma_start3A_1851 : memref<1x64xf32, #tpu.memory_space<hbm>>) target(%dma_start3A_1845 : memref<1x64xf32, #tpu.memory_space<vmem>>) target_semaphore(%arg8 : memref<!tpu.dma_semaphore, #tpu.memory_space<semaphore_mem>>)
      %slice3A_1852 = vector.extract_strided_slice %get3A_1446 {offsets = [15], sizes = [1], strides = [1]} : vector<16xi32> to vector<1xi32>
      %squeeze3A_1853 = vector.extract %slice3A_1852[0] : i32 from vector<1xi32>
      %shift_right_arithmetic3A_1854 = arith.constant 3 : i32
      %shift_right_arithmetic3A_1855 = arith.shrsi %squeeze3A_1853, %shift_right_arithmetic3A_1854 : i32
      %and3A_1856 = arith.constant 7 : i32
      %and3A_1857 = arith.andi %squeeze3A_1853, %and3A_1856 : i32
      %dma_start3A_1858 = arith.constant 1 : i32
      %dma_start3A_1859 = arith.constant 31 : i32
      %dma_start3A_1860 = arith.constant 0 : i32
      %dma_start3A_1861 = tpu.memref_slice %arg6[%dma_start3A_1858, %dma_start3A_1859, %dma_start3A_1860] : memref<2x32x64xf32, #tpu.memory_space<vmem>> -> memref<1x1x64xf32, #tpu.memory_space<vmem>>
      %dma_start3A_1862 = tpu.memref_squeeze %dma_start3A_1861 : memref<1x1x64xf32, #tpu.memory_space<vmem>> -> memref<1x64xf32, #tpu.memory_space<vmem>>
      %dma_start3A_1863 = arith.constant 0 : i32
      %dma_start3A_1864 = arith.constant 0 : i32
      %dma_start3A_1865 = tpu.memref_slice %arg2[%shift_right_arithmetic3A_1855, %dma_start3A_1863, %dma_start3A_1864] : memref<125000x8x64xf32, #tpu.memory_space<hbm>> -> memref<1x8x64xf32, #tpu.memory_space<hbm>>
      %dma_start3A_1866 = tpu.memref_squeeze %dma_start3A_1865 : memref<1x8x64xf32, #tpu.memory_space<hbm>> -> memref<8x64xf32, #tpu.memory_space<hbm>>
      %dma_start3A_1867 = arith.constant 0 : i32
      %dma_start3A_1868 = tpu.memref_slice %dma_start3A_1866[%and3A_1857, %dma_start3A_1867] : memref<8x64xf32, #tpu.memory_space<hbm>> -> memref<1x64xf32, #tpu.memory_space<hbm>>
      %dma_start3A_1869 = arith.constant 31 : i32
      %dma_start3A_1870 = arith.constant 0 : i32
      %dma_start3A_1871 = tpu.memref_slice %arg6[%dma_start3A_1858, %dma_start3A_1869, %dma_start3A_1870] : memref<2x32x64xf32, #tpu.memory_space<vmem>> -> memref<1x1x64xf32, #tpu.memory_space<vmem>>
      %dma_start3A_1872 = tpu.memref_squeeze %dma_start3A_1871 : memref<1x1x64xf32, #tpu.memory_space<vmem>> -> memref<1x64xf32, #tpu.memory_space<vmem>>
      %dma_start3A_1873 = arith.constant 0 : i32
      %dma_start3A_1874 = arith.constant 0 : i32
      %dma_start3A_1875 = tpu.memref_slice %arg2[%shift_right_arithmetic3A_1855, %dma_start3A_1873, %dma_start3A_1874] : memref<125000x8x64xf32, #tpu.memory_space<hbm>> -> memref<1x8x64xf32, #tpu.memory_space<hbm>>
      %dma_start3A_1876 = tpu.memref_squeeze %dma_start3A_1875 : memref<1x8x64xf32, #tpu.memory_space<hbm>> -> memref<8x64xf32, #tpu.memory_space<hbm>>
      %dma_start3A_1877 = arith.constant 0 : i32
      %dma_start3A_1878 = tpu.memref_slice %dma_start3A_1876[%and3A_1857, %dma_start3A_1877] : memref<8x64xf32, #tpu.memory_space<hbm>> -> memref<1x64xf32, #tpu.memory_space<hbm>>
      tpu.enqueue_dma source(%dma_start3A_1878 : memref<1x64xf32, #tpu.memory_space<hbm>>) target(%dma_start3A_1872 : memref<1x64xf32, #tpu.memory_space<vmem>>) target_semaphore(%arg8 : memref<!tpu.dma_semaphore, #tpu.memory_space<semaphore_mem>>)
      %dma_wait3A_1879 = arith.constant 0 : i32
      %dma_wait3A_1880 = arith.constant 1 : i32
      %dma_wait3A_1881 = arith.constant 0 : i32
      %dma_wait3A_1882 = arith.constant 0 : i32
      %dma_wait3A_1883 = tpu.memref_slice %arg6[%dma_wait3A_1880, %dma_wait3A_1881, %dma_wait3A_1882] : memref<2x32x64xf32, #tpu.memory_space<vmem>> -> memref<1x8x64xf32, #tpu.memory_space<vmem>>
      %dma_wait3A_1884 = tpu.memref_squeeze %dma_wait3A_1883 : memref<1x8x64xf32, #tpu.memory_space<vmem>> -> memref<8x64xf32, #tpu.memory_space<vmem>>
      %dma_wait3A_1885 = arith.constant 0 : i32
      %dma_wait3A_1886 = arith.constant 0 : i32
      %dma_wait3A_1887 = tpu.memref_slice %arg2[%dma_wait3A_1879, %dma_wait3A_1885, %dma_wait3A_1886] : memref<125000x8x64xf32, #tpu.memory_space<hbm>> -> memref<1x8x64xf32, #tpu.memory_space<hbm>>
      %dma_wait3A_1888 = tpu.memref_squeeze %dma_wait3A_1887 : memref<1x8x64xf32, #tpu.memory_space<hbm>> -> memref<8x64xf32, #tpu.memory_space<hbm>>
      %dma_wait3A_1889 = arith.constant 0 : i32
      %dma_wait3A_1890 = arith.constant 0 : i32
      %dma_wait3A_1891 = tpu.memref_slice %arg6[%dma_wait3A_1880, %dma_wait3A_1889, %dma_wait3A_1890] : memref<2x32x64xf32, #tpu.memory_space<vmem>> -> memref<1x8x64xf32, #tpu.memory_space<vmem>>
      %dma_wait3A_1892 = tpu.memref_squeeze %dma_wait3A_1891 : memref<1x8x64xf32, #tpu.memory_space<vmem>> -> memref<8x64xf32, #tpu.memory_space<vmem>>
      %dma_wait3A_1893 = arith.constant 0 : i32
      %dma_wait3A_1894 = arith.constant 0 : i32
      %dma_wait3A_1895 = tpu.memref_slice %arg2[%dma_wait3A_1879, %dma_wait3A_1893, %dma_wait3A_1894] : memref<125000x8x64xf32, #tpu.memory_space<hbm>> -> memref<1x8x64xf32, #tpu.memory_space<hbm>>
      %dma_wait3A_1896 = tpu.memref_squeeze %dma_wait3A_1895 : memref<1x8x64xf32, #tpu.memory_space<hbm>> -> memref<8x64xf32, #tpu.memory_space<hbm>>
      tpu.wait_dma2 semaphore(%arg8 : memref<!tpu.dma_semaphore, #tpu.memory_space<semaphore_mem>>) src(%dma_wait3A_1896 : memref<8x64xf32, #tpu.memory_space<hbm>>) dst(%dma_wait3A_1892 : memref<8x64xf32, #tpu.memory_space<vmem>>)
      %dma_wait3A_1897 = arith.constant 0 : i32
      %dma_wait3A_1898 = arith.constant 1 : i32
      %dma_wait3A_1899 = arith.constant 8 : i32
      %dma_wait3A_1900 = arith.constant 0 : i32
      %dma_wait3A_1901 = tpu.memref_slice %arg6[%dma_wait3A_1898, %dma_wait3A_1899, %dma_wait3A_1900] : memref<2x32x64xf32, #tpu.memory_space<vmem>> -> memref<1x8x64xf32, #tpu.memory_space<vmem>>
      %dma_wait3A_1902 = tpu.memref_squeeze %dma_wait3A_1901 : memref<1x8x64xf32, #tpu.memory_space<vmem>> -> memref<8x64xf32, #tpu.memory_space<vmem>>
      %dma_wait3A_1903 = arith.constant 0 : i32
      %dma_wait3A_1904 = arith.constant 0 : i32
      %dma_wait3A_1905 = tpu.memref_slice %arg2[%dma_wait3A_1897, %dma_wait3A_1903, %dma_wait3A_1904] : memref<125000x8x64xf32, #tpu.memory_space<hbm>> -> memref<1x8x64xf32, #tpu.memory_space<hbm>>
      %dma_wait3A_1906 = tpu.memref_squeeze %dma_wait3A_1905 : memref<1x8x64xf32, #tpu.memory_space<hbm>> -> memref<8x64xf32, #tpu.memory_space<hbm>>
      %dma_wait3A_1907 = arith.constant 8 : i32
      %dma_wait3A_1908 = arith.constant 0 : i32
      %dma_wait3A_1909 = tpu.memref_slice %arg6[%dma_wait3A_1898, %dma_wait3A_1907, %dma_wait3A_1908] : memref<2x32x64xf32, #tpu.memory_space<vmem>> -> memref<1x8x64xf32, #tpu.memory_space<vmem>>
      %dma_wait3A_1910 = tpu.memref_squeeze %dma_wait3A_1909 : memref<1x8x64xf32, #tpu.memory_space<vmem>> -> memref<8x64xf32, #tpu.memory_space<vmem>>
      %dma_wait3A_1911 = arith.constant 0 : i32
      %dma_wait3A_1912 = arith.constant 0 : i32
      %dma_wait3A_1913 = tpu.memref_slice %arg2[%dma_wait3A_1897, %dma_wait3A_1911, %dma_wait3A_1912] : memref<125000x8x64xf32, #tpu.memory_space<hbm>> -> memref<1x8x64xf32, #tpu.memory_space<hbm>>
      %dma_wait3A_1914 = tpu.memref_squeeze %dma_wait3A_1913 : memref<1x8x64xf32, #tpu.memory_space<hbm>> -> memref<8x64xf32, #tpu.memory_space<hbm>>
      tpu.wait_dma2 semaphore(%arg8 : memref<!tpu.dma_semaphore, #tpu.memory_space<semaphore_mem>>) src(%dma_wait3A_1914 : memref<8x64xf32, #tpu.memory_space<hbm>>) dst(%dma_wait3A_1910 : memref<8x64xf32, #tpu.memory_space<vmem>>)
      %dma_wait3A_1915 = arith.constant 0 : i32
      %dma_wait3A_1916 = arith.constant 1 : i32
      %dma_wait3A_1917 = arith.constant 16 : i32
      %dma_wait3A_1918 = arith.constant 0 : i32
      %dma_wait3A_1919 = tpu.memref_slice %arg6[%dma_wait3A_1916, %dma_wait3A_1917, %dma_wait3A_1918] : memref<2x32x64xf32, #tpu.memory_space<vmem>> -> memref<1x8x64xf32, #tpu.memory_space<vmem>>
      %dma_wait3A_1920 = tpu.memref_squeeze %dma_wait3A_1919 : memref<1x8x64xf32, #tpu.memory_space<vmem>> -> memref<8x64xf32, #tpu.memory_space<vmem>>
      %dma_wait3A_1921 = arith.constant 0 : i32
      %dma_wait3A_1922 = arith.constant 0 : i32
      %dma_wait3A_1923 = tpu.memref_slice %arg2[%dma_wait3A_1915, %dma_wait3A_1921, %dma_wait3A_1922] : memref<125000x8x64xf32, #tpu.memory_space<hbm>> -> memref<1x8x64xf32, #tpu.memory_space<hbm>>
      %dma_wait3A_1924 = tpu.memref_squeeze %dma_wait3A_1923 : memref<1x8x64xf32, #tpu.memory_space<hbm>> -> memref<8x64xf32, #tpu.memory_space<hbm>>
      %dma_wait3A_1925 = arith.constant 16 : i32
      %dma_wait3A_1926 = arith.constant 0 : i32
      %dma_wait3A_1927 = tpu.memref_slice %arg6[%dma_wait3A_1916, %dma_wait3A_1925, %dma_wait3A_1926] : memref<2x32x64xf32, #tpu.memory_space<vmem>> -> memref<1x8x64xf32, #tpu.memory_space<vmem>>
      %dma_wait3A_1928 = tpu.memref_squeeze %dma_wait3A_1927 : memref<1x8x64xf32, #tpu.memory_space<vmem>> -> memref<8x64xf32, #tpu.memory_space<vmem>>
      %dma_wait3A_1929 = arith.constant 0 : i32
      %dma_wait3A_1930 = arith.constant 0 : i32
      %dma_wait3A_1931 = tpu.memref_slice %arg2[%dma_wait3A_1915, %dma_wait3A_1929, %dma_wait3A_1930] : memref<125000x8x64xf32, #tpu.memory_space<hbm>> -> memref<1x8x64xf32, #tpu.memory_space<hbm>>
      %dma_wait3A_1932 = tpu.memref_squeeze %dma_wait3A_1931 : memref<1x8x64xf32, #tpu.memory_space<hbm>> -> memref<8x64xf32, #tpu.memory_space<hbm>>
      tpu.wait_dma2 semaphore(%arg8 : memref<!tpu.dma_semaphore, #tpu.memory_space<semaphore_mem>>) src(%dma_wait3A_1932 : memref<8x64xf32, #tpu.memory_space<hbm>>) dst(%dma_wait3A_1928 : memref<8x64xf32, #tpu.memory_space<vmem>>)
      %dma_wait3A_1933 = arith.constant 0 : i32
      %dma_wait3A_1934 = arith.constant 1 : i32
      %dma_wait3A_1935 = arith.constant 24 : i32
      %dma_wait3A_1936 = arith.constant 0 : i32
      %dma_wait3A_1937 = tpu.memref_slice %arg6[%dma_wait3A_1934, %dma_wait3A_1935, %dma_wait3A_1936] : memref<2x32x64xf32, #tpu.memory_space<vmem>> -> memref<1x8x64xf32, #tpu.memory_space<vmem>>
      %dma_wait3A_1938 = tpu.memref_squeeze %dma_wait3A_1937 : memref<1x8x64xf32, #tpu.memory_space<vmem>> -> memref<8x64xf32, #tpu.memory_space<vmem>>
      %dma_wait3A_1939 = arith.constant 0 : i32
      %dma_wait3A_1940 = arith.constant 0 : i32
      %dma_wait3A_1941 = tpu.memref_slice %arg2[%dma_wait3A_1933, %dma_wait3A_1939, %dma_wait3A_1940] : memref<125000x8x64xf32, #tpu.memory_space<hbm>> -> memref<1x8x64xf32, #tpu.memory_space<hbm>>
      %dma_wait3A_1942 = tpu.memref_squeeze %dma_wait3A_1941 : memref<1x8x64xf32, #tpu.memory_space<hbm>> -> memref<8x64xf32, #tpu.memory_space<hbm>>
      %dma_wait3A_1943 = arith.constant 24 : i32
      %dma_wait3A_1944 = arith.constant 0 : i32
      %dma_wait3A_1945 = tpu.memref_slice %arg6[%dma_wait3A_1934, %dma_wait3A_1943, %dma_wait3A_1944] : memref<2x32x64xf32, #tpu.memory_space<vmem>> -> memref<1x8x64xf32, #tpu.memory_space<vmem>>
      %dma_wait3A_1946 = tpu.memref_squeeze %dma_wait3A_1945 : memref<1x8x64xf32, #tpu.memory_space<vmem>> -> memref<8x64xf32, #tpu.memory_space<vmem>>
      %dma_wait3A_1947 = arith.constant 0 : i32
      %dma_wait3A_1948 = arith.constant 0 : i32
      %dma_wait3A_1949 = tpu.memref_slice %arg2[%dma_wait3A_1933, %dma_wait3A_1947, %dma_wait3A_1948] : memref<125000x8x64xf32, #tpu.memory_space<hbm>> -> memref<1x8x64xf32, #tpu.memory_space<hbm>>
      %dma_wait3A_1950 = tpu.memref_squeeze %dma_wait3A_1949 : memref<1x8x64xf32, #tpu.memory_space<hbm>> -> memref<8x64xf32, #tpu.memory_space<hbm>>
      tpu.wait_dma2 semaphore(%arg8 : memref<!tpu.dma_semaphore, #tpu.memory_space<semaphore_mem>>) src(%dma_wait3A_1950 : memref<8x64xf32, #tpu.memory_space<hbm>>) dst(%dma_wait3A_1946 : memref<8x64xf32, #tpu.memory_space<vmem>>)
      %mul3A_1951 = arith.constant 32 : i32
      %mul3A_1952 = arith.muli %add3A_1001, %mul3A_1951 : i32
      %add3A_1953 = arith.addi %mul3A_2, %mul3A_1952 : i32
      %dma_start3A_1954 = arith.constant 1 : i32
      %dma_start3A_1955 = arith.constant 0 : i32
      %dma_start3A_1956 = arith.constant 0 : i32
      %dma_start3A_1957 = tpu.memref_slice %arg6[%dma_start3A_1954, %dma_start3A_1955, %dma_start3A_1956] : memref<2x32x64xf32, #tpu.memory_space<vmem>> -> memref<1x32x64xf32, #tpu.memory_space<vmem>>
      %dma_start3A_1958 = tpu.memref_squeeze %dma_start3A_1957 : memref<1x32x64xf32, #tpu.memory_space<vmem>> -> memref<32x64xf32, #tpu.memory_space<vmem>>
      %dma_start3A_1959 = arith.constant 0 : i32
      %dma_start3A_1960 = tpu.memref_slice %arg4[%add3A_1953, %dma_start3A_1959] : memref<51200x64xf32, #tpu.memory_space<hbm>> -> memref<32x64xf32, #tpu.memory_space<hbm>>
      %dma_start3A_1961 = arith.constant 0 : i32
      %dma_start3A_1962 = tpu.memref_slice %arg4[%add3A_1953, %dma_start3A_1961] : memref<51200x64xf32, #tpu.memory_space<hbm>> -> memref<32x64xf32, #tpu.memory_space<hbm>>
      %dma_start3A_1963 = arith.constant 0 : i32
      %dma_start3A_1964 = arith.constant 0 : i32
      %dma_start3A_1965 = tpu.memref_slice %arg6[%dma_start3A_1954, %dma_start3A_1963, %dma_start3A_1964] : memref<2x32x64xf32, #tpu.memory_space<vmem>> -> memref<1x32x64xf32, #tpu.memory_space<vmem>>
      %dma_start3A_1966 = tpu.memref_squeeze %dma_start3A_1965 : memref<1x32x64xf32, #tpu.memory_space<vmem>> -> memref<32x64xf32, #tpu.memory_space<vmem>>
      tpu.enqueue_dma source(%dma_start3A_1966 : memref<32x64xf32, #tpu.memory_space<vmem>>) target(%dma_start3A_1962 : memref<32x64xf32, #tpu.memory_space<hbm>>) target_semaphore(%arg10 : memref<!tpu.dma_semaphore, #tpu.memory_space<semaphore_mem>>)
    }
    %scan3A_7 = arith.constant 25 : i32
    %dma_wait3A = arith.constant 0 : i32
    %dma_wait3A_8 = arith.constant 0 : i32
    %dma_wait3A_9 = arith.constant 0 : i32
    %dma_wait3A_10 = tpu.memref_slice %arg6[%dma_wait3A, %dma_wait3A_8, %dma_wait3A_9] : memref<2x32x64xf32, #tpu.memory_space<vmem>> -> memref<1x32x64xf32, #tpu.memory_space<vmem>>
    %dma_wait3A_11 = tpu.memref_squeeze %dma_wait3A_10 : memref<1x32x64xf32, #tpu.memory_space<vmem>> -> memref<32x64xf32, #tpu.memory_space<vmem>>
    %dma_wait3A_12 = arith.constant 0 : i32
    %dma_wait3A_13 = arith.constant 0 : i32
    %dma_wait3A_14 = tpu.memref_slice %arg4[%dma_wait3A_12, %dma_wait3A_13] : memref<51200x64xf32, #tpu.memory_space<hbm>> -> memref<32x64xf32, #tpu.memory_space<hbm>>
    %dma_wait3A_15 = arith.constant 0 : i32
    %dma_wait3A_16 = arith.constant 0 : i32
    %dma_wait3A_17 = tpu.memref_slice %arg4[%dma_wait3A_15, %dma_wait3A_16] : memref<51200x64xf32, #tpu.memory_space<hbm>> -> memref<32x64xf32, #tpu.memory_space<hbm>>
    %dma_wait3A_18 = arith.constant 0 : i32
    %dma_wait3A_19 = arith.constant 0 : i32
    %dma_wait3A_20 = tpu.memref_slice %arg6[%dma_wait3A, %dma_wait3A_18, %dma_wait3A_19] : memref<2x32x64xf32, #tpu.memory_space<vmem>> -> memref<1x32x64xf32, #tpu.memory_space<vmem>>
    %dma_wait3A_21 = tpu.memref_squeeze %dma_wait3A_20 : memref<1x32x64xf32, #tpu.memory_space<vmem>> -> memref<32x64xf32, #tpu.memory_space<vmem>>
    tpu.wait_dma2 semaphore(%arg9 : memref<!tpu.dma_semaphore, #tpu.memory_space<semaphore_mem>>) src(%dma_wait3A_21 : memref<32x64xf32, #tpu.memory_space<vmem>>) dst(%dma_wait3A_17 : memref<32x64xf32, #tpu.memory_space<hbm>>)
    %dma_wait3A_22 = arith.constant 1 : i32
    %dma_wait3A_23 = arith.constant 0 : i32
    %dma_wait3A_24 = arith.constant 0 : i32
    %dma_wait3A_25 = tpu.memref_slice %arg6[%dma_wait3A_22, %dma_wait3A_23, %dma_wait3A_24] : memref<2x32x64xf32, #tpu.memory_space<vmem>> -> memref<1x32x64xf32, #tpu.memory_space<vmem>>
    %dma_wait3A_26 = tpu.memref_squeeze %dma_wait3A_25 : memref<1x32x64xf32, #tpu.memory_space<vmem>> -> memref<32x64xf32, #tpu.memory_space<vmem>>
    %dma_wait3A_27 = arith.constant 0 : i32
    %dma_wait3A_28 = arith.constant 0 : i32
    %dma_wait3A_29 = tpu.memref_slice %arg4[%dma_wait3A_27, %dma_wait3A_28] : memref<51200x64xf32, #tpu.memory_space<hbm>> -> memref<32x64xf32, #tpu.memory_space<hbm>>
    %dma_wait3A_30 = arith.constant 0 : i32
    %dma_wait3A_31 = arith.constant 0 : i32
    %dma_wait3A_32 = tpu.memref_slice %arg4[%dma_wait3A_30, %dma_wait3A_31] : memref<51200x64xf32, #tpu.memory_space<hbm>> -> memref<32x64xf32, #tpu.memory_space<hbm>>
    %dma_wait3A_33 = arith.constant 0 : i32
    %dma_wait3A_34 = arith.constant 0 : i32
    %dma_wait3A_35 = tpu.memref_slice %arg6[%dma_wait3A_22, %dma_wait3A_33, %dma_wait3A_34] : memref<2x32x64xf32, #tpu.memory_space<vmem>> -> memref<1x32x64xf32, #tpu.memory_space<vmem>>
    %dma_wait3A_36 = tpu.memref_squeeze %dma_wait3A_35 : memref<1x32x64xf32, #tpu.memory_space<vmem>> -> memref<32x64xf32, #tpu.memory_space<vmem>>
    tpu.wait_dma2 semaphore(%arg10 : memref<!tpu.dma_semaphore, #tpu.memory_space<semaphore_mem>>) src(%dma_wait3A_36 : memref<32x64xf32, #tpu.memory_space<vmem>>) dst(%dma_wait3A_32 : memref<32x64xf32, #tpu.memory_space<hbm>>)
    return
  }
}

module attributes {stable_mosaic.version = 14 : i64} {
  func.func @_tc_body_a(%arg0: i32, %arg1: memref<50x8x1024xf32, #tpu.memory_space<vmem>>, %arg2: memref<50x8x1xf32, #tpu.memory_space<vmem>>, %arg3: memref<50x1x64xf32, #tpu.memory_space<vmem>>, %arg4: memref<3x64xf32, #tpu.memory_space<vmem>>, %arg5: memref<1024x64xf32, #tpu.memory_space<vmem>>, %arg6: memref<50x8x64xf32, #tpu.memory_space<vmem>>) attributes {dimension_semantics = [#tpu.dimension_semantics<arbitrary>], iteration_bounds = array<i64: 128>, scalar_prefetch = 0 : i64, scratch_operands = 0 : i64, tpu.core_type = #tpu.core_type<tc>, window_params = [{transform_indices = @transform_0, window_bounds = array<i64: 50, 8, 1024>}, {transform_indices = @transform_1, window_bounds = array<i64: 50, 8, 1>}, {pipeline_mode = #tpu.pipeline_mode<synchronous>, transform_indices = @transform_2, window_bounds = array<i64: 50, 1, 64>}, {pipeline_mode = #tpu.pipeline_mode<synchronous>, transform_indices = @transform_3, window_bounds = array<i64: 3, 64>}, {pipeline_mode = #tpu.pipeline_mode<synchronous>, transform_indices = @transform_4, window_bounds = array<i64: 1024, 64>}, {transform_indices = @transform_5, window_bounds = array<i64: 50, 8, 64>}]} {
    %get3A = arith.constant 0 : index
    %get3A_0 = arith.constant 0 : index
    %get3A_1 = arith.constant 0 : index
    %get3A_2 = vector.load %arg1[%get3A, %get3A_0, %get3A_1] : memref<50x8x1024xf32, #tpu.memory_space<vmem>>, vector<50x8x1024xf32>
    %reshape3A = vector.shape_cast %get3A_2 : vector<50x8x1024xf32> to vector<400x1024xf32>
    %get3A_3 = arith.constant 0 : index
    %get3A_4 = arith.constant 0 : index
    %get3A_5 = vector.load %arg5[%get3A_3, %get3A_4] : memref<1024x64xf32, #tpu.memory_space<vmem>>, vector<1024x64xf32>
    %dot_general3A = arith.constant dense<0.000000e+00> : vector<400x64xf32>
    %dot_general3A_6 = tpu.matmul %reshape3A, %get3A_5, %dot_general3A {dimension_numbers = #tpu.dot_dimension_numbers<[1], [0], [0], [1], [0, 0, 1, 1], [], []>, transpose_lhs_hint = false} : vector<400x1024xf32>, vector<1024x64xf32>, vector<400x64xf32> -> vector<400x64xf32>
    %reshape3A_7 = vector.shape_cast %dot_general3A_6 : vector<400x64xf32> to vector<50x8x64xf32>
    %get3A_8 = arith.constant 0 : index
    %get3A_9 = arith.constant 0 : index
    %get3A_10 = arith.constant 0 : index
    %get3A_11 = vector.load %arg2[%get3A_8, %get3A_9, %get3A_10] : memref<50x8x1xf32, #tpu.memory_space<vmem>>, vector<50x8x1xf32>
    %get3A_12 = arith.constant 0 : index
    %get3A_13 = arith.constant 0 : index
    %get3A_14 = vector.load %arg4[%get3A_12, %get3A_13] : memref<3x64xf32, #tpu.memory_space<vmem>>, vector<1x64xf32>
    %reshape3A_15 = vector.shape_cast %get3A_14 : vector<1x64xf32> to vector<1x1x64xf32>
    %get3A_16 = arith.constant 1 : index
    %get3A_17 = arith.constant 0 : index
    %get3A_18 = vector.load %arg4[%get3A_16, %get3A_17] : memref<3x64xf32, #tpu.memory_space<vmem>>, vector<1x64xf32>
    %reshape3A_19 = vector.shape_cast %get3A_18 : vector<1x64xf32> to vector<1x1x64xf32>
    %get3A_20 = arith.constant 2 : index
    %get3A_21 = arith.constant 0 : index
    %get3A_22 = vector.load %arg4[%get3A_20, %get3A_21] : memref<3x64xf32, #tpu.memory_space<vmem>>, vector<1x64xf32>
    %reshape3A_23 = vector.shape_cast %get3A_22 : vector<1x64xf32> to vector<1x1x64xf32>
    %eq3A = arith.constant 0.000000e+00 : f32
    %eq3A_24 = vector.broadcast %eq3A : f32 to vector<50x8x1xf32>
    %eq3A_25 = arith.cmpf oeq, %get3A_11, %eq3A_24 : vector<50x8x1xf32>
    %eq3A_26 = arith.constant 1.000000e+00 : f32
    %eq3A_27 = vector.broadcast %eq3A_26 : f32 to vector<50x8x1xf32>
    %eq3A_28 = arith.cmpf oeq, %get3A_11, %eq3A_27 : vector<50x8x1xf32>
    %broadcast_in_dim3A = vector.shape_cast %eq3A_28 : vector<50x8x1xi1> to vector<50x8x1xi1>
    %broadcast_in_dim3A_29 = vector.broadcast %broadcast_in_dim3A : vector<50x8x1xi1> to vector<50x8x64xi1>
    %broadcast_in_dim3A_30 = vector.shape_cast %reshape3A_19 : vector<1x1x64xf32> to vector<1x1x64xf32>
    %broadcast_in_dim3A_31 = vector.broadcast %broadcast_in_dim3A_30 : vector<1x1x64xf32> to vector<50x8x64xf32>
    %broadcast_in_dim3A_32 = vector.shape_cast %reshape3A_23 : vector<1x1x64xf32> to vector<1x1x64xf32>
    %broadcast_in_dim3A_33 = vector.broadcast %broadcast_in_dim3A_32 : vector<1x1x64xf32> to vector<50x8x64xf32>
    %select_n3A = arith.select %broadcast_in_dim3A_29, %broadcast_in_dim3A_31, %broadcast_in_dim3A_33 : vector<50x8x64xi1>, vector<50x8x64xf32>
    %broadcast_in_dim3A_34 = vector.shape_cast %eq3A_25 : vector<50x8x1xi1> to vector<50x8x1xi1>
    %broadcast_in_dim3A_35 = vector.broadcast %broadcast_in_dim3A_34 : vector<50x8x1xi1> to vector<50x8x64xi1>
    %broadcast_in_dim3A_36 = vector.shape_cast %reshape3A_15 : vector<1x1x64xf32> to vector<1x1x64xf32>
    %broadcast_in_dim3A_37 = vector.broadcast %broadcast_in_dim3A_36 : vector<1x1x64xf32> to vector<50x8x64xf32>
    %select_n3A_38 = arith.select %broadcast_in_dim3A_35, %broadcast_in_dim3A_37, %select_n3A : vector<50x8x64xi1>, vector<50x8x64xf32>
    %get3A_39 = arith.constant 0 : index
    %get3A_40 = arith.constant 0 : index
    %get3A_41 = arith.constant 0 : index
    %get3A_42 = vector.load %arg3[%get3A_39, %get3A_40, %get3A_41] : memref<50x1x64xf32, #tpu.memory_space<vmem>>, vector<50x1x64xf32>
    %add3A = vector.broadcast %get3A_42 : vector<50x1x64xf32> to vector<50x8x64xf32>
    %add3A_43 = arith.addf %reshape3A_7, %add3A : vector<50x8x64xf32>
    %add3A_44 = arith.addf %add3A_43, %select_n3A_38 : vector<50x8x64xf32>
    %swap3A = arith.constant 0 : index
    %swap3A_45 = arith.constant 0 : index
    %swap3A_46 = arith.constant 0 : index
    %swap3A_47 = vector.load %arg6[%swap3A, %swap3A_45, %swap3A_46] : memref<50x8x64xf32, #tpu.memory_space<vmem>>, vector<50x8x64xf32>
    tpu.vector_store %arg6[%swap3A, %swap3A_45, %swap3A_46], %add3A_44 {strides = array<i32>} : memref<50x8x64xf32, #tpu.memory_space<vmem>>, vector<50x8x64xf32>,
    return
  }
  func.func @transform_0(%arg0: i32) -> (i32, i32, i32) {
    %c0_i32 = arith.constant 0 : i32
    %c0_i32_0 = arith.constant 0 : i32
    %c0_i32_1 = arith.constant 0 : i32
    return %c0_i32, %arg0, %c0_i32_0 : i32, i32, i32
  }
  func.func @transform_1(%arg0: i32) -> (i32, i32, i32) {
    %c0_i32 = arith.constant 0 : i32
    %c0_i32_0 = arith.constant 0 : i32
    %c0_i32_1 = arith.constant 0 : i32
    return %c0_i32, %arg0, %c0_i32_0 : i32, i32, i32
  }
  func.func @transform_2(%arg0: i32) -> (i32, i32, i32) {
    %c0_i32 = arith.constant 0 : i32
    %c0_i32_0 = arith.constant 0 : i32
    %c0_i32_1 = arith.constant 0 : i32
    %c0_i32_2 = arith.constant 0 : i32
    return %c0_i32, %c0_i32_0, %c0_i32_1 : i32, i32, i32
  }
  func.func @transform_3(%arg0: i32) -> (i32, i32) {
    %c0_i32 = arith.constant 0 : i32
    %c0_i32_0 = arith.constant 0 : i32
    %c0_i32_1 = arith.constant 0 : i32
    return %c0_i32, %c0_i32_0 : i32, i32
  }
  func.func @transform_4(%arg0: i32) -> (i32, i32) {
    %c0_i32 = arith.constant 0 : i32
    %c0_i32_0 = arith.constant 0 : i32
    %c0_i32_1 = arith.constant 0 : i32
    return %c0_i32, %c0_i32_0 : i32, i32
  }
  func.func @transform_5(%arg0: i32) -> (i32, i32, i32) {
    %c0_i32 = arith.constant 0 : i32
    %c0_i32_0 = arith.constant 0 : i32
    %c0_i32_1 = arith.constant 0 : i32
    return %c0_i32, %arg0, %c0_i32_0 : i32, i32, i32
  }
}

module attributes {stable_mosaic.version = 14 : i64} {
  func.func @_tc_body_b(%arg0: i32, %arg1: memref<50x32x64xf32, #tpu.memory_space<vmem>>, %arg2: memref<50x32x64xf32, #tpu.memory_space<vmem>>, %arg3: memref<1x64xf32, #tpu.memory_space<vmem>>, %arg4: memref<1x64xf32, #tpu.memory_space<vmem>>, %arg5: memref<50x32x64xf32, #tpu.memory_space<vmem>>) attributes {dimension_semantics = [#tpu.dimension_semantics<arbitrary>], iteration_bounds = array<i64: 32>, scalar_prefetch = 0 : i64, scratch_operands = 0 : i64, tpu.core_type = #tpu.core_type<tc>, window_params = [{transform_indices = @transform_0, window_bounds = array<i64: 50, 32, 64>}, {transform_indices = @transform_1, window_bounds = array<i64: 50, 32, 64>}, {pipeline_mode = #tpu.pipeline_mode<synchronous>, transform_indices = @transform_2, window_bounds = array<i64: 1, 64>}, {pipeline_mode = #tpu.pipeline_mode<synchronous>, transform_indices = @transform_3, window_bounds = array<i64: 1, 64>}, {transform_indices = @transform_4, window_bounds = array<i64: 50, 32, 64>}]} {
    %get3A = arith.constant 0 : index
    %get3A_0 = arith.constant 0 : index
    %get3A_1 = arith.constant 0 : index
    %get3A_2 = vector.load %arg1[%get3A, %get3A_0, %get3A_1] : memref<50x32x64xf32, #tpu.memory_space<vmem>>, vector<50x32x64xf32>
    %get3A_3 = arith.constant 0 : index
    %get3A_4 = arith.constant 0 : index
    %get3A_5 = arith.constant 0 : index
    %get3A_6 = vector.load %arg2[%get3A_3, %get3A_4, %get3A_5] : memref<50x32x64xf32, #tpu.memory_space<vmem>>, vector<50x32x64xf32>
    %add3A = arith.addf %get3A_2, %get3A_6 : vector<50x32x64xf32>
    %reduce_sum3A = arith.constant dense<0.000000e+00> : vector<50x32xf32>
    %reduce_sum3A_7 = vector.multi_reduction <add>, %add3A, %reduce_sum3A [2] : vector<50x32x64xf32> to vector<50x32xf32>
    %broadcast_in_dim3A = vector.shape_cast %reduce_sum3A_7 : vector<50x32xf32> to vector<50x32x1xf32>
    %div3A = arith.constant 6.400000e+01 : f32
    %div3A_8 = vector.broadcast %div3A : f32 to vector<50x32x1xf32>
    %div3A_9 = arith.divf %broadcast_in_dim3A, %div3A_8 : vector<50x32x1xf32>
    %sub3A = vector.broadcast %div3A_9 : vector<50x32x1xf32> to vector<50x32x64xf32>
    %sub3A_10 = arith.subf %add3A, %sub3A : vector<50x32x64xf32>
    %mul3A = arith.mulf %sub3A_10, %sub3A_10 : vector<50x32x64xf32>
    %reduce_sum3A_11 = arith.constant dense<0.000000e+00> : vector<50x32xf32>
    %reduce_sum3A_12 = vector.multi_reduction <add>, %mul3A, %reduce_sum3A_11 [2] : vector<50x32x64xf32> to vector<50x32xf32>
    %broadcast_in_dim3A_13 = vector.shape_cast %reduce_sum3A_12 : vector<50x32xf32> to vector<50x32x1xf32>
    %div3A_14 = arith.constant 6.400000e+01 : f32
    %div3A_15 = vector.broadcast %div3A_14 : f32 to vector<50x32x1xf32>
    %div3A_16 = arith.divf %broadcast_in_dim3A_13, %div3A_15 : vector<50x32x1xf32>
    %add3A_17 = arith.constant 9.99999997E-7 : f32
    %add3A_18 = vector.broadcast %add3A_17 : f32 to vector<50x32x1xf32>
    %add3A_19 = arith.addf %div3A_16, %add3A_18 : vector<50x32x1xf32>
    %rsqrt3A = math.rsqrt %add3A_19 : vector<50x32x1xf32>
    %mul3A_20 = vector.broadcast %rsqrt3A : vector<50x32x1xf32> to vector<50x32x64xf32>
    %mul3A_21 = arith.mulf %sub3A_10, %mul3A_20 : vector<50x32x64xf32>
    %get3A_22 = arith.constant 0 : index
    %get3A_23 = arith.constant 0 : index
    %get3A_24 = vector.load %arg3[%get3A_22, %get3A_23] : memref<1x64xf32, #tpu.memory_space<vmem>>, vector<1x64xf32>
    %reshape3A = vector.shape_cast %get3A_24 : vector<1x64xf32> to vector<1x1x64xf32>
    %mul3A_25 = vector.broadcast %reshape3A : vector<1x1x64xf32> to vector<50x32x64xf32>
    %mul3A_26 = arith.mulf %mul3A_21, %mul3A_25 : vector<50x32x64xf32>
    %get3A_27 = arith.constant 0 : index
    %get3A_28 = arith.constant 0 : index
    %get3A_29 = vector.load %arg4[%get3A_27, %get3A_28] : memref<1x64xf32, #tpu.memory_space<vmem>>, vector<1x64xf32>
    %reshape3A_30 = vector.shape_cast %get3A_29 : vector<1x64xf32> to vector<1x1x64xf32>
    %add3A_31 = vector.broadcast %reshape3A_30 : vector<1x1x64xf32> to vector<50x32x64xf32>
    %add3A_32 = arith.addf %mul3A_26, %add3A_31 : vector<50x32x64xf32>
    %swap3A = arith.constant 0 : index
    %swap3A_33 = arith.constant 0 : index
    %swap3A_34 = arith.constant 0 : index
    %swap3A_35 = vector.load %arg5[%swap3A, %swap3A_33, %swap3A_34] : memref<50x32x64xf32, #tpu.memory_space<vmem>>, vector<50x32x64xf32>
    tpu.vector_store %arg5[%swap3A, %swap3A_33, %swap3A_34], %add3A_32 {strides = array<i32>} : memref<50x32x64xf32, #tpu.memory_space<vmem>>, vector<50x32x64xf32>,
    return
  }
  func.func @transform_0(%arg0: i32) -> (i32, i32, i32) {
    %c0_i32 = arith.constant 0 : i32
    %c0_i32_0 = arith.constant 0 : i32
    %c0_i32_1 = arith.constant 0 : i32
    return %c0_i32, %arg0, %c0_i32_0 : i32, i32, i32
  }
  func.func @transform_1(%arg0: i32) -> (i32, i32, i32) {
    %c0_i32 = arith.constant 0 : i32
    %c0_i32_0 = arith.constant 0 : i32
    %c0_i32_1 = arith.constant 0 : i32
    return %c0_i32, %arg0, %c0_i32_0 : i32, i32, i32
  }
  func.func @transform_2(%arg0: i32) -> (i32, i32) {
    %c0_i32 = arith.constant 0 : i32
    %c0_i32_0 = arith.constant 0 : i32
    %c0_i32_1 = arith.constant 0 : i32
    return %c0_i32, %c0_i32_0 : i32, i32
  }
  func.func @transform_3(%arg0: i32) -> (i32, i32) {
    %c0_i32 = arith.constant 0 : i32
    %c0_i32_0 = arith.constant 0 : i32
    %c0_i32_1 = arith.constant 0 : i32
    return %c0_i32, %c0_i32_0 : i32, i32
  }
  func.func @transform_4(%arg0: i32) -> (i32, i32, i32) {
    %c0_i32 = arith.constant 0 : i32
    %c0_i32_0 = arith.constant 0 : i32
    %c0_i32_1 = arith.constant 0 : i32
    return %c0_i32, %arg0, %c0_i32_0 : i32, i32, i32
  }
}

</mosaic_0001>

<sc_bundles>
// kernel: kernel.5.cloned.1.call-start
scs
__scs_entry_jumppad:
0x0: {  	(pc) =	sbr.rel $0x88, $3  }
0x1: {  	(tag) =	ssettag $0x0;
	lr =	simm.s32 $0x1  }
0x2: {  	[smem:$0x3F97] =	sst lr;
	_ =	strace $0xD0000000  }
0x3: {  	_ = 	snop  }
0x4: {  	_ = 	snop  }
0x5: {  	_ = 	snop  }
0x6: {  	_ = 	snop  }
0x7: {  	_ = 	snop  }
__scs_overlays_trampoline_lowered:
0x8: {  	[smem:$0x3FA6] =	sst s0  }
0x9: {  	[smem:$0x3FA7] =	sst s1  }
0xa: {  	[smem:$0x3FA8] =	sst s2  }
0xb: {  	[smem:$0x3FA9] =	sst s3  }
0xc: {  	[smem:$0x3FAA] =	sst s4  }
0xd: {  	[smem:$0x3FAB] =	sst s5  }
0xe: {  	[smem:$0x3FAC] =	sst s6  }
0xf: {  	[smem:$0x3FAD] =	sst s7  }
0x10: {  	[smem:$0x3FAE] =	sst s8  }
0x11: {  	[smem:$0x3FAF] =	sst s9;
	s0 =	simm.s32 @!p0 $0x0  }
0x12: {  	s1 =	sld [smem:$0x3F95];
	s0 =	simm.s32 @p0 $0x1  }
0x13: {  	[smem:$0x3FB0] =	sst s0;
	s0 =	simm.s32 @!p1 $0x0  }
0x14: {  	s2 =	sld [smem:$0x3F94];
	s0 =	simm.s32 @p1 $0x1  }
0x15: {  	[smem:$0x3FB1] =	sst s0;
	s0 =	simm.s32 @!p2 $0x0  }
0x16: {  	s3 =	sld [smem:$0x3FDB];
	s0 =	simm.s32 @p2 $0x1  }
0x17: {  	s4 =	simm.s32 $0x1BF5;
	[smem:$0x3FB3] =	sst s0  }
0x18: {  	s0 =	sld [smem:$0x3F96];
	_ =	swait.ge [sflag:s4], $0x0  }
0x19: {  	s7 =	sld [smem:$0x3F97]  }
0x1a: {  	s8 =	sadd.s32 $0xFFFFE003, lr  }
0x1b: {  	s9 =	sadd.s32 $0xFFFFFEF7, lr;
	s5 =	simm.s32 $0xFFFFFFFF;
	p2 =	slt.u32 s8, $0xFFFFF086  }
0x1c: {  	p1 =	slt.u32 s9, $0xF7A;
	s5 =	simm.s32 @!p2 $0x0  }
0x1d: {  	s5 =	simm.s32 @p1 $0x1;
	p0 =	seq.s32 s7, s2  }
0x1e: {  	s7 =	smul.u32 @!p0 $0xF7A, s2;
	p2 =	seq.s32 @!p0 s5, $0x0  }
0x1f: {  	s9 =	smul.u32 $0xF7A, s1;
	s8 =	simm.s32 @!p0 $0x1BF5;
	p2 =	por !p2, p0  }
0x20: {  	[sflag:s8] =	ssyncset.s32 @!p0 $0xFFFFF086;
	s6 =	sadd.s32 @!p0 s3, s7;
	s7 =	simm.s32 @!p0 $0x108  }
0x21: {  	s3 =	sadd.s32 s3, s9;
	s6 =	sadd.s32 @!p0 $0x88, s6;
	s7 =	simm.s32 @p2 $0x1082  }
0x22: {  	[simem:s7], [sflag:s8] =	dma.local @!p0 [hbm:s6], $0xF7A  }
0x23: {  	s9 =	sor.u32 $0xD0000000, s2;
	s6 =	simm.s32 $0x108;
	_ =	swait.ge @!p0 [sflag:s8], $0x0  }
0x24: {  	s3 =	sadd.s32 $0x88, s3;
	s6 =	simm.s32 @!p1 $0x1082;
	[sflag:s4] =	ssyncset.s32 $0xFFFFF086  }
0x25: {  	[simem:s6], [sflag:s4] =	dma.local [hbm:s3], $0xF7A  }
0x26: {  	[smem:$0x3F97] =	sst s1;
	(tag) =	ssettag s2;
	_ =	strace s9  }
0x27: {  	s1 =	sld [smem:$0x3FA7]  }
0x28: {  	s2 =	sld [smem:$0x3FA8]  }
0x29: {  	s4 =	sld [smem:$0x3FAA]  }
0x2a: {  	p0 =	seq.s32 s5, $0x0;
	s5 =	sld [smem:$0x3FAB]  }
0x2b: {  	s6 =	sld [smem:$0x3FAC]  }
0x2c: {  	s7 =	sld [smem:$0x3FAD]  }
0x2d: {  	s3 =	simm.s32 $0x108;
	s8 =	sld [smem:$0x3FAE]  }
0x2e: {  	s3 =	simm.s32 @!p0 $0x1082;
	s9 =	sld [smem:$0x3FAF]  }
0x2f: {  	lr =	sadd.s32 s0, s3;
	s0 =	sld [smem:$0x3FA6]  }
0x30: {  	s3 =	sld [smem:$0x3FA9]  }
0x31: {  	[smem:$0x3FB2] =	sst s10  }
0x32: {  	s10 =	sld [smem:$0x3FB0];
	_ =	sdelay $0x3  }
0x33: {  	p0 =	seq.s32 s10, $0x1;
	s10 =	sld [smem:$0x3FB2];
	_ =	sdelay $0x3  }
0x34: {  	[smem:$0x3FB2] =	sst s10  }
0x35: {  	s10 =	sld [smem:$0x3FB1];
	_ =	sdelay $0x3  }
0x36: {  	p1 =	seq.s32 s10, $0x1;
	s10 =	sld [smem:$0x3FB2];
	_ =	sdelay $0x3  }
0x37: {  	[smem:$0x3FB2] =	sst s10  }
0x38: {  	s10 =	sld [smem:$0x3FB3]  }
0x39: {  	_ = 	snop;
	(pc) =	sbr.ind lr, $3  }
0x3a: {  	_ = 	snop  }
0x3b: {  	_ = 	snop  }
0x3c: {  	p2 =	seq.s32 s10, $0x1;
	s10 =	sld [smem:$0x3FB2]  }
0x3d: {  	_ =	shalt  }
0x3e: {  	_ =	shalt  }
0x3f: {  	_ =	shalt  }
0x40: {  	_ =	shalt  }
0x41: {  	_ =	shalt  }
0x42: {  	_ =	shalt  }
0x43: {  	_ =	shalt  }
0x44: {  	_ =	shalt  }
0x45: {  	_ =	shalt  }
0x46: {  	_ =	shalt  }
0x47: {  	_ =	shalt  }
0x48: {  	_ =	shalt  }
0x49: {  	_ =	shalt  }
0x4a: {  	_ =	shalt  }
0x4b: {  	_ =	shalt  }
0x4c: {  	_ =	shalt  }
0x4d: {  	_ =	shalt  }
0x4e: {  	_ =	shalt  }
0x4f: {  	_ =	shalt  }
0x50: {  	_ =	shalt  }
0x51: {  	_ =	shalt  }
0x52: {  	_ =	shalt  }
0x53: {  	_ =	shalt  }
0x54: {  	_ =	shalt  }
0x55: {  	_ =	shalt  }
0x56: {  	_ =	shalt  }
0x57: {  	_ =	shalt  }
0x58: {  	_ =	shalt  }
0x59: {  	_ =	shalt  }
0x5a: {  	_ =	shalt  }
0x5b: {  	_ =	shalt  }
0x5c: {  	_ =	shalt  }
0x5d: {  	_ =	shalt  }
0x5e: {  	_ =	shalt  }
0x5f: {  	_ =	shalt  }
0x60: {  	_ =	shalt  }
0x61: {  	_ =	shalt  }
0x62: {  	_ =	shalt  }
0x63: {  	_ =	shalt  }
0x64: {  	_ =	shalt  }
0x65: {  	_ =	shalt  }
0x66: {  	_ =	shalt  }
0x67: {  	_ =	shalt  }
0x68: {  	_ =	shalt  }
0x69: {  	_ =	shalt  }
0x6a: {  	_ =	shalt  }
0x6b: {  	_ =	shalt  }
0x6c: {  	_ =	shalt  }
0x6d: {  	_ =	shalt  }
0x6e: {  	_ =	shalt  }
0x6f: {  	_ =	shalt  }
0x70: {  	_ =	shalt  }
0x71: {  	_ =	shalt  }
0x72: {  	_ =	shalt  }
0x73: {  	_ =	shalt  }
0x74: {  	_ =	shalt  }
0x75: {  	_ =	shalt  }
0x76: {  	_ =	shalt  }
0x77: {  	_ =	shalt  }
0x78: {  	_ =	shalt  }
0x79: {  	_ =	shalt  }
0x7a: {  	_ =	shalt  }
0x7b: {  	_ =	shalt  }
0x7c: {  	_ =	shalt  }
0x7d: {  	_ =	shalt  }
0x7e: {  	_ =	shalt  }
0x7f: {  	_ =	shalt  }
0x80: {  	_ =	shalt  }
0x81: {  	_ =	shalt  }
0x82: {  	_ =	shalt  }
0x83: {  	_ =	shalt  }
0x84: {  	_ =	shalt  }
0x85: {  	_ =	shalt  }
0x86: {  	_ =	shalt  }
0x87: {  	_ =	shalt  }
.Lfunc_end0:
.L_simem_size_0:
called_computation_lowered:
.L_overlay_start_0:
0x88: {  	s2 =	sld [smem:$0x3FD9]  }
0x89: {  	s3 =	sld [smem:$0x3FFE];
	_ =	sdelay $0x1  }
0x8a: {  	s1 =	srdreg.scid  }
0x8b: {  	s0 =	sand.u32 $0x1, s1  }
0x8c: {  	s17 =	sshll.u32 s0, $0xA;
	s2 =	sadd.s32 s3, s2  }
0x8d: {  	s2 =	sadd.s32 s2, s17  }
0x8e: {  	[smem:$0x3FBE] =	sst s2  }
0x8f: {  	_ = 	snop  }
0x90: {  	s2 =	sld [smem:$0x3FD0];
	(tm) =	ssettm $0x1  }
0x91: {  	s18 =	sld [smem:$0x3FFB];
	_ =	sdelay $0x3  }
0x92: {  	_ =	strace s18  }
0x93: {  	s3 =	sld [smem:$0x3FFC];
	_ =	sdelay $0x3  }
0x94: {  	_ =	strace s3  }
0x95: {  	s3 =	sld [smem:$0x3FFD];
	_ =	sdelay $0x3  }
0x96: {  	_ =	strace s3  }
0x97: {  	_ =	strace $0x8FFFFFFF  }
0x98: {  	s19 =	sld [smem:$0x3FDB];
	_ =	sdelay $0x1  }
0x99: {  	s4 =	simm.s32 $_scs_section_size  }
0x9a: {  	s5 =	simm.s32 $_size__tile_overlayer_lowered;
	s6 =	simm.s32 $_tile_overlayer_lowered  }
0x9b: {  	s22 =	simm.s32 $0x1BFF;
	s21 =	sshll.u32 s6, $0x1;
	s3 =	sadd.s32 s4, s19  }
0x9c: {  	s7 =	simm.s32 $0x0;
	s20 =	sshll.u32 s5, $0x1;
	s5 =	sadd.s32 s21, s3  }
0x9d: {  	[timem:s7], [sflag:s22] =	dma.local [hbm:s5], s20  }
0x9e: {  	_ =	swait.ge [sflag:s22], s20  }
0x9f: {  	s4 =	ssub.s32 $0x0, s20;
	[sflag:s22] =	ssyncset.done $0x0  }
0xa0: {  	[sflag:s22] =	ssyncadd.s32 s4;
	_ =	sdelay $0x1  }
0xa1: {  	s23 =	simm.s32 $0x1B8B  }
0xa2: {  	_ =	swait.ge [sflag:s23], $0x1  }
0xa3: {  	[sflag:s23] =	ssyncset.done $0x0  }
0xa4: {  	s25 =	simm.s32 $0x1B8E;
	s24 =	sld [smem:$0x3FFE];
	[sflag:s23] =	ssyncadd.s32 $0xFFFFFFFF  }
0xa5: {  	s26 =	simm.s32 $execute0_lowered;
	[smem:$0x3FD2] =	sst s25  }
0xa6: {  	s5 =	sshll.u32 s26, $0x1;
	_ =	strace $0x80000046;
	[dreg:$0x1] =	wrdreg $0xFFFFFFFF  }
0xa7: {  	s28 =	simm.s32 $_size_execute0_lowered;
	s3 =	sadd.s32 s3, s5;
	[dreg:$0x0] =	wrdreg $0x0  }
0xa8: {  	s5 =	sshll.u32 s28, $0x1;
	[dreg:$0x2] =	wrdreg s3  }
0xa9: {  	[dreg:$0x3] =	wrdreg s5  }
0xaa: {  	[dreg:$0x4] =	wrdreg $0xC0  }
0xab: {  	_ =	task [dreg:s7], $0x5FFFF  }
0xac: {  	[dreg:$0x1] =	wrdreg $0xFFFFFFFF  }
0xad: {  	[dreg:$0x0] =	wrdreg $0x60  }
0xae: {  	[dreg:$0x2] =	wrdreg s24  }
0xaf: {  	[dreg:$0x3] =	wrdreg s2  }
0xb0: {  	[dreg:$0x4] =	wrdreg $0x9  }
0xb1: {  	_ =	task.clear_ibuf [dreg:s7], $0x5FFFF;
	_ =	strace $0x90000046  }
0xb2: {  	s29 =	simm.s32 $0x9;
	_ =	strace $0x80000048  }
0xb3: {  	_ =	swait.ge [sflag:s29], $0x1  }
0xb4: {  	[sflag:s29] =	ssyncadd.s32 $0xFFFFFFFF  }
0xb5: {  	_ =	strace $0x90000048  }
0xb6: {  	_ =	sfence  }
0xb7: {  	s30 =	sld [smem:$0x0];
	_ =	sdelay $0x2  }
0xb8: {  	s31 =	sshll.u32 s1, $0xD;
	s1 =	sshrl.u32 s1, $0x2  }
0xb9: {  	s3 =	sand.u32 $0x4000, s31;
	s1 =	sadd.s32 s1, s30  }
0xba: {  	s0 =	sor.u32 s3, s0;
	s1 =	sshll.u32 s1, $0x11  }
0xbb: {  	s0 =	sor.u32 s1, s0  }
0xbc: {  	s0 =	sadd.s32 $0x8F2B, s0  }
0xbd: {  	[sflag:s0] =	ssyncadd.remote.s32 $0x1  }
0xbe: {  	_ =	sfence.sel $0xFFFF  }
0xbf: {  	[dreg:$0x0] =	wrdreg $0xFFFFFFFF;
	(pc) =	sbr.abs _section_cstart, $3  }
0xc0: {  	[dreg:$0x1] =	wrdreg $0xFFFFFFFF  }
0xc1: {  	_ =	task.clear_ibuf [dreg:s7], $0x2FFFF;
	_ =	strace $0x9FFFFFFF  }
0xc2: {  	(tm) =	ssettm $0x7FFFFFFF  }
0xc3: {  	_ =	shalt  }
tec
execute0_lowered:
.L_overlay_start_1:
0x0: {  	(tag) =	ssettag $0x1  }
0x1: {  	s3 =	rddreg [dreg:$0x0]  }
0x2: {  	s1 =	srdreg.scid;
	s4 =	rddreg [dreg:$0x1]  }
0x3: {  	s2 =	simm.s32 $0x0;
	s5 =	sand.u32 $0x1, s1;
	s1 =	rddreg [dreg:$0x2]  }
0x4: {  	s16 =	simm.s32 $0x1C80;
	[smem:$0x7FF] =	sst s2  }
0x5: {  	s17 =	simm.s32 $0x1D00;
	_ =	strace $0x80000047;
	[dreg:$0x5] =	wrdreg s16  }
0x6: {  	s18 =	simm.s32 $0x1D80;
	[dreg:$0x6] =	wrdreg s17  }
0x7: {  	s19 =	simm.s32 $0x1E00;
	[dreg:$0x7] =	wrdreg s18  }
0x8: {  	s20 =	simm.s32 $0x1E80;
	[dreg:$0x8] =	wrdreg s19  }
0x9: {  	s21 =	simm.s32 $0x1F00;
	[dreg:$0x9] =	wrdreg s20  }
0xa: {  	s22 =	simm.s32 $0x1F80;
	[dreg:$0xa] =	wrdreg s21  }
0xb: {  	s23 =	simm.s32 $0x2000;
	[dreg:$0xb] =	wrdreg s22  }
0xc: {  	s24 =	simm.s32 $0x2080;
	[dreg:$0xc] =	wrdreg s23  }
0xd: {  	s25 =	simm.s32 $0x2100;
	[dreg:$0xd] =	wrdreg s24  }
0xe: {  	s26 =	simm.s32 $0x2180;
	[dreg:$0xe] =	wrdreg s25  }
0xf: {  	s28 =	simm.s32 $0x2200;
	[dreg:$0xf] =	wrdreg s26  }
0x10: {  	s29 =	simm.s32 $0x2280;
	[dreg:$0x10] =	wrdreg s28  }
0x11: {  	s30 =	simm.s32 $0x2300;
	[dreg:$0x11] =	wrdreg s29  }
0x12: {  	s31 =	simm.s32 $0x2380;
	[dreg:$0x12] =	wrdreg s30  }
0x13: {  	s9 =	simm.s32 $0x2500;
	[dreg:$0x13] =	wrdreg s31  }
0x14: {  	s10 =	simm.s32 $0x2580;
	[dreg:$0x16] =	wrdreg s9  }
0x15: {  	s11 =	simm.s32 $0x2600;
	[dreg:$0x17] =	wrdreg s10  }
0x16: {  	s12 =	simm.s32 $0x2680;
	[dreg:$0x18] =	wrdreg s11  }
0x17: {  	s13 =	simm.s32 $0x2700;
	[dreg:$0x19] =	wrdreg s12  }
0x18: {  	s14 =	simm.s32 $0x2780;
	[dreg:$0x1a] =	wrdreg s13  }
0x19: {  	[dreg:$0x1b] =	wrdreg s14;
	s16 =	simm.s32 $0x2880  }
0x1a: {  	s17 =	simm.s32 $0x2900;
	[dreg:$0x1d] =	wrdreg s16  }
0x1b: {  	s18 =	simm.s32 $0x2980;
	[dreg:$0x1e] =	wrdreg s17  }
0x1c: {  	s19 =	simm.s32 $0x2A00;
	[dreg:$0x1f] =	wrdreg s18  }
0x1d: {  	s20 =	simm.s32 $0x2A80;
	[smem:$0x7DB] =	sst s19  }
0x1e: {  	s21 =	simm.s32 $0x2B00;
	[smem:$0x7DC] =	sst s20  }
0x1f: {  	s22 =	simm.s32 $0x2B80;
	[smem:$0x7DD] =	sst s21  }
0x20: {  	s23 =	simm.s32 $0x2C80;
	[smem:$0x7DE] =	sst s22  }
0x21: {  	s24 =	simm.s32 $0x2D00;
	[smem:$0x7DF] =	sst s23  }
0x22: {  	s25 =	simm.s32 $0x2D80;
	[smem:$0x7E0] =	sst s24  }
0x23: {  	s26 =	simm.s32 $0x2E00;
	[smem:$0x7E1] =	sst s25  }
0x24: {  	s28 =	simm.s32 $0x2E80;
	[smem:$0x7E2] =	sst s26  }
0x25: {  	s29 =	simm.s32 $0x2F00;
	[smem:$0x7E3] =	sst s28  }
0x26: {  	s30 =	simm.s32 $0x2F80;
	[smem:$0x7E4] =	sst s29  }
0x27: {  	s31 =	simm.s32 $0x3000;
	[smem:$0x7E5] =	sst s30  }
0x28: {  	s9 =	simm.s32 $0x3180;
	[smem:$0x7E6] =	sst s31  }
0x29: {  	s10 =	simm.s32 $0x3200;
	[smem:$0x7E9] =	sst s9  }
0x2a: {  	s11 =	simm.s32 $0x3280;
	[smem:$0x7EA] =	sst s10  }
0x2b: {  	s12 =	simm.s32 $0x3300;
	[smem:$0x7EB] =	sst s11  }
0x2c: {  	s13 =	simm.s32 $0x3380;
	[smem:$0x7EC] =	sst s12  }
0x2d: {  	s0 =	stileid.u32;
	s14 =	simm.s32 $0x3400;
	[smem:$0x7ED] =	sst s13  }
0x2e: {  	s6 =	smul.u32 $0x64000, s0;
	[smem:$0x7EE] =	sst s14;
	s16 =	simm.s32 $0x3500  }
0x2f: {  	s15 =	sadd.s32 $0xF43A00, s3;
	s17 =	simm.s32 $0x3580;
	[smem:$0x7F0] =	sst s16  }
0x30: {  	s3 =	sadd.s32 $0x1600, s3;
	s18 =	simm.s32 $0x3600;
	[smem:$0x7F1] =	sst s17  }
0x31: {  	s7 =	smul.u32 $0x32000, s5;
	s20 =	simm.s32 $0x3680;
	[smem:$0x7F2] =	sst s18  }
0x32: {  	s19 =	ssub.s32 $0x2, s5;
	s22 =	simm.s32 $0x3700;
	[smem:$0x7F3] =	sst s20  }
0x33: {  	s9 =	sshll.u32 s0, $0x1;
	s23 =	simm.s32 $0x3780;
	[smem:$0x7F4] =	sst s22  }
0x34: {  	s24 =	simm.s32 $0x3800;
	s25 =	simm.s32 $0x3880;
	[smem:$0x7F5] =	sst s23  }
0x35: {  	s26 =	simm.s32 $0x3900;
	s28 =	simm.s32 $0x3980;
	[smem:$0x7F6] =	sst s24  }
0x36: {  	s29 =	simm.s32 $0x3A00;
	s30 =	simm.s32 $0x3A80;
	[smem:$0x7F7] =	sst s25  }
0x37: {  	s31 =	simm.s32 $0x3B00;
	s10 =	simm.s32 $0x3B80;
	[smem:$0x7F8] =	sst s26  }
0x38: {  	s11 =	simm.s32 $0x3;
	s12 =	simm.s32 $0x4;
	[smem:$0x7F9] =	sst s28  }
0x39: {  	s13 =	simm.s32 $0x0;
	s6 =	sadd.s32 s7, s6;
	[smem:$0x7FA] =	sst s29  }
0x3a: {  	s7 =	simm.s32 $0x2400;
	s21 =	sshrl.u32 s19, $0x1;
	[smem:$0x7FB] =	sst s30  }
0x3b: {  	s5 =	sor.u32 s5, s9;
	[smem:$0x7FC] =	sst s31;
	s9 =	simm.s32 $0x2C00  }
0x3c: {  	[smem:$0x7FD] =	sst s10;
	s10 =	simm.s32 $0x2;
	s8 =	sshrl.u32 s6, $0x3  }
0x3d: {  	s6 =	sor.u32 $0x1000, s6;
	[dreg:$0x14] =	wrdreg s7;
	s7 =	simm.s32 $0x3080  }
0x3e: {  	s8 =	sadd.s32 s8, s15;
	s6 =	sshrl.u32 s6, $0x3;
	[smem:$0x7E7] =	sst s7  }
0x3f: {  	s5 =	smul.u32 $0x380, s5;
	[dreg:$0x3] =	wrdreg s8;
	s6 =	sadd.s32 s6, s15  }
0x40: {  	s7 =	ssub.s32 s19, s21;
	s8 =	simm.s32 $0x2480;
	[dreg:$0x4] =	wrdreg s6  }
0x41: {  	s15 =	simm.s32 $0x2800;
	s4 =	sadd.s32 s4, s5;
	[dreg:$0x15] =	wrdreg s8  }
0x42: {  	s5 =	smax.u32 s7, $0x1;
	[dreg:$0x1c] =	wrdreg s15;
	s8 =	simm.s32 $0x3100  }
0x43: {  	s7 =	simm.s32 $0x1C00;
	s15 =	simm.s32 $0x3480;
	[smem:$0x7E8] =	sst s8  }
0x44: {  	s6 =	simm.s32 $0x5;
	[smem:$0x7EF] =	sst s15;
	s8 =	simm.s32 $0x1  }
.LBB2_1:
0x45: {  	[tilespmem:s2], [sflag:$0x5] =	stream.linear.gather [hbm4b:s4+s2], $0x1900, $0x38;
	[tilespmem:$0x3C00] =	vst v63  }
0x46: {  	_ =	swait.ge [sflag:s6], $0x1900  }
0x47: {  	[sflag:s6] =	ssyncset.done $0x0  }
0x48: {  	s14 =	simm.s32 $0x0;
	[sflag:s6] =	ssyncadd.s32 $0xFFFFE700  }
.LBB2_2:
0x49: {  	p0 =	seq.s32 s14, $0x0  }
0x4a: {  	s15 =	simm.s32 @!p0 $0x3  }
0x4b: {  	_ =	swait.ge @!p0 [sflag:s15], $0x1000  }
0x4c: {  	[sflag:s15] =	ssyncset.done @!p0 $0x0  }
0x4d: {  	[sflag:s15] =	ssyncadd.s32 @!p0 $0xFFFFF000;
	s15 =	sshra.s32 s14, $0x2  }
0x4e: {  	v0 =	vld [tilespmem:s15+$0x0];
	_ =	sdelay $0x4  }
0x4f: {  	v0 =	vshll.u32 v0, $0x4  }
0x50: {  	(v2sf) =	vpush v0, $0x0  }
0x51: {  	(v2sf) =	vpush v0, $0x1;
	_ =	sdelay $0x1  }
0x52: {  	(v2sf) =	vpush v0, $0x2;
	_ =	sdelay $0x2  }
0x53: {  	(v2sf) =	vpush v0, $0x3;
	_ =	sdelay $0x8  }
0x54: {  	s16 =	spop (v2sf)  }
0x55: {  	s26 =	spop (v2sf);
	(v2sf) =	vpush v0, $0x4;
	_ =	sdelay $0x1  }
0x56: {  	s29 =	spop (v2sf);
	(v2sf) =	vpush v0, $0x5;
	_ =	sdelay $0x2  }
0x57: {  	s19 =	spop (v2sf);
	(v2sf) =	vpush v0, $0x6;
	_ =	sdelay $0x7  }
0x58: {  	s17 =	sand.u32 $0x1FFFFF80, s16  }
0x59: {  	s16 =	sand.u32 $0x70, s16;
	s17 =	sadd.s32 s3, s17  }
0x5a: {  	s28 =	sand.u32 $0x1FFFFF80, s26;
	s16 =	sadd.s32 s17, s16;
	s22 =	spop (v2sf);
	(v2sf) =	vpush v0, $0x7  }
0x5b: {  	[tilespmem:s7], [sflag:$0x1] =	stream.linear.gather [hbm4b:s16+s2], $0x80, $0x38;
	[tilespmem:$0x3C00] =	vst v63  }
0x5c: {  	s17 =	sadd.s32 s3, s28;
	s16 =	sand.u32 $0x70, s26;
	s25 =	spop (v2sf);
	(v2sf) =	vpush v0, $0x8  }
0x5d: {  	s18 =	rddreg [dreg:$0x5];
	s16 =	sadd.s32 s16, s17  }
0x5e: {  	[tilespmem:s18], [sflag:$0x1] =	stream.linear.gather [hbm4b:s16+s2], $0x80, $0x38;
	[tilespmem:$0x3C00] =	vst v63  }
0x5f: {  	s30 =	sand.u32 $0x1FFFFF80, s29;
	s16 =	sand.u32 $0x70, s29;
	s29 =	spop (v2sf);
	(v2sf) =	vpush v0, $0x9  }
0x60: {  	_ =	sdelay $0x2  }
0x61: {  	s17 =	sadd.s32 s3, s30  }
0x62: {  	s31 =	rddreg [dreg:$0x6];
	s20 =	sand.u32 $0x1FFFFF80, s19;
	s16 =	sadd.s32 s16, s17  }
0x63: {  	[tilespmem:s31], [sflag:$0x1] =	stream.linear.gather [hbm4b:s16+s2], $0x80, $0x38;
	[tilespmem:$0x3C00] =	vst v63  }
0x64: {  	s17 =	sadd.s32 s3, s20;
	s16 =	sand.u32 $0x70, s19  }
0x65: {  	s21 =	rddreg [dreg:$0x7];
	s16 =	sadd.s32 s16, s17  }
0x66: {  	[tilespmem:s21], [sflag:$0x1] =	stream.linear.gather [hbm4b:s16+s2], $0x80, $0x38;
	[tilespmem:$0x3C00] =	vst v63  }
0x67: {  	s23 =	sand.u32 $0x1FFFFF80, s22;
	s19 =	spop (v2sf);
	(v2sf) =	vpush v0, $0xA  }
0x68: {  	s24 =	rddreg [dreg:$0x8];
	s16 =	sand.u32 $0x70, s22;
	s17 =	sadd.s32 s3, s23  }
0x69: {  	s26 =	sand.u32 $0x1FFFFF80, s25;
	s16 =	sadd.s32 s16, s17;
	s22 =	spop (v2sf);
	(v2sf) =	vpush v0, $0xB  }
0x6a: {  	[tilespmem:s24], [sflag:$0x1] =	stream.linear.gather [hbm4b:s16+s2], $0x80, $0x38;
	[tilespmem:$0x3C00] =	vst v63  }
0x6b: {  	s28 =	rddreg [dreg:$0x9];
	s17 =	sadd.s32 s3, s26;
	s16 =	sand.u32 $0x70, s25  }
0x6c: {  	s30 =	sand.u32 $0x1FFFFF80, s29;
	s16 =	sadd.s32 s16, s17;
	s25 =	spop (v2sf);
	(v2sf) =	vpush v0, $0xC  }
0x6d: {  	[tilespmem:s28], [sflag:$0x1] =	stream.linear.gather [hbm4b:s16+s2], $0x80, $0x38;
	[tilespmem:$0x3C00] =	vst v63  }
0x6e: {  	s17 =	sadd.s32 s3, s30;
	s16 =	sand.u32 $0x70, s29  }
0x6f: {  	s31 =	rddreg [dreg:$0xa];
	s16 =	sadd.s32 s16, s17  }
0x70: {  	[tilespmem:s31], [sflag:$0x1] =	stream.linear.gather [hbm4b:s16+s2], $0x80, $0x38;
	[tilespmem:$0x3C00] =	vst v63  }
0x71: {  	s20 =	sand.u32 $0x1FFFFF80, s19  }
0x72: {  	s16 =	sand.u32 $0x70, s19;
	s17 =	sadd.s32 s3, s20  }
0x73: {  	s21 =	rddreg [dreg:$0xb];
	s23 =	sand.u32 $0x1FFFFF80, s22;
	s16 =	sadd.s32 s16, s17  }
0x74: {  	[tilespmem:s21], [sflag:$0x1] =	stream.linear.gather [hbm4b:s16+s2], $0x80, $0x38;
	[tilespmem:$0x3C00] =	vst v63  }
0x75: {  	s24 =	rddreg [dreg:$0xc];
	s17 =	sadd.s32 s3, s23;
	s16 =	sand.u32 $0x70, s22  }
0x76: {  	s26 =	sand.u32 $0x1FFFFF80, s25;
	s16 =	sadd.s32 s16, s17;
	s29 =	spop (v2sf);
	(v2sf) =	vpush v0, $0xD  }
0x77: {  	[tilespmem:s24], [sflag:$0x1] =	stream.linear.gather [hbm4b:s16+s2], $0x80, $0x38;
	[tilespmem:$0x3C00] =	vst v63  }
0x78: {  	s17 =	sadd.s32 s3, s26;
	s16 =	sand.u32 $0x70, s25;
	s19 =	spop (v2sf);
	(v2sf) =	vpush v0, $0xE  }
0x79: {  	s28 =	rddreg [dreg:$0xd];
	s16 =	sadd.s32 s16, s17  }
0x7a: {  	[tilespmem:s28], [sflag:$0x1] =	stream.linear.gather [hbm4b:s16+s2], $0x80, $0x38;
	[tilespmem:$0x3C00] =	vst v63  }
0x7b: {  	s30 =	sand.u32 $0x1FFFFF80, s29;
	s22 =	spop (v2sf);
	(v2sf) =	vpush v0, $0xF  }
0x7c: {  	s16 =	sand.u32 $0x70, s29;
	s17 =	sadd.s32 s3, s30  }
0x7d: {  	s31 =	rddreg [dreg:$0xe];
	s20 =	sand.u32 $0x1FFFFF80, s19;
	s16 =	sadd.s32 s16, s17  }
0x7e: {  	[tilespmem:s31], [sflag:$0x1] =	stream.linear.gather [hbm4b:s16+s2], $0x80, $0x38;
	[tilespmem:$0x3C00] =	vst v63  }
0x7f: {  	s17 =	sadd.s32 s3, s20;
	s16 =	sand.u32 $0x70, s19  }
0x80: {  	s21 =	rddreg [dreg:$0xf];
	s23 =	sand.u32 $0x1FFFFF80, s22;
	s16 =	sadd.s32 s16, s17  }
0x81: {  	[tilespmem:s21], [sflag:$0x1] =	stream.linear.gather [hbm4b:s16+s2], $0x80, $0x38;
	[tilespmem:$0x3C00] =	vst v63  }
0x82: {  	s17 =	sadd.s32 s3, s23;
	s16 =	sand.u32 $0x70, s22  }
0x83: {  	s24 =	rddreg [dreg:$0x10];
	s16 =	sadd.s32 s16, s17  }
0x84: {  	[tilespmem:s24], [sflag:$0x1] =	stream.linear.gather [hbm4b:s16+s2], $0x80, $0x38;
	[tilespmem:$0x3C00] =	vst v63  }
0x85: {  	s25 =	spop (v2sf)  }
0x86: {  	s26 =	sand.u32 $0x1FFFFF80, s25  }
0x87: {  	s16 =	sand.u32 $0x70, s25;
	s29 =	spop (v2sf);
	s17 =	sadd.s32 s3, s26  }
0x88: {  	s28 =	rddreg [dreg:$0x11];
	s30 =	sand.u32 $0x1FFFFF80, s29;
	s16 =	sadd.s32 s16, s17  }
0x89: {  	[tilespmem:s28], [sflag:$0x1] =	stream.linear.gather [hbm4b:s16+s2], $0x80, $0x38;
	[tilespmem:$0x3C00] =	vst v63  }
0x8a: {  	s19 =	spop (v2sf);
	s17 =	sadd.s32 s3, s30;
	s16 =	sand.u32 $0x70, s29  }
0x8b: {  	s31 =	rddreg [dreg:$0x12];
	s20 =	sand.u32 $0x1FFFFF80, s19;
	s16 =	sadd.s32 s16, s17  }
0x8c: {  	[tilespmem:s31], [sflag:$0x1] =	stream.linear.gather [hbm4b:s16+s2], $0x80, $0x38;
	[tilespmem:$0x3C00] =	vst v63  }
0x8d: {  	s17 =	sadd.s32 s3, s20;
	s16 =	sand.u32 $0x70, s19  }
0x8e: {  	s21 =	rddreg [dreg:$0x13];
	s16 =	sadd.s32 s16, s17  }
0x8f: {  	[tilespmem:s21], [sflag:$0x1] =	stream.linear.gather [hbm4b:s16+s2], $0x80, $0x38;
	[tilespmem:$0x3C00] =	vst v63  }
0x90: {  	v61 =	vld [tilespmem:s15+$0x10];
	_ =	sdelay $0x4  }
0x91: {  	v0 =	vshll.u32 v61, $0x4  }
0x92: {  	(v2sf) =	vpush v0, $0x0;
	_ =	sdelay $0x5  }
0x93: {  	(v2sf) =	vpush v0, $0x1;
	_ =	sdelay $0x2  }
0x94: {  	(v2sf) =	vpush v0, $0x2;
	_ =	sdelay $0x5  }
0x95: {  	s22 =	spop (v2sf);
	(v2sf) =	vpush v0, $0x3;
	_ =	sdelay $0x5  }
0x96: {  	s25 =	spop (v2sf);
	(v2sf) =	vpush v0, $0x4;
	_ =	sdelay $0x2  }
0x97: {  	s29 =	spop (v2sf);
	(v2sf) =	vpush v0, $0x5;
	_ =	sdelay $0x5  }
0x98: {  	s19 =	spop (v2sf);
	(v2sf) =	vpush v0, $0x6;
	_ =	sdelay $0x4  }
0x99: {  	s23 =	sand.u32 $0x1FFFFF80, s22  }
0x9a: {  	s16 =	sand.u32 $0x70, s22;
	s17 =	sadd.s32 s3, s23;
	s22 =	spop (v2sf);
	(v2sf) =	vpush v0, $0x7  }
0x9b: {  	s24 =	rddreg [dreg:$0x14];
	s16 =	sadd.s32 s17, s16  }
0x9c: {  	[tilespmem:s24], [sflag:$0x1] =	stream.linear.gather [hbm4b:s16+s2], $0x80, $0x38;
	[tilespmem:$0x3C00] =	vst v63  }
0x9d: {  	s26 =	sand.u32 $0x1FFFFF80, s25;
	s16 =	sand.u32 $0x70, s25;
	s25 =	spop (v2sf);
	(v2sf) =	vpush v0, $0x8  }
0x9e: {  	_ =	sdelay $0x1  }
0x9f: {  	s17 =	sadd.s32 s3, s26  }
0xa0: {  	s28 =	rddreg [dreg:$0x15];
	s16 =	sadd.s32 s16, s17  }
0xa1: {  	[tilespmem:s28], [sflag:$0x1] =	stream.linear.gather [hbm4b:s16+s2], $0x80, $0x38;
	[tilespmem:$0x3C00] =	vst v63  }
0xa2: {  	s30 =	sand.u32 $0x1FFFFF80, s29;
	s16 =	sand.u32 $0x70, s29;
	s29 =	spop (v2sf);
	(v2sf) =	vpush v0, $0x9  }
0xa3: {  	s17 =	sadd.s32 s3, s30  }
0xa4: {  	s31 =	rddreg [dreg:$0x16];
	s16 =	sadd.s32 s16, s17  }
0xa5: {  	[tilespmem:s31], [sflag:$0x1] =	stream.linear.gather [hbm4b:s16+s2], $0x80, $0x38;
	[tilespmem:$0x3C00] =	vst v63  }
0xa6: {  	s20 =	sand.u32 $0x1FFFFF80, s19  }
0xa7: {  	s21 =	rddreg [dreg:$0x17];
	s16 =	sand.u32 $0x70, s19;
	s17 =	sadd.s32 s3, s20  }
0xa8: {  	s23 =	sand.u32 $0x1FFFFF80, s22;
	s16 =	sadd.s32 s16, s17;
	s19 =	spop (v2sf);
	(v2sf) =	vpush v0, $0xA  }
0xa9: {  	[tilespmem:s21], [sflag:$0x1] =	stream.linear.gather [hbm4b:s16+s2], $0x80, $0x38;
	[tilespmem:$0x3C00] =	vst v63  }
0xaa: {  	s24 =	rddreg [dreg:$0x18];
	s17 =	sadd.s32 s3, s23;
	s16 =	sand.u32 $0x70, s22  }
0xab: {  	s26 =	sand.u32 $0x1FFFFF80, s25;
	s16 =	sadd.s32 s16, s17;
	s22 =	spop (v2sf);
	(v2sf) =	vpush v0, $0xB  }
0xac: {  	[tilespmem:s24], [sflag:$0x1] =	stream.linear.gather [hbm4b:s16+s2], $0x80, $0x38;
	[tilespmem:$0x3C00] =	vst v63  }
0xad: {  	s17 =	sadd.s32 s3, s26;
	s16 =	sand.u32 $0x70, s25  }
0xae: {  	s28 =	rddreg [dreg:$0x19];
	s16 =	sadd.s32 s16, s17  }
0xaf: {  	[tilespmem:s28], [sflag:$0x1] =	stream.linear.gather [hbm4b:s16+s2], $0x80, $0x38;
	[tilespmem:$0x3C00] =	vst v63  }
0xb0: {  	s30 =	sand.u32 $0x1FFFFF80, s29  }
0xb1: {  	s16 =	sand.u32 $0x70, s29;
	s17 =	sadd.s32 s3, s30;
	s25 =	spop (v2sf);
	(v2sf) =	vpush v0, $0xC  }
0xb2: {  	s31 =	rddreg [dreg:$0x1a];
	s20 =	sand.u32 $0x1FFFFF80, s19;
	s16 =	sadd.s32 s16, s17  }
0xb3: {  	[tilespmem:s31], [sflag:$0x1] =	stream.linear.gather [hbm4b:s16+s2], $0x80, $0x38;
	[tilespmem:$0x3C00] =	vst v63  }
0xb4: {  	s17 =	sadd.s32 s3, s20;
	s16 =	sand.u32 $0x70, s19  }
0xb5: {  	s21 =	rddreg [dreg:$0x1b];
	s23 =	sand.u32 $0x1FFFFF80, s22;
	s16 =	sadd.s32 s16, s17  }
0xb6: {  	[tilespmem:s21], [sflag:$0x1] =	stream.linear.gather [hbm4b:s16+s2], $0x80, $0x38;
	[tilespmem:$0x3C00] =	vst v63  }
0xb7: {  	s17 =	sadd.s32 s3, s23;
	s16 =	sand.u32 $0x70, s22;
	s29 =	spop (v2sf);
	(v2sf) =	vpush v0, $0xD  }
0xb8: {  	s24 =	rddreg [dreg:$0x1c];
	s16 =	sadd.s32 s16, s17  }
0xb9: {  	[tilespmem:s24], [sflag:$0x1] =	stream.linear.gather [hbm4b:s16+s2], $0x80, $0x38;
	[tilespmem:$0x3C00] =	vst v63  }
0xba: {  	s19 =	spop (v2sf);
	(v2sf) =	vpush v0, $0xE  }
0xbb: {  	s26 =	sand.u32 $0x1FFFFF80, s25  }
0xbc: {  	s16 =	sand.u32 $0x70, s25;
	s17 =	sadd.s32 s3, s26  }
0xbd: {  	s28 =	rddreg [dreg:$0x1d];
	s30 =	sand.u32 $0x1FFFFF80, s29;
	s16 =	sadd.s32 s16, s17  }
0xbe: {  	[tilespmem:s28], [sflag:$0x1] =	stream.linear.gather [hbm4b:s16+s2], $0x80, $0x38;
	[tilespmem:$0x3C00] =	vst v63  }
0xbf: {  	s31 =	rddreg [dreg:$0x1e];
	s17 =	sadd.s32 s3, s30;
	s16 =	sand.u32 $0x70, s29  }
0xc0: {  	s20 =	sand.u32 $0x1FFFFF80, s19;
	s16 =	sadd.s32 s16, s17;
	s22 =	spop (v2sf);
	(v2sf) =	vpush v0, $0xF  }
0xc1: {  	[tilespmem:s31], [sflag:$0x1] =	stream.linear.gather [hbm4b:s16+s2], $0x80, $0x38;
	[tilespmem:$0x3C00] =	vst v63  }
0xc2: {  	s17 =	sadd.s32 s3, s20;
	s16 =	sand.u32 $0x70, s19  }
0xc3: {  	s21 =	rddreg [dreg:$0x1f];
	s16 =	sadd.s32 s16, s17  }
0xc4: {  	[tilespmem:s21], [sflag:$0x1] =	stream.linear.gather [hbm4b:s16+s2], $0x80, $0x38;
	[tilespmem:$0x3C00] =	vst v63  }
0xc5: {  	s24 =	sld [smem:$0x7DB];
	s23 =	sand.u32 $0x1FFFFF80, s22  }
0xc6: {  	s16 =	sand.u32 $0x70, s22;
	s25 =	spop (v2sf);
	s17 =	sadd.s32 s3, s23  }
0xc7: {  	s28 =	sld [smem:$0x7DC];
	s26 =	sand.u32 $0x1FFFFF80, s25;
	s16 =	sadd.s32 s16, s17  }
0xc8: {  	[tilespmem:s24], [sflag:$0x1] =	stream.linear.gather [hbm4b:s16+s2], $0x80, $0x38;
	[tilespmem:$0x3C00] =	vst v63  }
0xc9: {  	s29 =	spop (v2sf);
	s17 =	sadd.s32 s3, s26;
	s16 =	sand.u32 $0x70, s25  }
0xca: {  	s31 =	sld [smem:$0x7DD];
	s30 =	sand.u32 $0x1FFFFF80, s29;
	s16 =	sadd.s32 s16, s17  }
0xcb: {  	[tilespmem:s28], [sflag:$0x1] =	stream.linear.gather [hbm4b:s16+s2], $0x80, $0x38;
	[tilespmem:$0x3C00] =	vst v63  }
0xcc: {  	s17 =	sadd.s32 s3, s30;
	s16 =	sand.u32 $0x70, s29  }
0xcd: {  	s16 =	sadd.s32 s16, s17  }
0xce: {  	[tilespmem:s31], [sflag:$0x1] =	stream.linear.gather [hbm4b:s16+s2], $0x80, $0x38;
	[tilespmem:$0x3C00] =	vst v63  }
0xcf: {  	s19 =	spop (v2sf)  }
0xd0: {  	s21 =	sld [smem:$0x7DE];
	s20 =	sand.u32 $0x1FFFFF80, s19  }
0xd1: {  	s16 =	sand.u32 $0x70, s19;
	s17 =	sadd.s32 s3, s20  }
0xd2: {  	s16 =	sadd.s32 s16, s17  }
0xd3: {  	[tilespmem:s21], [sflag:$0x1] =	stream.linear.gather [hbm4b:s16+s2], $0x80, $0x38;
	[tilespmem:$0x3C00] =	vst v63  }
0xd4: {  	_ =	swait.ge [sflag:s8], $0x400  }
0xd5: {  	[sflag:s8] =	ssyncset.done $0x0  }
0xd6: {  	[sflag:s8] =	ssyncadd.s32 $0xFFFFFC00  }
0xd7: {  	_ =	swait.ge [sflag:s8], $0x400  }
0xd8: {  	[sflag:s8] =	ssyncset.done $0x0  }
0xd9: {  	[sflag:s8] =	ssyncadd.s32 $0xFFFFFC00  }
0xda: {  	_ =	swait.ge [sflag:s8], $0x400  }
0xdb: {  	[sflag:s8] =	ssyncset.done $0x0  }
0xdc: {  	[sflag:s8] =	ssyncadd.s32 $0xFFFFFC00  }
0xdd: {  	_ =	swait.ge [sflag:s8], $0x400  }
0xde: {  	s22 =	rddreg [dreg:$0x3];
	[sflag:s8] =	ssyncset.done $0x0  }
0xdf: {  	[sflag:s8] =	ssyncadd.s32 $0xFFFFFC00;
	s16 =	sadd.s32 s14, s22  }
0xe0: {  	[hbm4b:s16+s2] =	stream.linear.scatter [tilespmem:s7], [sflag:$0x3], $0x1000, $0x38;
	[tilespmem:$0x3C00] =	vst v63  }
0xe1: {  	s16 =	simm.s32 @!p0 $0x4  }
0xe2: {  	_ =	swait.ge @!p0 [sflag:s16], $0x1000  }
0xe3: {  	[sflag:s16] =	ssyncset.done @!p0 $0x0  }
0xe4: {  	[sflag:s16] =	ssyncadd.s32 @!p0 $0xFFFFF000  }
0xe5: {  	v62 =	vld [tilespmem:s15+$0x80];
	_ =	sdelay $0x4  }
0xe6: {  	v0 =	vshll.u32 v62, $0x4  }
0xe7: {  	(v2sf) =	vpush v0, $0x0;
	_ =	sdelay $0x5  }
0xe8: {  	(v2sf) =	vpush v0, $0x1;
	_ =	sdelay $0x2  }
0xe9: {  	(v2sf) =	vpush v0, $0x2;
	_ =	sdelay $0x5  }
0xea: {  	s23 =	spop (v2sf);
	(v2sf) =	vpush v0, $0x3;
	_ =	sdelay $0x5  }
0xeb: {  	s25 =	spop (v2sf);
	(v2sf) =	vpush v0, $0x4;
	_ =	sdelay $0x2  }
0xec: {  	s29 =	spop (v2sf);
	(v2sf) =	vpush v0, $0x5;
	_ =	sdelay $0x5  }
0xed: {  	s19 =	spop (v2sf);
	(v2sf) =	vpush v0, $0x6;
	_ =	sdelay $0x4  }
0xee: {  	s24 =	sand.u32 $0x1FFFFF80, s23  }
0xef: {  	s16 =	sand.u32 $0x70, s23;
	s17 =	sadd.s32 s3, s24;
	s22 =	spop (v2sf);
	(v2sf) =	vpush v0, $0x7  }
0xf0: {  	s16 =	sadd.s32 s17, s16  }
0xf1: {  	[tilespmem:s9], [sflag:$0x2] =	stream.linear.gather [hbm4b:s16+s2], $0x80, $0x38;
	[tilespmem:$0x3C00] =	vst v63  }
0xf2: {  	s26 =	sand.u32 $0x1FFFFF80, s25;
	s16 =	sand.u32 $0x70, s25;
	s25 =	spop (v2sf);
	(v2sf) =	vpush v0, $0x8  }
0xf3: {  	_ = 	snop  }
0xf4: {  	s28 =	sld [smem:$0x7DF]  }
0xf5: {  	s17 =	sadd.s32 s3, s26  }
0xf6: {  	s31 =	sld [smem:$0x7E0];
	s16 =	sadd.s32 s16, s17  }
0xf7: {  	[tilespmem:s28], [sflag:$0x2] =	stream.linear.gather [hbm4b:s16+s2], $0x80, $0x38;
	[tilespmem:$0x3C00] =	vst v63  }
0xf8: {  	s30 =	sand.u32 $0x1FFFFF80, s29;
	s16 =	sand.u32 $0x70, s29;
	s29 =	spop (v2sf);
	(v2sf) =	vpush v0, $0x9  }
0xf9: {  	s17 =	sadd.s32 s3, s30  }
0xfa: {  	s16 =	sadd.s32 s16, s17  }
0xfb: {  	[tilespmem:s31], [sflag:$0x2] =	stream.linear.gather [hbm4b:s16+s2], $0x80, $0x38;
	[tilespmem:$0x3C00] =	vst v63  }
0xfc: {  	s21 =	sld [smem:$0x7E1];
	s20 =	sand.u32 $0x1FFFFF80, s19  }
0xfd: {  	s24 =	sld [smem:$0x7E2];
	s16 =	sand.u32 $0x70, s19;
	s17 =	sadd.s32 s3, s20  }
0xfe: {  	s23 =	sand.u32 $0x1FFFFF80, s22;
	s16 =	sadd.s32 s16, s17;
	s19 =	spop (v2sf);
	(v2sf) =	vpush v0, $0xA  }
0xff: {  	[tilespmem:s21], [sflag:$0x2] =	stream.linear.gather [hbm4b:s16+s2], $0x80, $0x38;
	[tilespmem:$0x3C00] =	vst v63  }
0x100: {  	s28 =	sld [smem:$0x7E3];
	s17 =	sadd.s32 s3, s23;
	s16 =	sand.u32 $0x70, s22  }
0x101: {  	s26 =	sand.u32 $0x1FFFFF80, s25;
	s16 =	sadd.s32 s16, s17;
	s22 =	spop (v2sf);
	(v2sf) =	vpush v0, $0xB  }
0x102: {  	[tilespmem:s24], [sflag:$0x2] =	stream.linear.gather [hbm4b:s16+s2], $0x80, $0x38;
	[tilespmem:$0x3C00] =	vst v63  }
0x103: {  	s17 =	sadd.s32 s3, s26;
	s16 =	sand.u32 $0x70, s25  }
0x104: {  	s16 =	sadd.s32 s16, s17  }
0x105: {  	[tilespmem:s28], [sflag:$0x2] =	stream.linear.gather [hbm4b:s16+s2], $0x80, $0x38;
	[tilespmem:$0x3C00] =	vst v63  }
0x106: {  	s31 =	sld [smem:$0x7E4];
	s30 =	sand.u32 $0x1FFFFF80, s29  }
0x107: {  	s16 =	sand.u32 $0x70, s29;
	s17 =	sadd.s32 s3, s30;
	s25 =	spop (v2sf);
	(v2sf) =	vpush v0, $0xC  }
0x108: {  	s21 =	sld [smem:$0x7E5];
	s20 =	sand.u32 $0x1FFFFF80, s19;
	s16 =	sadd.s32 s16, s17  }
0x109: {  	[tilespmem:s31], [sflag:$0x2] =	stream.linear.gather [hbm4b:s16+s2], $0x80, $0x38;
	[tilespmem:$0x3C00] =	vst v63  }
0x10a: {  	s17 =	sadd.s32 s3, s20;
	s16 =	sand.u32 $0x70, s19  }
0x10b: {  	s24 =	sld [smem:$0x7E6];
	s23 =	sand.u32 $0x1FFFFF80, s22;
	s16 =	sadd.s32 s16, s17  }
0x10c: {  	[tilespmem:s21], [sflag:$0x2] =	stream.linear.gather [hbm4b:s16+s2], $0x80, $0x38;
	[tilespmem:$0x3C00] =	vst v63  }
0x10d: {  	s17 =	sadd.s32 s3, s23;
	s16 =	sand.u32 $0x70, s22;
	s29 =	spop (v2sf);
	(v2sf) =	vpush v0, $0xD  }
0x10e: {  	s16 =	sadd.s32 s16, s17  }
0x10f: {  	[tilespmem:s24], [sflag:$0x2] =	stream.linear.gather [hbm4b:s16+s2], $0x80, $0x38;
	[tilespmem:$0x3C00] =	vst v63  }
0x110: {  	s19 =	spop (v2sf);
	(v2sf) =	vpush v0, $0xE  }
0x111: {  	s28 =	sld [smem:$0x7E7];
	s26 =	sand.u32 $0x1FFFFF80, s25  }
0x112: {  	s16 =	sand.u32 $0x70, s25;
	s17 =	sadd.s32 s3, s26  }
0x113: {  	s31 =	sld [smem:$0x7E8];
	s30 =	sand.u32 $0x1FFFFF80, s29;
	s16 =	sadd.s32 s16, s17  }
0x114: {  	[tilespmem:s28], [sflag:$0x2] =	stream.linear.gather [hbm4b:s16+s2], $0x80, $0x38;
	[tilespmem:$0x3C00] =	vst v63  }
0x115: {  	s21 =	sld [smem:$0x7E9];
	s17 =	sadd.s32 s3, s30;
	s16 =	sand.u32 $0x70, s29  }
0x116: {  	s20 =	sand.u32 $0x1FFFFF80, s19;
	s16 =	sadd.s32 s16, s17;
	s22 =	spop (v2sf);
	(v2sf) =	vpush v0, $0xF  }
0x117: {  	[tilespmem:s31], [sflag:$0x2] =	stream.linear.gather [hbm4b:s16+s2], $0x80, $0x38;
	[tilespmem:$0x3C00] =	vst v63  }
0x118: {  	s17 =	sadd.s32 s3, s20;
	s16 =	sand.u32 $0x70, s19  }
0x119: {  	s16 =	sadd.s32 s16, s17  }
0x11a: {  	[tilespmem:s21], [sflag:$0x2] =	stream.linear.gather [hbm4b:s16+s2], $0x80, $0x38;
	[tilespmem:$0x3C00] =	vst v63  }
0x11b: {  	s24 =	sld [smem:$0x7EA];
	s23 =	sand.u32 $0x1FFFFF80, s22  }
0x11c: {  	s16 =	sand.u32 $0x70, s22;
	s25 =	spop (v2sf);
	s17 =	sadd.s32 s3, s23  }
0x11d: {  	s28 =	sld [smem:$0x7EB];
	s26 =	sand.u32 $0x1FFFFF80, s25;
	s16 =	sadd.s32 s16, s17  }
0x11e: {  	[tilespmem:s24], [sflag:$0x2] =	stream.linear.gather [hbm4b:s16+s2], $0x80, $0x38;
	[tilespmem:$0x3C00] =	vst v63  }
0x11f: {  	s29 =	spop (v2sf);
	s17 =	sadd.s32 s3, s26;
	s16 =	sand.u32 $0x70, s25  }
0x120: {  	s31 =	sld [smem:$0x7EC];
	s30 =	sand.u32 $0x1FFFFF80, s29;
	s16 =	sadd.s32 s16, s17  }
0x121: {  	[tilespmem:s28], [sflag:$0x2] =	stream.linear.gather [hbm4b:s16+s2], $0x80, $0x38;
	[tilespmem:$0x3C00] =	vst v63  }
0x122: {  	s17 =	sadd.s32 s3, s30;
	s16 =	sand.u32 $0x70, s29  }
0x123: {  	s16 =	sadd.s32 s16, s17  }
0x124: {  	[tilespmem:s31], [sflag:$0x2] =	stream.linear.gather [hbm4b:s16+s2], $0x80, $0x38;
	[tilespmem:$0x3C00] =	vst v63  }
0x125: {  	s19 =	spop (v2sf)  }
0x126: {  	s21 =	sld [smem:$0x7ED];
	s20 =	sand.u32 $0x1FFFFF80, s19  }
0x127: {  	s16 =	sand.u32 $0x70, s19;
	s17 =	sadd.s32 s3, s20  }
0x128: {  	s16 =	sadd.s32 s16, s17  }
0x129: {  	[tilespmem:s21], [sflag:$0x2] =	stream.linear.gather [hbm4b:s16+s2], $0x80, $0x38;
	[tilespmem:$0x3C00] =	vst v63  }
0x12a: {  	v63 =	vld [tilespmem:s15+$0x90];
	_ =	sdelay $0x4  }
0x12b: {  	v0 =	vshll.u32 v63, $0x4  }
0x12c: {  	(v2sf) =	vpush v0, $0x0;
	_ =	sdelay $0x4  }
0x12d: {  	(v2sf) =	vpush v0, $0x1  }
0x12e: {  	(v2sf) =	vpush v0, $0x2;
	_ =	sdelay $0x2  }
0x12f: {  	(v2sf) =	vpush v0, $0x3;
	_ =	sdelay $0x5  }
0x130: {  	s22 =	spop (v2sf);
	(v2sf) =	vpush v0, $0x4;
	_ =	sdelay $0x4  }
0x131: {  	s25 =	spop (v2sf)  }
0x132: {  	s29 =	spop (v2sf);
	(v2sf) =	vpush v0, $0x5;
	_ =	sdelay $0x2  }
0x133: {  	s18 =	spop (v2sf);
	(v2sf) =	vpush v0, $0x6;
	_ =	sdelay $0x3  }
0x134: {  	s24 =	sld [smem:$0x7EE];
	s23 =	sand.u32 $0x1FFFFF80, s22  }
0x135: {  	s28 =	sld [smem:$0x7EF];
	s15 =	sand.u32 $0x70, s22;
	s16 =	sadd.s32 s3, s23  }
0x136: {  	s26 =	sand.u32 $0x1FFFFF80, s25;
	s15 =	sadd.s32 s16, s15;
	s21 =	spop (v2sf);
	(v2sf) =	vpush v0, $0x7  }
0x137: {  	[tilespmem:s24], [sflag:$0x2] =	stream.linear.gather [hbm4b:s15+s2], $0x80, $0x38;
	[tilespmem:$0x3C00] =	vst v63  }
0x138: {  	s16 =	sadd.s32 s3, s26;
	s15 =	sand.u32 $0x70, s25  }
0x139: {  	s31 =	sld [smem:$0x7F0];
	s30 =	sand.u32 $0x1FFFFF80, s29;
	s15 =	sadd.s32 s15, s16  }
0x13a: {  	[tilespmem:s28], [sflag:$0x2] =	stream.linear.gather [hbm4b:s15+s2], $0x80, $0x38;
	[tilespmem:$0x3C00] =	vst v63  }
0x13b: {  	s20 =	sld [smem:$0x7F1];
	s16 =	sadd.s32 s3, s30;
	s15 =	sand.u32 $0x70, s29  }
0x13c: {  	s19 =	sand.u32 $0x1FFFFF80, s18;
	s15 =	sadd.s32 s15, s16;
	s24 =	spop (v2sf);
	(v2sf) =	vpush v0, $0x8  }
0x13d: {  	[tilespmem:s31], [sflag:$0x2] =	stream.linear.gather [hbm4b:s15+s2], $0x80, $0x38;
	[tilespmem:$0x3C00] =	vst v63  }
0x13e: {  	s16 =	sadd.s32 s3, s19;
	s15 =	sand.u32 $0x70, s18  }
0x13f: {  	s15 =	sadd.s32 s15, s16;
	s28 =	spop (v2sf);
	(v2sf) =	vpush v0, $0x9  }
0x140: {  	[tilespmem:s20], [sflag:$0x2] =	stream.linear.gather [hbm4b:s15+s2], $0x80, $0x38;
	[tilespmem:$0x3C00] =	vst v63  }
0x141: {  	s23 =	sld [smem:$0x7F2];
	s22 =	sand.u32 $0x1FFFFF80, s21  }
0x142: {  	s15 =	sand.u32 $0x70, s21;
	s16 =	sadd.s32 s3, s22  }
0x143: {  	s26 =	sld [smem:$0x7F3];
	s15 =	sadd.s32 s15, s16;
	s25 =	sand.u32 $0x1FFFFF80, s24  }
0x144: {  	[tilespmem:s23], [sflag:$0x2] =	stream.linear.gather [hbm4b:s15+s2], $0x80, $0x38;
	[tilespmem:$0x3C00] =	vst v63  }
0x145: {  	s16 =	sadd.s32 s3, s25;
	s15 =	sand.u32 $0x70, s24;
	s31 =	spop (v2sf);
	(v2sf) =	vpush v0, $0xA  }
0x146: {  	s30 =	sld [smem:$0x7F4];
	s29 =	sand.u32 $0x1FFFFF80, s28;
	s15 =	sadd.s32 s15, s16  }
0x147: {  	[tilespmem:s26], [sflag:$0x2] =	stream.linear.gather [hbm4b:s15+s2], $0x80, $0x38;
	(v2sf) =	vpush v0, $0xB;
	[tilespmem:$0x3C00] =	vst v63  }
0x148: {  	s16 =	sadd.s32 s3, s29;
	s15 =	sand.u32 $0x70, s28  }
0x149: {  	s15 =	sadd.s32 s15, s16  }
0x14a: {  	[tilespmem:s30], [sflag:$0x2] =	stream.linear.gather [hbm4b:s15+s2], $0x80, $0x38;
	[tilespmem:$0x3C00] =	vst v63  }
0x14b: {  	s19 =	spop (v2sf);
	(v2sf) =	vpush v0, $0xC  }
0x14c: {  	s18 =	sld [smem:$0x7F5];
	s17 =	sand.u32 $0x1FFFFF80, s31  }
0x14d: {  	s21 =	sld [smem:$0x7F6];
	s15 =	sand.u32 $0x70, s31;
	s16 =	sadd.s32 s3, s17  }
0x14e: {  	s15 =	sadd.s32 s15, s16;
	s20 =	sand.u32 $0x1FFFFF80, s19;
	s22 =	spop (v2sf);
	(v2sf) =	vpush v0, $0xD  }
0x14f: {  	[tilespmem:s18], [sflag:$0x2] =	stream.linear.gather [hbm4b:s15+s2], $0x80, $0x38;
	[tilespmem:$0x3C00] =	vst v63  }
0x150: {  	s16 =	sadd.s32 s3, s20;
	s15 =	sand.u32 $0x70, s19  }
0x151: {  	s24 =	sld [smem:$0x7F7];
	s23 =	sand.u32 $0x1FFFFF80, s22;
	s15 =	sadd.s32 s15, s16  }
0x152: {  	[tilespmem:s21], [sflag:$0x2] =	stream.linear.gather [hbm4b:s15+s2], $0x80, $0x38;
	[tilespmem:$0x3C00] =	vst v63  }
0x153: {  	s16 =	sadd.s32 s3, s23;
	s15 =	sand.u32 $0x70, s22  }
0x154: {  	s15 =	sadd.s32 s15, s16;
	s25 =	spop (v2sf);
	(v2sf) =	vpush v0, $0xE  }
0x155: {  	[tilespmem:s24], [sflag:$0x2] =	stream.linear.gather [hbm4b:s15+s2], $0x80, $0x38;
	[tilespmem:$0x3C00] =	vst v63  }
0x156: {  	s28 =	sld [smem:$0x7F8];
	s26 =	sand.u32 $0x1FFFFF80, s25;
	s29 =	spop (v2sf);
	(v2sf) =	vpush v0, $0xF  }
0x157: {  	s15 =	sand.u32 $0x70, s25;
	s16 =	sadd.s32 s3, s26  }
0x158: {  	s31 =	sld [smem:$0x7F9];
	s30 =	sand.u32 $0x1FFFFF80, s29;
	s15 =	sadd.s32 s15, s16  }
0x159: {  	[tilespmem:s28], [sflag:$0x2] =	stream.linear.gather [hbm4b:s15+s2], $0x80, $0x38;
	[tilespmem:$0x3C00] =	vst v63  }
0x15a: {  	s18 =	spop (v2sf);
	s16 =	sadd.s32 s3, s30;
	s15 =	sand.u32 $0x70, s29  }
0x15b: {  	s20 =	sld [smem:$0x7FA];
	s19 =	sand.u32 $0x1FFFFF80, s18;
	s15 =	sadd.s32 s15, s16  }
0x15c: {  	[tilespmem:s31], [sflag:$0x2] =	stream.linear.gather [hbm4b:s15+s2], $0x80, $0x38;
	[tilespmem:$0x3C00] =	vst v63  }
0x15d: {  	s21 =	spop (v2sf);
	s16 =	sand.u32 $0x70, s18;
	s15 =	sadd.s32 s3, s19  }
0x15e: {  	s23 =	sld [smem:$0x7FB];
	s22 =	sand.u32 $0x1FFFFF80, s21;
	s15 =	sadd.s32 s16, s15  }
0x15f: {  	[tilespmem:s20], [sflag:$0x2] =	stream.linear.gather [hbm4b:s15+s2], $0x80, $0x38;
	[tilespmem:$0x3C00] =	vst v63  }
0x160: {  	s16 =	sand.u32 $0x70, s21;
	s15 =	sadd.s32 s3, s22  }
0x161: {  	s15 =	sadd.s32 s16, s15  }
0x162: {  	[tilespmem:s23], [sflag:$0x2] =	stream.linear.gather [hbm4b:s15+s2], $0x80, $0x38;
	[tilespmem:$0x3C00] =	vst v63  }
0x163: {  	s24 =	spop (v2sf)  }
0x164: {  	s26 =	sld [smem:$0x7FC];
	s25 =	sand.u32 $0x1FFFFF80, s24  }
0x165: {  	s16 =	sand.u32 $0x70, s24;
	s28 =	spop (v2sf);
	s15 =	sadd.s32 s3, s25  }
0x166: {  	s30 =	sld [smem:$0x7FD];
	s29 =	sand.u32 $0x1FFFFF80, s28;
	s15 =	sadd.s32 s16, s15  }
0x167: {  	[tilespmem:s26], [sflag:$0x2] =	stream.linear.gather [hbm4b:s15+s2], $0x80, $0x38;
	[tilespmem:$0x3C00] =	vst v63  }
0x168: {  	s16 =	sadd.s32 s3, s29;
	s15 =	sand.u32 $0x70, s28  }
0x169: {  	s15 =	sadd.s32 s15, s16  }
0x16a: {  	[tilespmem:s30], [sflag:$0x2] =	stream.linear.gather [hbm4b:s15+s2], $0x80, $0x38;
	[tilespmem:$0x3C00] =	vst v63  }
0x16b: {  	_ =	swait.ge [sflag:s10], $0x400  }
0x16c: {  	[sflag:s10] =	ssyncset.done $0x0  }
0x16d: {  	[sflag:s10] =	ssyncadd.s32 $0xFFFFFC00  }
0x16e: {  	_ =	swait.ge [sflag:s10], $0x400  }
0x16f: {  	[sflag:s10] =	ssyncset.done $0x0  }
0x170: {  	[sflag:s10] =	ssyncadd.s32 $0xFFFFFC00  }
0x171: {  	_ =	swait.ge [sflag:s10], $0x400  }
0x172: {  	[sflag:s10] =	ssyncset.done $0x0  }
0x173: {  	[sflag:s10] =	ssyncadd.s32 $0xFFFFFC00  }
0x174: {  	_ =	swait.ge [sflag:s10], $0x400  }
0x175: {  	s31 =	rddreg [dreg:$0x4]  }
0x176: {  	s15 =	sadd.s32 s14, s31;
	s14 =	sadd.s32 $0x400, s14  }
0x177: {  	p0 =	sne.s32 s14, $0x6400  }
.Ltmp0:
0x178: {  	_ = 	snop;
	(pc) =	sbr.rel @p0 .LBB2_2-.Ltmp0, $4  }
0x179: {  	_ = 	snop  }
0x17a: {  	[sflag:s10] =	ssyncset.done $0x0  }
0x17b: {  	[sflag:s10] =	ssyncadd.s32 $0xFFFFFC00  }
0x17c: {  	[hbm4b:s15+s2] =	stream.linear.scatter [tilespmem:s9], [sflag:$0x4], $0x1000, $0x38;
	[tilespmem:$0x3C00] =	vst v63  }
0x17d: {  	s13 =	sadd.s32 $0x1, s13  }
0x17e: {  	_ =	swait.ge [sflag:s11], $0x1000;
	p0 =	sne.s32 s13, s5  }
.Ltmp1:
0x17f: {  	[sflag:s11] =	ssyncset.done $0x0;
	(pc) =	sbr.rel @p0 .LBB2_1-.Ltmp1, $4  }
0x180: {  	[sflag:s11] =	ssyncadd.s32 $0xFFFFF000  }
0x181: {  	_ =	swait.ge [sflag:s12], $0x1000  }
0x182: {  	[sflag:s12] =	ssyncset.done $0x0  }
0x183: {  	[sflag:s12] =	ssyncadd.s32 $0xFFFFF000  }
0x184: {  	_ =	sfence.sel $0x180000  }
0x185: {  	[bflag:$0x0] =	sbarrier.arrive $0xFFFF  }
0x186: {  	p0 =	sne.s32 s0, $0x0;
	_ =	strace $0x90000047  }
0x187: {  	s0 =	sadd.s32 @!p0 $0x100000, s1;
	[bflag:$0x2] =	sbarrier.arrive $0xFFFF  }
0x188: {  	[sflag:s0] =	ssyncadd.tile.s32 @!p0 $0x1;
	_ =	shalt  }
.Lfunc_end2:
_tile_overlayer_lowered:
.L_overlay_start_2:
0x189: {  	(tag) =	ssettag $0x2  }
0x18a: {  	s0 =	rddreg [dreg:$0x0];
	s2 =	stileid.u32  }
0x18b: {  	s1 =	rddreg [dreg:$0x1];
	p0 =	sne.s32 s2, $0x0  }
0x18c: {  	s3 =	rddreg [dreg:$0x2];
	[bflag:$0x3] =	sbarrier.arrive $0xFFFF;
	s2 =	simm.s32 @!p0 $0x1C05  }
0x18d: {  	[timem:s3], [sflag:s2] =	dma.local @!p0 [hbm:s0], s1  }
0x18e: {  	s0 =	simm.s32 @!p0 $0x5  }
0x18f: {  	_ =	swait.ge @!p0 [sflag:s0], s1  }
0x190: {  	s1 =	ssub.s32 @!p0 $0x0, s1;
	[sflag:s0] =	ssyncset.done @!p0 $0x0  }
0x191: {  	[sflag:s0] =	ssyncadd.s32 @!p0 s1  }
0x192: {  	[bflag:$0x3] =	sbarrier.arrive $0xFFFF  }
0x193: {  	_ =	shalt  }

</sc_bundles>
